<compile_context>
chip_gen: v7x
topology: tpu7x:2x2x1
jax: 0.10.2.dev20260603
libtpu: 0.0.44.dev20260713+nightly
codegen_flags: <defaults>
</compile_context>

<pallas_src>
import functools

import jax
import jax.numpy as jnp
from jax import lax
from jax.experimental import pallas as pl
from jax.experimental.pallas import tpu as pltpu
from jax.experimental.pallas import tpu_sc as plsc

N = 10000
E = 320000
D = 128
NG = 64
NC = 2
NS = 16
NW = NC * NS
CHUNK = 128
NP = 10112
ROWS_PER_TILE = NP // NS
CHUNKS_PER_W = 80
EP = NW * CHUNKS_PER_W * CHUNK
ER = EP // CHUNK



CH0 = 136
CH1 = 24
ROWS0 = NS * CH0
CHMAX = max(CH0, CH1)


def _agg_body(h, packed2d, zerosd, out, packed, uidx, rows, sem, acc):
    c = lax.axis_index("c")
    s = lax.axis_index("s")
    r0 = s * ROWS_PER_TILE
    tslc = pl.ds(r0, ROWS_PER_TILE)
    pltpu.sync_copy(zerosd.at[tslc], acc.at[tslc])

    @pl.when(c == 0)
    def _():
        pltpu.sync_copy(packed2d.at[pl.ds(s * CH0, CH0)],
                        packed.at[pl.ds(0, CH0)])

    @pl.when(c == 1)
    def _():
        pltpu.sync_copy(packed2d.at[pl.ds(ROWS0 + s * CH1, CH1)],
                        packed.at[pl.ds(0, CH1)])

    nch = jnp.where(c == 0, CH0, CH1)
    plsc.subcore_barrier()

    def body(j, carry):
        for k in range(CHUNK // 16):
            v = packed[j, pl.ds(k * 16, 16)]
            uidx[0, pl.ds(k * 16, 16)] = jnp.bitwise_and(v, 0x3FFF)
            uidx[1, pl.ds(k * 16, 16)] = v >> 14
        pltpu.async_copy(h.at[uidx.at[0]], rows, sem).wait()
        pltpu.sync_copy(rows, acc.at[uidx.at[1]], add=True)
        return carry

    lax.fori_loop(0, nch, body, 0)
    plsc.subcore_barrier()
    pltpu.sync_copy(acc.at[tslc], out.at[c, tslc])


_agg_sc = pl.kernel(
    _agg_body,
    mesh=plsc.VectorSubcoreMesh(core_axis_name="c", subcore_axis_name="s"),
    out_type=jax.ShapeDtypeStruct((NC, NP, D), jnp.float32),
    scratch_types=[
        pltpu.VMEM((CHMAX, CHUNK), jnp.int32),
        pltpu.VMEM((2, CHUNK), jnp.int32),
        pltpu.VMEM((CHUNK, D), jnp.float32),
        pltpu.SemaphoreType.DMA,
        pltpu.VMEM_SHARED((NP, D), jnp.float32),
    ],
)



EB = 6400
GSTEPS = E // EB
NQ = NP // CHUNK + 1


def _hist_body(d_ref, out_ref):
    @pl.when(pl.program_id(0) == 0)
    def _():
        out_ref[...] = jnp.zeros_like(out_ref)

    d = d_ref[...]
    q = jnp.floor(d * (1.0 / CHUNK))
    r = d - q * CHUNK
    qi = lax.broadcasted_iota(jnp.int32, (1, NQ), 1).astype(jnp.float32)
    ri = lax.broadcasted_iota(jnp.int32, (1, CHUNK), 1).astype(jnp.float32)
    ohq = jnp.where(q == qi, 1.0, 0.0)
    ohr = jnp.where(r == ri, 1.0, 0.0)
    out_ref[...] += lax.dot_general(ohq, ohr, (((0,), (0,)), ((), ())),
                                    preferred_element_type=jnp.float32)


_hist_tc = pl.pallas_call(
    _hist_body,
    grid=(GSTEPS,),
    in_specs=[pl.BlockSpec((EB, 1), lambda i: (i, 0))],
    out_specs=pl.BlockSpec((NQ, CHUNK), lambda i: (0, 0)),
    out_shape=jax.ShapeDtypeStruct((NQ, CHUNK), jnp.float32),
)


def _f32_dot(a, b):
    a_hi = a.astype(jnp.bfloat16).astype(jnp.float32)
    a_lo = a - a_hi
    b_hi = b.astype(jnp.bfloat16).astype(jnp.float32)
    b_lo = b - b_hi
    return (jnp.dot(a_hi, b_hi, preferred_element_type=jnp.float32)
            + jnp.dot(a_hi, b_lo, preferred_element_type=jnp.float32)
            + jnp.dot(a_lo, b_hi, preferred_element_type=jnp.float32))


def _pre_body(x_ref, w_ref, b_ref, deg_ref, h_ref, dinv_ref):
    dinv = lax.rsqrt(deg_ref[...] + 1.0)
    dinv_ref[...] = dinv
    h = jnp.dot(x_ref[...], w_ref[...], preferred_element_type=jnp.float32)
    h_ref[...] = (h + b_ref[...]) * dinv


def _mid_body(p_ref, hin_ref, dinv_ref, w_ref, b_ref, h_ref):
    dinv = dinv_ref[...]
    xl = jnp.maximum((p_ref[0] + p_ref[1] + hin_ref[...]) * dinv, 0.0)
    h = _f32_dot(xl, w_ref[...])
    h_ref[...] = (h + b_ref[...]) * dinv


def _post_body(p_ref, hin_ref, dinv_ref, batch_ref, wp1_ref, bp1_ref,
               wp2_ref, bp2_ref, out_ref):
    xl = jnp.maximum((p_ref[0] + p_ref[1] + hin_ref[...]) * dinv_ref[...], 0.0)
    seg = lax.broadcasted_iota(jnp.int32, (NG, 1), 0).astype(jnp.float32)
    oht = jnp.where(batch_ref[...] == seg, 1.0, 0.0)
    pool = _f32_dot(oht, xl)
    cnt = jnp.sum(oht, axis=1, keepdims=True)
    pool = pool / jnp.clip(cnt, 1.0, None)
    hid = jnp.maximum(_f32_dot(pool, wp1_ref[...]) + bp1_ref[...], 0.0)
    out_ref[...] = _f32_dot(hid, wp2_ref[...]) + bp2_ref[...]


def _tc_call(body, out_shape):
    return pl.pallas_call(body, out_shape=out_shape)


_pre_tc = _tc_call(_pre_body, (jax.ShapeDtypeStruct((NP, D), jnp.float32),
                               jax.ShapeDtypeStruct((NP, 1), jnp.float32)))
_mid_tc = _tc_call(_mid_body, jax.ShapeDtypeStruct((NP, D), jnp.float32))
_post_tc = _tc_call(_post_body, jax.ShapeDtypeStruct((NG, 1), jnp.float32))



def kernel(x, edge_index, batch, W0, b0, W1, b1, W2, b2, Wp1, bp1, Wp2, bp2):
    src = edge_index[0].astype(jnp.int32)
    dst = edge_index[1].astype(jnp.int32)
    npad = EP - E
    trash = N + jnp.arange(npad, dtype=jnp.int32) % (NP - N)
    src_p = jnp.concatenate([src, jnp.zeros((npad,), jnp.int32)])
    dst_p = jnp.concatenate([dst, trash])
    packed2d = (src_p | (dst_p << 14)).reshape(ER, CHUNK)
    xp = jnp.pad(x, ((0, NP - N), (0, 0)))
    batchf = jnp.pad(batch.astype(jnp.float32), (0, NP - N),
                     constant_values=float(NG)).reshape(1, NP)

    zerosd = jnp.zeros((NP, D), jnp.float32)
    hist = _hist_tc(dst.astype(jnp.float32).reshape(E, 1))
    deg = hist.reshape(NQ * CHUNK)[:NP].reshape(NP, 1)
    h0, dinv = _pre_tc(xp, W0, b0.reshape(1, D), deg)
    p0 = _agg_sc(h0, packed2d, zerosd)
    h1 = _mid_tc(p0, h0, dinv, W1, b1.reshape(1, D))
    p1 = _agg_sc(h1, packed2d, zerosd)
    h2 = _mid_tc(p1, h1, dinv, W2, b2.reshape(1, D))
    p2 = _agg_sc(h2, packed2d, zerosd)
    out = _post_tc(p2, h2, dinv, batchf, Wp1, bp1.reshape(1, D),
                   Wp2, bp2.reshape(1, 1))
    return out[:, 0]

# --- scband reference (transcript-rebuilt; emitter-appended) ---
"""Pipeline reference for scband-graph-regressor-67095979098760 (READ-ONLY COPY).

The authoritative reference and input builder live on the scoring server;
editing this copy changes nothing except your own understanding.
"""

import jax, jax.numpy as jnp
import numpy as np


def setup_inputs(seed: int = 0) -> dict:
    key = jax.random.key(seed)
    ks = jax.random.split(key, 16)
    n, e, d, h = 10000, 320000, 128, 128
    x = jax.random.normal(ks[0], (n, d), dtype=jnp.float32)
    edge_index = jax.random.randint(ks[1], (2, e), 0, n, dtype=jnp.int64)
    batch = jnp.sort(jax.random.randint(ks[2], (n,), 0, 64, dtype=jnp.int64))
    s = 0.1
    W0 = jax.random.normal(ks[3], (d, h), dtype=jnp.float32) * s
    b0 = jax.random.normal(ks[4], (h,), dtype=jnp.float32) * s
    W1 = jax.random.normal(ks[5], (h, h), dtype=jnp.float32) * s
    b1 = jax.random.normal(ks[6], (h,), dtype=jnp.float32) * s
    W2 = jax.random.normal(ks[7], (h, h), dtype=jnp.float32) * s
    b2 = jax.random.normal(ks[8], (h,), dtype=jnp.float32) * s
    Wp1 = jax.random.normal(ks[9], (h, h), dtype=jnp.float32) * s
    bp1 = jax.random.normal(ks[10], (h,), dtype=jnp.float32) * s
    Wp2 = jax.random.normal(ks[11], (h, 1), dtype=jnp.float32) * s
    bp2 = jax.random.normal(ks[12], (1,), dtype=jnp.float32) * s
    return {"x": x, "edge_index": edge_index, "batch": batch,
            "W0": W0, "b0": b0, "W1": W1, "b1": b1, "W2": W2, "b2": b2,
            "Wp1": Wp1, "bp1": bp1, "Wp2": Wp2, "bp2": bp2}


def reference(x, edge_index, batch, W0, b0, W1, b1, W2, b2, Wp1, bp1, Wp2, bp2):
    n = x.shape[0]
    src, dst = edge_index[0], edge_index[1]
    loop = jnp.arange(n, dtype=edge_index.dtype)
    src_a = jnp.concatenate([src, loop])
    dst_a = jnp.concatenate([dst, loop])
    deg = jnp.zeros((n,), dtype=x.dtype).at[dst_a].add(jnp.ones((dst_a.shape[0],), dtype=x.dtype))
    norm = jnp.power(deg[src_a] * deg[dst_a], -0.5)
    norm = jnp.where(jnp.isinf(norm), 0.0, norm)
    for (W, b) in ((W0, b0), (W1, b1), (W2, b2)):
        h = x @ W + b
        msg = h[src_a] * norm[:, None]
        out = jnp.zeros((n, h.shape[1]), dtype=x.dtype).at[dst_a].add(msg)
        x = jax.nn.relu(out)
    ng = 64
    pool = jax.ops.segment_sum(x, batch, num_segments=ng)
    cnt = jax.ops.segment_sum(jnp.ones((n,), dtype=x.dtype), batch, num_segments=ng)
    pool = pool / jnp.clip(cnt, 1.0, None)[:, None]
    hidden = jax.nn.relu(pool @ Wp1 + bp1)
    out = hidden @ Wp2 + bp2
    return jnp.squeeze(out, axis=-1)

if __name__ == "__main__":
    import jax
    _d = setup_inputs()
    print(jax.jit(kernel)(*tuple(_d.values())))

</pallas_src>

<mosaic_0001>
#map = affine_map<(d0, d1) -> (0, 0)>
#map1 = affine_map<(d0, d1) -> (0, 0, 0)>
module attributes {stable_mosaic.version = 14 : i64} {
  func.func @_agg_body(%arg0: i32, %arg1: i32, %arg2: memref<10112x128xf32, #tpu.memory_space<hbm>>, %arg3: memref<2560x128xi32, #tpu.memory_space<hbm>>, %arg4: memref<10112x128xf32, #tpu.memory_space<hbm>>, %arg5: memref<2x10112x128xf32, #tpu.memory_space<hbm>>, %arg6: memref<136x128xi32, #tpu.memory_space<vmem>>, %arg7: memref<2x128xi32, #tpu.memory_space<vmem>>, %arg8: memref<128x128xf32, #tpu.memory_space<vmem>>, %arg9: memref<!tpu.dma_semaphore, #tpu.memory_space<semaphore_mem>>, %arg10: memref<10112x128xf32, #tpu.memory_space<vmem_shared>>) attributes {dimension_semantics = [#tpu.dimension_semantics<core_parallel>, #tpu.dimension_semantics<subcore_parallel>], iteration_bounds = array<i64: 2, 16>, scalar_prefetch = 0 : i64, scratch_operands = 5 : i64, tpu.core_type = #tpu.core_type<sc_vector_subcore>, window_params = [{transform_indices = #map}, {transform_indices = #map}, {transform_indices = #map}, {transform_indices = #map1}]} {
    %mul3A = arith.constant 632 : i32
    %mul3A_0 = arith.muli %arg1, %mul3A : i32
    "tpu.region"() ({
      %run_scoped3A = tpu.sem_alloc : memref<!tpu.dma_semaphore, #tpu.memory_space<semaphore_mem>>
      %dma_start3A = arith.constant 0 : i32
      %dma_start3A_21 = tpu.memref_slice %arg10[%mul3A_0, %dma_start3A] : memref<10112x128xf32, #tpu.memory_space<vmem_shared>> -> memref<632x128xf32, #tpu.memory_space<vmem_shared>>
      %dma_start3A_22 = arith.constant 0 : i32
      %dma_start3A_23 = tpu.memref_slice %arg4[%mul3A_0, %dma_start3A_22] : memref<10112x128xf32, #tpu.memory_space<hbm>> -> memref<632x128xf32, #tpu.memory_space<hbm>>
      tpu.enqueue_dma source(%dma_start3A_23 : memref<632x128xf32, #tpu.memory_space<hbm>>) target(%dma_start3A_21 : memref<632x128xf32, #tpu.memory_space<vmem_shared>>) target_semaphore(%run_scoped3A : memref<!tpu.dma_semaphore, #tpu.memory_space<semaphore_mem>>)
      %dma_wait3A = arith.constant 0 : i32
      %dma_wait3A_24 = tpu.memref_slice %arg10[%mul3A_0, %dma_wait3A] : memref<10112x128xf32, #tpu.memory_space<vmem_shared>> -> memref<632x128xf32, #tpu.memory_space<vmem_shared>>
      %dma_wait3A_25 = arith.constant 0 : i32
      %dma_wait3A_26 = tpu.memref_slice %arg4[%mul3A_0, %dma_wait3A_25] : memref<10112x128xf32, #tpu.memory_space<hbm>> -> memref<632x128xf32, #tpu.memory_space<hbm>>
      tpu.wait_dma2 semaphore(%run_scoped3A : memref<!tpu.dma_semaphore, #tpu.memory_space<semaphore_mem>>) src(%dma_wait3A_26 : memref<632x128xf32, #tpu.memory_space<hbm>>) dst(%dma_wait3A_24 : memref<632x128xf32, #tpu.memory_space<vmem_shared>>)
      tpu.yield
    }) : () -> ()
    %eq3A = arith.constant 0 : i32
    %eq3A_1 = arith.cmpi eq, %arg0, %eq3A : i32
    %convert_element_type3A = arith.extui %eq3A_1 : i1 to i32
    %cond3A = arith.constant 0 : i32
    %cond3A_2 = arith.cmpi ne, %convert_element_type3A, %cond3A : i32
    scf.if %cond3A_2 {
      %mul3A_21 = arith.constant 136 : i32
      %mul3A_22 = arith.muli %arg1, %mul3A_21 : i32
      "tpu.region"() ({
        %run_scoped3A = tpu.sem_alloc : memref<!tpu.dma_semaphore, #tpu.memory_space<semaphore_mem>>
        %dma_start3A = arith.constant 0 : i32
        %dma_start3A_23 = arith.constant 0 : i32
        %dma_start3A_24 = tpu.memref_slice %arg6[%dma_start3A, %dma_start3A_23] : memref<136x128xi32, #tpu.memory_space<vmem>> -> memref<136x128xi32, #tpu.memory_space<vmem>>
        %dma_start3A_25 = arith.constant 0 : i32
        %dma_start3A_26 = tpu.memref_slice %arg3[%mul3A_22, %dma_start3A_25] : memref<2560x128xi32, #tpu.memory_space<hbm>> -> memref<136x128xi32, #tpu.memory_space<hbm>>
        %dma_start3A_27 = arith.constant 0 : i32
        %dma_start3A_28 = arith.constant 0 : i32
        %dma_start3A_29 = tpu.memref_slice %arg6[%dma_start3A_27, %dma_start3A_28] : memref<136x128xi32, #tpu.memory_space<vmem>> -> memref<136x128xi32, #tpu.memory_space<vmem>>
        %dma_start3A_30 = arith.constant 0 : i32
        %dma_start3A_31 = tpu.memref_slice %arg3[%mul3A_22, %dma_start3A_30] : memref<2560x128xi32, #tpu.memory_space<hbm>> -> memref<136x128xi32, #tpu.memory_space<hbm>>
        tpu.enqueue_dma source(%dma_start3A_31 : memref<136x128xi32, #tpu.memory_space<hbm>>) target(%dma_start3A_29 : memref<136x128xi32, #tpu.memory_space<vmem>>) target_semaphore(%run_scoped3A : memref<!tpu.dma_semaphore, #tpu.memory_space<semaphore_mem>>)
        %dma_wait3A = arith.constant 0 : i32
        %dma_wait3A_32 = arith.constant 0 : i32
        %dma_wait3A_33 = tpu.memref_slice %arg6[%dma_wait3A, %dma_wait3A_32] : memref<136x128xi32, #tpu.memory_space<vmem>> -> memref<136x128xi32, #tpu.memory_space<vmem>>
        %dma_wait3A_34 = arith.constant 0 : i32
        %dma_wait3A_35 = tpu.memref_slice %arg3[%mul3A_22, %dma_wait3A_34] : memref<2560x128xi32, #tpu.memory_space<hbm>> -> memref<136x128xi32, #tpu.memory_space<hbm>>
        %dma_wait3A_36 = arith.constant 0 : i32
        %dma_wait3A_37 = arith.constant 0 : i32
        %dma_wait3A_38 = tpu.memref_slice %arg6[%dma_wait3A_36, %dma_wait3A_37] : memref<136x128xi32, #tpu.memory_space<vmem>> -> memref<136x128xi32, #tpu.memory_space<vmem>>
        %dma_wait3A_39 = arith.constant 0 : i32
        %dma_wait3A_40 = tpu.memref_slice %arg3[%mul3A_22, %dma_wait3A_39] : memref<2560x128xi32, #tpu.memory_space<hbm>> -> memref<136x128xi32, #tpu.memory_space<hbm>>
        tpu.wait_dma2 semaphore(%run_scoped3A : memref<!tpu.dma_semaphore, #tpu.memory_space<semaphore_mem>>) src(%dma_wait3A_40 : memref<136x128xi32, #tpu.memory_space<hbm>>) dst(%dma_wait3A_38 : memref<136x128xi32, #tpu.memory_space<vmem>>)
        tpu.yield
      }) : () -> ()
    } else {
    }
    %eq3A_3 = arith.constant 1 : i32
    %eq3A_4 = arith.cmpi eq, %arg0, %eq3A_3 : i32
    %convert_element_type3A_5 = arith.extui %eq3A_4 : i1 to i32
    %cond3A_6 = arith.constant 0 : i32
    %cond3A_7 = arith.cmpi ne, %convert_element_type3A_5, %cond3A_6 : i32
    scf.if %cond3A_7 {
      %mul3A_21 = arith.constant 24 : i32
      %mul3A_22 = arith.muli %arg1, %mul3A_21 : i32
      %add3A = arith.constant 2176 : i32
      %add3A_23 = arith.addi %add3A, %mul3A_22 : i32
      "tpu.region"() ({
        %run_scoped3A = tpu.sem_alloc : memref<!tpu.dma_semaphore, #tpu.memory_space<semaphore_mem>>
        %dma_start3A = arith.constant 0 : i32
        %dma_start3A_24 = arith.constant 0 : i32
        %dma_start3A_25 = tpu.memref_slice %arg6[%dma_start3A, %dma_start3A_24] : memref<136x128xi32, #tpu.memory_space<vmem>> -> memref<24x128xi32, #tpu.memory_space<vmem>>
        %dma_start3A_26 = arith.constant 0 : i32
        %dma_start3A_27 = tpu.memref_slice %arg3[%add3A_23, %dma_start3A_26] : memref<2560x128xi32, #tpu.memory_space<hbm>> -> memref<24x128xi32, #tpu.memory_space<hbm>>
        %dma_start3A_28 = arith.constant 0 : i32
        %dma_start3A_29 = arith.constant 0 : i32
        %dma_start3A_30 = tpu.memref_slice %arg6[%dma_start3A_28, %dma_start3A_29] : memref<136x128xi32, #tpu.memory_space<vmem>> -> memref<24x128xi32, #tpu.memory_space<vmem>>
        %dma_start3A_31 = arith.constant 0 : i32
        %dma_start3A_32 = tpu.memref_slice %arg3[%add3A_23, %dma_start3A_31] : memref<2560x128xi32, #tpu.memory_space<hbm>> -> memref<24x128xi32, #tpu.memory_space<hbm>>
        tpu.enqueue_dma source(%dma_start3A_32 : memref<24x128xi32, #tpu.memory_space<hbm>>) target(%dma_start3A_30 : memref<24x128xi32, #tpu.memory_space<vmem>>) target_semaphore(%run_scoped3A : memref<!tpu.dma_semaphore, #tpu.memory_space<semaphore_mem>>)
        %dma_wait3A = arith.constant 0 : i32
        %dma_wait3A_33 = arith.constant 0 : i32
        %dma_wait3A_34 = tpu.memref_slice %arg6[%dma_wait3A, %dma_wait3A_33] : memref<136x128xi32, #tpu.memory_space<vmem>> -> memref<24x128xi32, #tpu.memory_space<vmem>>
        %dma_wait3A_35 = arith.constant 0 : i32
        %dma_wait3A_36 = tpu.memref_slice %arg3[%add3A_23, %dma_wait3A_35] : memref<2560x128xi32, #tpu.memory_space<hbm>> -> memref<24x128xi32, #tpu.memory_space<hbm>>
        %dma_wait3A_37 = arith.constant 0 : i32
        %dma_wait3A_38 = arith.constant 0 : i32
        %dma_wait3A_39 = tpu.memref_slice %arg6[%dma_wait3A_37, %dma_wait3A_38] : memref<136x128xi32, #tpu.memory_space<vmem>> -> memref<24x128xi32, #tpu.memory_space<vmem>>
        %dma_wait3A_40 = arith.constant 0 : i32
        %dma_wait3A_41 = tpu.memref_slice %arg3[%add3A_23, %dma_wait3A_40] : memref<2560x128xi32, #tpu.memory_space<hbm>> -> memref<24x128xi32, #tpu.memory_space<hbm>>
        tpu.wait_dma2 semaphore(%run_scoped3A : memref<!tpu.dma_semaphore, #tpu.memory_space<semaphore_mem>>) src(%dma_wait3A_41 : memref<24x128xi32, #tpu.memory_space<hbm>>) dst(%dma_wait3A_39 : memref<24x128xi32, #tpu.memory_space<vmem>>)
        tpu.yield
      }) : () -> ()
    } else {
    }
    %eq3A_8 = arith.constant 0 : i32
    %eq3A_9 = arith.cmpi eq, %arg0, %eq3A_8 : i32
    %jit3A = arith.constant 136 : i32
    %jit3A_10 = arith.constant 24 : i32
    %select_n3A = arith.select %eq3A_9, %jit3A, %jit3A_10 : i32
    %barrier3A = arith.constant 0 : index
    tpu.barrier barrier_id(%barrier3A)
    %while3A = arith.constant 0 : i32
    %while3A_11 = arith.constant 0 : i32
    %while3A_12 = arith.subi %select_n3A, %while3A_11 : i32
    %while3A_13 = arith.addi %while3A_11, %while3A_12 : i32
    %while3A_14 = arith.constant 1 : i32
    %while3A_15 = arith.divsi %while3A_12, %while3A_14 : i32
    %while3A_16 = arith.muli %while3A_15, %while3A_14 : i32
    %while3A_17 = arith.addi %while3A_11, %while3A_16 : i32
    %while3A_18 = arith.constant 1 : i32
    scf.for %while3A_21 = %while3A_11 to %while3A_17 step %while3A_18  : i32 {
      %get3A = arith.index_cast %while3A_21 : i32 to index
      %get3A_22 = arith.constant 0 : index
      %get3A_23 = tpu.vector_load %arg6[%get3A, %get3A_22] {strides = array<i32>} : memref<136x128xi32, #tpu.memory_space<vmem>>, vector<1x16xi32>,
      %get3A_24 = vector.shape_cast %get3A_23 : vector<1x16xi32> to vector<16xi32>
      %and3A = arith.constant 16383 : i32
      %and3A_25 = vector.broadcast %and3A : i32 to vector<16xi32>
      %and3A_26 = arith.andi %get3A_24, %and3A_25 : vector<16xi32>
      %swap3A = arith.constant 0 : i32
      %swap3A_27 = arith.index_cast %swap3A : i32 to index
      %swap3A_28 = arith.constant 0 : index
      %swap3A_29 = tpu.vector_load %arg7[%swap3A_27, %swap3A_28] {strides = array<i32>} : memref<2x128xi32, #tpu.memory_space<vmem>>, vector<1x16xi32>,
      %swap3A_30 = vector.shape_cast %swap3A_29 : vector<1x16xi32> to vector<16xi32>
      %swap3A_31 = vector.shape_cast %and3A_26 : vector<16xi32> to vector<1x16xi32>
      tpu.vector_store %arg7[%swap3A_27, %swap3A_28], %swap3A_31 {strides = array<i32>} : memref<2x128xi32, #tpu.memory_space<vmem>>, vector<1x16xi32>,
      %shift_right_arithmetic3A = arith.constant 14 : i32
      %shift_right_arithmetic3A_32 = vector.broadcast %shift_right_arithmetic3A : i32 to vector<16xi32>
      %shift_right_arithmetic3A_33 = arith.shrsi %get3A_24, %shift_right_arithmetic3A_32 : vector<16xi32>
      %swap3A_34 = arith.constant 1 : i32
      %swap3A_35 = arith.index_cast %swap3A_34 : i32 to index
      %swap3A_36 = arith.constant 0 : index
      %swap3A_37 = tpu.vector_load %arg7[%swap3A_35, %swap3A_36] {strides = array<i32>} : memref<2x128xi32, #tpu.memory_space<vmem>>, vector<1x16xi32>,
      %swap3A_38 = vector.shape_cast %swap3A_37 : vector<1x16xi32> to vector<16xi32>
      %swap3A_39 = vector.shape_cast %shift_right_arithmetic3A_33 : vector<16xi32> to vector<1x16xi32>
      tpu.vector_store %arg7[%swap3A_35, %swap3A_36], %swap3A_39 {strides = array<i32>} : memref<2x128xi32, #tpu.memory_space<vmem>>, vector<1x16xi32>,
      %get3A_40 = arith.index_cast %while3A_21 : i32 to index
      %get3A_41 = arith.constant 16 : index
      %get3A_42 = tpu.vector_load %arg6[%get3A_40, %get3A_41] {strides = array<i32>} : memref<136x128xi32, #tpu.memory_space<vmem>>, vector<1x16xi32>,
      %get3A_43 = vector.shape_cast %get3A_42 : vector<1x16xi32> to vector<16xi32>
      %and3A_44 = arith.constant 16383 : i32
      %and3A_45 = vector.broadcast %and3A_44 : i32 to vector<16xi32>
      %and3A_46 = arith.andi %get3A_43, %and3A_45 : vector<16xi32>
      %swap3A_47 = arith.constant 0 : i32
      %swap3A_48 = arith.index_cast %swap3A_47 : i32 to index
      %swap3A_49 = arith.constant 16 : index
      %swap3A_50 = tpu.vector_load %arg7[%swap3A_48, %swap3A_49] {strides = array<i32>} : memref<2x128xi32, #tpu.memory_space<vmem>>, vector<1x16xi32>,
      %swap3A_51 = vector.shape_cast %swap3A_50 : vector<1x16xi32> to vector<16xi32>
      %swap3A_52 = vector.shape_cast %and3A_46 : vector<16xi32> to vector<1x16xi32>
      tpu.vector_store %arg7[%swap3A_48, %swap3A_49], %swap3A_52 {strides = array<i32>} : memref<2x128xi32, #tpu.memory_space<vmem>>, vector<1x16xi32>,
      %shift_right_arithmetic3A_53 = arith.constant 14 : i32
      %shift_right_arithmetic3A_54 = vector.broadcast %shift_right_arithmetic3A_53 : i32 to vector<16xi32>
      %shift_right_arithmetic3A_55 = arith.shrsi %get3A_43, %shift_right_arithmetic3A_54 : vector<16xi32>
      %swap3A_56 = arith.constant 1 : i32
      %swap3A_57 = arith.index_cast %swap3A_56 : i32 to index
      %swap3A_58 = arith.constant 16 : index
      %swap3A_59 = tpu.vector_load %arg7[%swap3A_57, %swap3A_58] {strides = array<i32>} : memref<2x128xi32, #tpu.memory_space<vmem>>, vector<1x16xi32>,
      %swap3A_60 = vector.shape_cast %swap3A_59 : vector<1x16xi32> to vector<16xi32>
      %swap3A_61 = vector.shape_cast %shift_right_arithmetic3A_55 : vector<16xi32> to vector<1x16xi32>
      tpu.vector_store %arg7[%swap3A_57, %swap3A_58], %swap3A_61 {strides = array<i32>} : memref<2x128xi32, #tpu.memory_space<vmem>>, vector<1x16xi32>,
      %get3A_62 = arith.index_cast %while3A_21 : i32 to index
      %get3A_63 = arith.constant 32 : index
      %get3A_64 = tpu.vector_load %arg6[%get3A_62, %get3A_63] {strides = array<i32>} : memref<136x128xi32, #tpu.memory_space<vmem>>, vector<1x16xi32>,
      %get3A_65 = vector.shape_cast %get3A_64 : vector<1x16xi32> to vector<16xi32>
      %and3A_66 = arith.constant 16383 : i32
      %and3A_67 = vector.broadcast %and3A_66 : i32 to vector<16xi32>
      %and3A_68 = arith.andi %get3A_65, %and3A_67 : vector<16xi32>
      %swap3A_69 = arith.constant 0 : i32
      %swap3A_70 = arith.index_cast %swap3A_69 : i32 to index
      %swap3A_71 = arith.constant 32 : index
      %swap3A_72 = tpu.vector_load %arg7[%swap3A_70, %swap3A_71] {strides = array<i32>} : memref<2x128xi32, #tpu.memory_space<vmem>>, vector<1x16xi32>,
      %swap3A_73 = vector.shape_cast %swap3A_72 : vector<1x16xi32> to vector<16xi32>
      %swap3A_74 = vector.shape_cast %and3A_68 : vector<16xi32> to vector<1x16xi32>
      tpu.vector_store %arg7[%swap3A_70, %swap3A_71], %swap3A_74 {strides = array<i32>} : memref<2x128xi32, #tpu.memory_space<vmem>>, vector<1x16xi32>,
      %shift_right_arithmetic3A_75 = arith.constant 14 : i32
      %shift_right_arithmetic3A_76 = vector.broadcast %shift_right_arithmetic3A_75 : i32 to vector<16xi32>
      %shift_right_arithmetic3A_77 = arith.shrsi %get3A_65, %shift_right_arithmetic3A_76 : vector<16xi32>
      %swap3A_78 = arith.constant 1 : i32
      %swap3A_79 = arith.index_cast %swap3A_78 : i32 to index
      %swap3A_80 = arith.constant 32 : index
      %swap3A_81 = tpu.vector_load %arg7[%swap3A_79, %swap3A_80] {strides = array<i32>} : memref<2x128xi32, #tpu.memory_space<vmem>>, vector<1x16xi32>,
      %swap3A_82 = vector.shape_cast %swap3A_81 : vector<1x16xi32> to vector<16xi32>
      %swap3A_83 = vector.shape_cast %shift_right_arithmetic3A_77 : vector<16xi32> to vector<1x16xi32>
      tpu.vector_store %arg7[%swap3A_79, %swap3A_80], %swap3A_83 {strides = array<i32>} : memref<2x128xi32, #tpu.memory_space<vmem>>, vector<1x16xi32>,
      %get3A_84 = arith.index_cast %while3A_21 : i32 to index
      %get3A_85 = arith.constant 48 : index
      %get3A_86 = tpu.vector_load %arg6[%get3A_84, %get3A_85] {strides = array<i32>} : memref<136x128xi32, #tpu.memory_space<vmem>>, vector<1x16xi32>,
      %get3A_87 = vector.shape_cast %get3A_86 : vector<1x16xi32> to vector<16xi32>
      %and3A_88 = arith.constant 16383 : i32
      %and3A_89 = vector.broadcast %and3A_88 : i32 to vector<16xi32>
      %and3A_90 = arith.andi %get3A_87, %and3A_89 : vector<16xi32>
      %swap3A_91 = arith.constant 0 : i32
      %swap3A_92 = arith.index_cast %swap3A_91 : i32 to index
      %swap3A_93 = arith.constant 48 : index
      %swap3A_94 = tpu.vector_load %arg7[%swap3A_92, %swap3A_93] {strides = array<i32>} : memref<2x128xi32, #tpu.memory_space<vmem>>, vector<1x16xi32>,
      %swap3A_95 = vector.shape_cast %swap3A_94 : vector<1x16xi32> to vector<16xi32>
      %swap3A_96 = vector.shape_cast %and3A_90 : vector<16xi32> to vector<1x16xi32>
      tpu.vector_store %arg7[%swap3A_92, %swap3A_93], %swap3A_96 {strides = array<i32>} : memref<2x128xi32, #tpu.memory_space<vmem>>, vector<1x16xi32>,
      %shift_right_arithmetic3A_97 = arith.constant 14 : i32
      %shift_right_arithmetic3A_98 = vector.broadcast %shift_right_arithmetic3A_97 : i32 to vector<16xi32>
      %shift_right_arithmetic3A_99 = arith.shrsi %get3A_87, %shift_right_arithmetic3A_98 : vector<16xi32>
      %swap3A_100 = arith.constant 1 : i32
      %swap3A_101 = arith.index_cast %swap3A_100 : i32 to index
      %swap3A_102 = arith.constant 48 : index
      %swap3A_103 = tpu.vector_load %arg7[%swap3A_101, %swap3A_102] {strides = array<i32>} : memref<2x128xi32, #tpu.memory_space<vmem>>, vector<1x16xi32>,
      %swap3A_104 = vector.shape_cast %swap3A_103 : vector<1x16xi32> to vector<16xi32>
      %swap3A_105 = vector.shape_cast %shift_right_arithmetic3A_99 : vector<16xi32> to vector<1x16xi32>
      tpu.vector_store %arg7[%swap3A_101, %swap3A_102], %swap3A_105 {strides = array<i32>} : memref<2x128xi32, #tpu.memory_space<vmem>>, vector<1x16xi32>,
      %get3A_106 = arith.index_cast %while3A_21 : i32 to index
      %get3A_107 = arith.constant 64 : index
      %get3A_108 = tpu.vector_load %arg6[%get3A_106, %get3A_107] {strides = array<i32>} : memref<136x128xi32, #tpu.memory_space<vmem>>, vector<1x16xi32>,
      %get3A_109 = vector.shape_cast %get3A_108 : vector<1x16xi32> to vector<16xi32>
      %and3A_110 = arith.constant 16383 : i32
      %and3A_111 = vector.broadcast %and3A_110 : i32 to vector<16xi32>
      %and3A_112 = arith.andi %get3A_109, %and3A_111 : vector<16xi32>
      %swap3A_113 = arith.constant 0 : i32
      %swap3A_114 = arith.index_cast %swap3A_113 : i32 to index
      %swap3A_115 = arith.constant 64 : index
      %swap3A_116 = tpu.vector_load %arg7[%swap3A_114, %swap3A_115] {strides = array<i32>} : memref<2x128xi32, #tpu.memory_space<vmem>>, vector<1x16xi32>,
      %swap3A_117 = vector.shape_cast %swap3A_116 : vector<1x16xi32> to vector<16xi32>
      %swap3A_118 = vector.shape_cast %and3A_112 : vector<16xi32> to vector<1x16xi32>
      tpu.vector_store %arg7[%swap3A_114, %swap3A_115], %swap3A_118 {strides = array<i32>} : memref<2x128xi32, #tpu.memory_space<vmem>>, vector<1x16xi32>,
      %shift_right_arithmetic3A_119 = arith.constant 14 : i32
      %shift_right_arithmetic3A_120 = vector.broadcast %shift_right_arithmetic3A_119 : i32 to vector<16xi32>
      %shift_right_arithmetic3A_121 = arith.shrsi %get3A_109, %shift_right_arithmetic3A_120 : vector<16xi32>
      %swap3A_122 = arith.constant 1 : i32
      %swap3A_123 = arith.index_cast %swap3A_122 : i32 to index
      %swap3A_124 = arith.constant 64 : index
      %swap3A_125 = tpu.vector_load %arg7[%swap3A_123, %swap3A_124] {strides = array<i32>} : memref<2x128xi32, #tpu.memory_space<vmem>>, vector<1x16xi32>,
      %swap3A_126 = vector.shape_cast %swap3A_125 : vector<1x16xi32> to vector<16xi32>
      %swap3A_127 = vector.shape_cast %shift_right_arithmetic3A_121 : vector<16xi32> to vector<1x16xi32>
      tpu.vector_store %arg7[%swap3A_123, %swap3A_124], %swap3A_127 {strides = array<i32>} : memref<2x128xi32, #tpu.memory_space<vmem>>, vector<1x16xi32>,
      %get3A_128 = arith.index_cast %while3A_21 : i32 to index
      %get3A_129 = arith.constant 80 : index
      %get3A_130 = tpu.vector_load %arg6[%get3A_128, %get3A_129] {strides = array<i32>} : memref<136x128xi32, #tpu.memory_space<vmem>>, vector<1x16xi32>,
      %get3A_131 = vector.shape_cast %get3A_130 : vector<1x16xi32> to vector<16xi32>
      %and3A_132 = arith.constant 16383 : i32
      %and3A_133 = vector.broadcast %and3A_132 : i32 to vector<16xi32>
      %and3A_134 = arith.andi %get3A_131, %and3A_133 : vector<16xi32>
      %swap3A_135 = arith.constant 0 : i32
      %swap3A_136 = arith.index_cast %swap3A_135 : i32 to index
      %swap3A_137 = arith.constant 80 : index
      %swap3A_138 = tpu.vector_load %arg7[%swap3A_136, %swap3A_137] {strides = array<i32>} : memref<2x128xi32, #tpu.memory_space<vmem>>, vector<1x16xi32>,
      %swap3A_139 = vector.shape_cast %swap3A_138 : vector<1x16xi32> to vector<16xi32>
      %swap3A_140 = vector.shape_cast %and3A_134 : vector<16xi32> to vector<1x16xi32>
      tpu.vector_store %arg7[%swap3A_136, %swap3A_137], %swap3A_140 {strides = array<i32>} : memref<2x128xi32, #tpu.memory_space<vmem>>, vector<1x16xi32>,
      %shift_right_arithmetic3A_141 = arith.constant 14 : i32
      %shift_right_arithmetic3A_142 = vector.broadcast %shift_right_arithmetic3A_141 : i32 to vector<16xi32>
      %shift_right_arithmetic3A_143 = arith.shrsi %get3A_131, %shift_right_arithmetic3A_142 : vector<16xi32>
      %swap3A_144 = arith.constant 1 : i32
      %swap3A_145 = arith.index_cast %swap3A_144 : i32 to index
      %swap3A_146 = arith.constant 80 : index
      %swap3A_147 = tpu.vector_load %arg7[%swap3A_145, %swap3A_146] {strides = array<i32>} : memref<2x128xi32, #tpu.memory_space<vmem>>, vector<1x16xi32>,
      %swap3A_148 = vector.shape_cast %swap3A_147 : vector<1x16xi32> to vector<16xi32>
      %swap3A_149 = vector.shape_cast %shift_right_arithmetic3A_143 : vector<16xi32> to vector<1x16xi32>
      tpu.vector_store %arg7[%swap3A_145, %swap3A_146], %swap3A_149 {strides = array<i32>} : memref<2x128xi32, #tpu.memory_space<vmem>>, vector<1x16xi32>,
      %get3A_150 = arith.index_cast %while3A_21 : i32 to index
      %get3A_151 = arith.constant 96 : index
      %get3A_152 = tpu.vector_load %arg6[%get3A_150, %get3A_151] {strides = array<i32>} : memref<136x128xi32, #tpu.memory_space<vmem>>, vector<1x16xi32>,
      %get3A_153 = vector.shape_cast %get3A_152 : vector<1x16xi32> to vector<16xi32>
      %and3A_154 = arith.constant 16383 : i32
      %and3A_155 = vector.broadcast %and3A_154 : i32 to vector<16xi32>
      %and3A_156 = arith.andi %get3A_153, %and3A_155 : vector<16xi32>
      %swap3A_157 = arith.constant 0 : i32
      %swap3A_158 = arith.index_cast %swap3A_157 : i32 to index
      %swap3A_159 = arith.constant 96 : index
      %swap3A_160 = tpu.vector_load %arg7[%swap3A_158, %swap3A_159] {strides = array<i32>} : memref<2x128xi32, #tpu.memory_space<vmem>>, vector<1x16xi32>,
      %swap3A_161 = vector.shape_cast %swap3A_160 : vector<1x16xi32> to vector<16xi32>
      %swap3A_162 = vector.shape_cast %and3A_156 : vector<16xi32> to vector<1x16xi32>
      tpu.vector_store %arg7[%swap3A_158, %swap3A_159], %swap3A_162 {strides = array<i32>} : memref<2x128xi32, #tpu.memory_space<vmem>>, vector<1x16xi32>,
      %shift_right_arithmetic3A_163 = arith.constant 14 : i32
      %shift_right_arithmetic3A_164 = vector.broadcast %shift_right_arithmetic3A_163 : i32 to vector<16xi32>
      %shift_right_arithmetic3A_165 = arith.shrsi %get3A_153, %shift_right_arithmetic3A_164 : vector<16xi32>
      %swap3A_166 = arith.constant 1 : i32
      %swap3A_167 = arith.index_cast %swap3A_166 : i32 to index
      %swap3A_168 = arith.constant 96 : index
      %swap3A_169 = tpu.vector_load %arg7[%swap3A_167, %swap3A_168] {strides = array<i32>} : memref<2x128xi32, #tpu.memory_space<vmem>>, vector<1x16xi32>,
      %swap3A_170 = vector.shape_cast %swap3A_169 : vector<1x16xi32> to vector<16xi32>
      %swap3A_171 = vector.shape_cast %shift_right_arithmetic3A_165 : vector<16xi32> to vector<1x16xi32>
      tpu.vector_store %arg7[%swap3A_167, %swap3A_168], %swap3A_171 {strides = array<i32>} : memref<2x128xi32, #tpu.memory_space<vmem>>, vector<1x16xi32>,
      %get3A_172 = arith.index_cast %while3A_21 : i32 to index
      %get3A_173 = arith.constant 112 : index
      %get3A_174 = tpu.vector_load %arg6[%get3A_172, %get3A_173] {strides = array<i32>} : memref<136x128xi32, #tpu.memory_space<vmem>>, vector<1x16xi32>,
      %get3A_175 = vector.shape_cast %get3A_174 : vector<1x16xi32> to vector<16xi32>
      %and3A_176 = arith.constant 16383 : i32
      %and3A_177 = vector.broadcast %and3A_176 : i32 to vector<16xi32>
      %and3A_178 = arith.andi %get3A_175, %and3A_177 : vector<16xi32>
      %swap3A_179 = arith.constant 0 : i32
      %swap3A_180 = arith.index_cast %swap3A_179 : i32 to index
      %swap3A_181 = arith.constant 112 : index
      %swap3A_182 = tpu.vector_load %arg7[%swap3A_180, %swap3A_181] {strides = array<i32>} : memref<2x128xi32, #tpu.memory_space<vmem>>, vector<1x16xi32>,
      %swap3A_183 = vector.shape_cast %swap3A_182 : vector<1x16xi32> to vector<16xi32>
      %swap3A_184 = vector.shape_cast %and3A_178 : vector<16xi32> to vector<1x16xi32>
      tpu.vector_store %arg7[%swap3A_180, %swap3A_181], %swap3A_184 {strides = array<i32>} : memref<2x128xi32, #tpu.memory_space<vmem>>, vector<1x16xi32>,
      %shift_right_arithmetic3A_185 = arith.constant 14 : i32
      %shift_right_arithmetic3A_186 = vector.broadcast %shift_right_arithmetic3A_185 : i32 to vector<16xi32>
      %shift_right_arithmetic3A_187 = arith.shrsi %get3A_175, %shift_right_arithmetic3A_186 : vector<16xi32>
      %swap3A_188 = arith.constant 1 : i32
      %swap3A_189 = arith.index_cast %swap3A_188 : i32 to index
      %swap3A_190 = arith.constant 112 : index
      %swap3A_191 = tpu.vector_load %arg7[%swap3A_189, %swap3A_190] {strides = array<i32>} : memref<2x128xi32, #tpu.memory_space<vmem>>, vector<1x16xi32>,
      %swap3A_192 = vector.shape_cast %swap3A_191 : vector<1x16xi32> to vector<16xi32>
      %swap3A_193 = vector.shape_cast %shift_right_arithmetic3A_187 : vector<16xi32> to vector<1x16xi32>
      tpu.vector_store %arg7[%swap3A_189, %swap3A_190], %swap3A_193 {strides = array<i32>} : memref<2x128xi32, #tpu.memory_space<vmem>>, vector<1x16xi32>,
      %dma_start3A = arith.constant 0 : i32
      %dma_start3A_194 = arith.constant 0 : i32
      %dma_start3A_195 = tpu.memref_slice %arg7[%dma_start3A, %dma_start3A_194] : memref<2x128xi32, #tpu.memory_space<vmem>> -> memref<1x128xi32, #tpu.memory_space<vmem>>
      %dma_start3A_196 = tpu.memref_squeeze %dma_start3A_195 : memref<1x128xi32, #tpu.memory_space<vmem>> -> memref<128xi32, #tpu.memory_space<vmem>>
      %dma_start3A_197 = arith.constant 0 : i32
      %dma_start3A_198 = arith.constant 0 : i32
      %dma_start3A_199 = tpu.memref_slice %arg2[%dma_start3A_197, %dma_start3A_198] : memref<10112x128xf32, #tpu.memory_space<hbm>> -> memref<10112x128xf32, #tpu.memory_space<hbm>>
      tpu.enqueue_indirect_dma source(%dma_start3A_199 : memref<10112x128xf32, #tpu.memory_space<hbm>>) target(%arg8 : memref<128x128xf32, #tpu.memory_space<vmem>>) offsets(%dma_start3A_196 : memref<128xi32, #tpu.memory_space<vmem>>) semaphore(%arg9 : memref<!tpu.dma_semaphore, #tpu.memory_space<semaphore_mem>>)
      %dma_wait3A = arith.constant 0 : i32
      %dma_wait3A_200 = arith.constant 0 : i32
      %dma_wait3A_201 = tpu.memref_slice %arg7[%dma_wait3A, %dma_wait3A_200] : memref<2x128xi32, #tpu.memory_space<vmem>> -> memref<1x128xi32, #tpu.memory_space<vmem>>
      %dma_wait3A_202 = tpu.memref_squeeze %dma_wait3A_201 : memref<1x128xi32, #tpu.memory_space<vmem>> -> memref<128xi32, #tpu.memory_space<vmem>>
      %dma_wait3A_203 = arith.constant 0 : i32
      %dma_wait3A_204 = arith.constant 0 : i32
      %dma_wait3A_205 = tpu.memref_slice %arg2[%dma_wait3A_203, %dma_wait3A_204] : memref<10112x128xf32, #tpu.memory_space<hbm>> -> memref<10112x128xf32, #tpu.memory_space<hbm>>
      tpu.wait_indirect_dma semaphore(%arg9 : memref<!tpu.dma_semaphore, #tpu.memory_space<semaphore_mem>>) src(%dma_wait3A_205 : memref<10112x128xf32, #tpu.memory_space<hbm>>) dst(%arg8 : memref<128x128xf32, #tpu.memory_space<vmem>>)
      %run_scoped3A = arith.constant 1 : i32
      "tpu.region"() ({
        %run_scoped3A_206 = tpu.sem_alloc : memref<!tpu.dma_semaphore, #tpu.memory_space<semaphore_mem>>
        %dma_start3A_207 = arith.constant 0 : i32
        %dma_start3A_208 = tpu.memref_slice %arg7[%run_scoped3A, %dma_start3A_207] : memref<2x128xi32, #tpu.memory_space<vmem>> -> memref<1x128xi32, #tpu.memory_space<vmem>>
        %dma_start3A_209 = tpu.memref_squeeze %dma_start3A_208 : memref<1x128xi32, #tpu.memory_space<vmem>> -> memref<128xi32, #tpu.memory_space<vmem>>
        %dma_start3A_210 = arith.constant 0 : i32
        %dma_start3A_211 = arith.constant 0 : i32
        %dma_start3A_212 = tpu.memref_slice %arg10[%dma_start3A_210, %dma_start3A_211] : memref<10112x128xf32, #tpu.memory_space<vmem_shared>> -> memref<10112x128xf32, #tpu.memory_space<vmem_shared>>
        tpu.enqueue_indirect_dma source(%arg8 : memref<128x128xf32, #tpu.memory_space<vmem>>) target(%dma_start3A_212 : memref<10112x128xf32, #tpu.memory_space<vmem_shared>>) offsets(%dma_start3A_209 : memref<128xi32, #tpu.memory_space<vmem>>) semaphore(%run_scoped3A_206 : memref<!tpu.dma_semaphore, #tpu.memory_space<semaphore_mem>>) {add = true}
        %dma_wait3A_213 = arith.constant 0 : i32
        %dma_wait3A_214 = tpu.memref_slice %arg7[%run_scoped3A, %dma_wait3A_213] : memref<2x128xi32, #tpu.memory_space<vmem>> -> memref<1x128xi32, #tpu.memory_space<vmem>>
        %dma_wait3A_215 = tpu.memref_squeeze %dma_wait3A_214 : memref<1x128xi32, #tpu.memory_space<vmem>> -> memref<128xi32, #tpu.memory_space<vmem>>
        %dma_wait3A_216 = arith.constant 0 : i32
        %dma_wait3A_217 = arith.constant 0 : i32
        %dma_wait3A_218 = tpu.memref_slice %arg10[%dma_wait3A_216, %dma_wait3A_217] : memref<10112x128xf32, #tpu.memory_space<vmem_shared>> -> memref<10112x128xf32, #tpu.memory_space<vmem_shared>>
        tpu.wait_indirect_dma semaphore(%run_scoped3A_206 : memref<!tpu.dma_semaphore, #tpu.memory_space<semaphore_mem>>) src(%arg8 : memref<128x128xf32, #tpu.memory_space<vmem>>) dst(%dma_wait3A_218 : memref<10112x128xf32, #tpu.memory_space<vmem_shared>>)
        tpu.yield
      }) : () -> ()
    }
    %while3A_19 = arith.constant 1 : i32
    scf.for %while3A_21 = %while3A_17 to %while3A_13 step %while3A_19  : i32 {
      %get3A = arith.index_cast %while3A_21 : i32 to index
      %get3A_22 = arith.constant 0 : index
      %get3A_23 = tpu.vector_load %arg6[%get3A, %get3A_22] {strides = array<i32>} : memref<136x128xi32, #tpu.memory_space<vmem>>, vector<1x16xi32>,
      %get3A_24 = vector.shape_cast %get3A_23 : vector<1x16xi32> to vector<16xi32>
      %and3A = arith.constant 16383 : i32
      %and3A_25 = vector.broadcast %and3A : i32 to vector<16xi32>
      %and3A_26 = arith.andi %get3A_24, %and3A_25 : vector<16xi32>
      %swap3A = arith.constant 0 : i32
      %swap3A_27 = arith.index_cast %swap3A : i32 to index
      %swap3A_28 = arith.constant 0 : index
      %swap3A_29 = tpu.vector_load %arg7[%swap3A_27, %swap3A_28] {strides = array<i32>} : memref<2x128xi32, #tpu.memory_space<vmem>>, vector<1x16xi32>,
      %swap3A_30 = vector.shape_cast %swap3A_29 : vector<1x16xi32> to vector<16xi32>
      %swap3A_31 = vector.shape_cast %and3A_26 : vector<16xi32> to vector<1x16xi32>
      tpu.vector_store %arg7[%swap3A_27, %swap3A_28], %swap3A_31 {strides = array<i32>} : memref<2x128xi32, #tpu.memory_space<vmem>>, vector<1x16xi32>,
      %shift_right_arithmetic3A = arith.constant 14 : i32
      %shift_right_arithmetic3A_32 = vector.broadcast %shift_right_arithmetic3A : i32 to vector<16xi32>
      %shift_right_arithmetic3A_33 = arith.shrsi %get3A_24, %shift_right_arithmetic3A_32 : vector<16xi32>
      %swap3A_34 = arith.constant 1 : i32
      %swap3A_35 = arith.index_cast %swap3A_34 : i32 to index
      %swap3A_36 = arith.constant 0 : index
      %swap3A_37 = tpu.vector_load %arg7[%swap3A_35, %swap3A_36] {strides = array<i32>} : memref<2x128xi32, #tpu.memory_space<vmem>>, vector<1x16xi32>,
      %swap3A_38 = vector.shape_cast %swap3A_37 : vector<1x16xi32> to vector<16xi32>
      %swap3A_39 = vector.shape_cast %shift_right_arithmetic3A_33 : vector<16xi32> to vector<1x16xi32>
      tpu.vector_store %arg7[%swap3A_35, %swap3A_36], %swap3A_39 {strides = array<i32>} : memref<2x128xi32, #tpu.memory_space<vmem>>, vector<1x16xi32>,
      %get3A_40 = arith.index_cast %while3A_21 : i32 to index
      %get3A_41 = arith.constant 16 : index
      %get3A_42 = tpu.vector_load %arg6[%get3A_40, %get3A_41] {strides = array<i32>} : memref<136x128xi32, #tpu.memory_space<vmem>>, vector<1x16xi32>,
      %get3A_43 = vector.shape_cast %get3A_42 : vector<1x16xi32> to vector<16xi32>
      %and3A_44 = arith.constant 16383 : i32
      %and3A_45 = vector.broadcast %and3A_44 : i32 to vector<16xi32>
      %and3A_46 = arith.andi %get3A_43, %and3A_45 : vector<16xi32>
      %swap3A_47 = arith.constant 0 : i32
      %swap3A_48 = arith.index_cast %swap3A_47 : i32 to index
      %swap3A_49 = arith.constant 16 : index
      %swap3A_50 = tpu.vector_load %arg7[%swap3A_48, %swap3A_49] {strides = array<i32>} : memref<2x128xi32, #tpu.memory_space<vmem>>, vector<1x16xi32>,
      %swap3A_51 = vector.shape_cast %swap3A_50 : vector<1x16xi32> to vector<16xi32>
      %swap3A_52 = vector.shape_cast %and3A_46 : vector<16xi32> to vector<1x16xi32>
      tpu.vector_store %arg7[%swap3A_48, %swap3A_49], %swap3A_52 {strides = array<i32>} : memref<2x128xi32, #tpu.memory_space<vmem>>, vector<1x16xi32>,
      %shift_right_arithmetic3A_53 = arith.constant 14 : i32
      %shift_right_arithmetic3A_54 = vector.broadcast %shift_right_arithmetic3A_53 : i32 to vector<16xi32>
      %shift_right_arithmetic3A_55 = arith.shrsi %get3A_43, %shift_right_arithmetic3A_54 : vector<16xi32>
      %swap3A_56 = arith.constant 1 : i32
      %swap3A_57 = arith.index_cast %swap3A_56 : i32 to index
      %swap3A_58 = arith.constant 16 : index
      %swap3A_59 = tpu.vector_load %arg7[%swap3A_57, %swap3A_58] {strides = array<i32>} : memref<2x128xi32, #tpu.memory_space<vmem>>, vector<1x16xi32>,
      %swap3A_60 = vector.shape_cast %swap3A_59 : vector<1x16xi32> to vector<16xi32>
      %swap3A_61 = vector.shape_cast %shift_right_arithmetic3A_55 : vector<16xi32> to vector<1x16xi32>
      tpu.vector_store %arg7[%swap3A_57, %swap3A_58], %swap3A_61 {strides = array<i32>} : memref<2x128xi32, #tpu.memory_space<vmem>>, vector<1x16xi32>,
      %get3A_62 = arith.index_cast %while3A_21 : i32 to index
      %get3A_63 = arith.constant 32 : index
      %get3A_64 = tpu.vector_load %arg6[%get3A_62, %get3A_63] {strides = array<i32>} : memref<136x128xi32, #tpu.memory_space<vmem>>, vector<1x16xi32>,
      %get3A_65 = vector.shape_cast %get3A_64 : vector<1x16xi32> to vector<16xi32>
      %and3A_66 = arith.constant 16383 : i32
      %and3A_67 = vector.broadcast %and3A_66 : i32 to vector<16xi32>
      %and3A_68 = arith.andi %get3A_65, %and3A_67 : vector<16xi32>
      %swap3A_69 = arith.constant 0 : i32
      %swap3A_70 = arith.index_cast %swap3A_69 : i32 to index
      %swap3A_71 = arith.constant 32 : index
      %swap3A_72 = tpu.vector_load %arg7[%swap3A_70, %swap3A_71] {strides = array<i32>} : memref<2x128xi32, #tpu.memory_space<vmem>>, vector<1x16xi32>,
      %swap3A_73 = vector.shape_cast %swap3A_72 : vector<1x16xi32> to vector<16xi32>
      %swap3A_74 = vector.shape_cast %and3A_68 : vector<16xi32> to vector<1x16xi32>
      tpu.vector_store %arg7[%swap3A_70, %swap3A_71], %swap3A_74 {strides = array<i32>} : memref<2x128xi32, #tpu.memory_space<vmem>>, vector<1x16xi32>,
      %shift_right_arithmetic3A_75 = arith.constant 14 : i32
      %shift_right_arithmetic3A_76 = vector.broadcast %shift_right_arithmetic3A_75 : i32 to vector<16xi32>
      %shift_right_arithmetic3A_77 = arith.shrsi %get3A_65, %shift_right_arithmetic3A_76 : vector<16xi32>
      %swap3A_78 = arith.constant 1 : i32
      %swap3A_79 = arith.index_cast %swap3A_78 : i32 to index
      %swap3A_80 = arith.constant 32 : index
      %swap3A_81 = tpu.vector_load %arg7[%swap3A_79, %swap3A_80] {strides = array<i32>} : memref<2x128xi32, #tpu.memory_space<vmem>>, vector<1x16xi32>,
      %swap3A_82 = vector.shape_cast %swap3A_81 : vector<1x16xi32> to vector<16xi32>
      %swap3A_83 = vector.shape_cast %shift_right_arithmetic3A_77 : vector<16xi32> to vector<1x16xi32>
      tpu.vector_store %arg7[%swap3A_79, %swap3A_80], %swap3A_83 {strides = array<i32>} : memref<2x128xi32, #tpu.memory_space<vmem>>, vector<1x16xi32>,
      %get3A_84 = arith.index_cast %while3A_21 : i32 to index
      %get3A_85 = arith.constant 48 : index
      %get3A_86 = tpu.vector_load %arg6[%get3A_84, %get3A_85] {strides = array<i32>} : memref<136x128xi32, #tpu.memory_space<vmem>>, vector<1x16xi32>,
      %get3A_87 = vector.shape_cast %get3A_86 : vector<1x16xi32> to vector<16xi32>
      %and3A_88 = arith.constant 16383 : i32
      %and3A_89 = vector.broadcast %and3A_88 : i32 to vector<16xi32>
      %and3A_90 = arith.andi %get3A_87, %and3A_89 : vector<16xi32>
      %swap3A_91 = arith.constant 0 : i32
      %swap3A_92 = arith.index_cast %swap3A_91 : i32 to index
      %swap3A_93 = arith.constant 48 : index
      %swap3A_94 = tpu.vector_load %arg7[%swap3A_92, %swap3A_93] {strides = array<i32>} : memref<2x128xi32, #tpu.memory_space<vmem>>, vector<1x16xi32>,
      %swap3A_95 = vector.shape_cast %swap3A_94 : vector<1x16xi32> to vector<16xi32>
      %swap3A_96 = vector.shape_cast %and3A_90 : vector<16xi32> to vector<1x16xi32>
      tpu.vector_store %arg7[%swap3A_92, %swap3A_93], %swap3A_96 {strides = array<i32>} : memref<2x128xi32, #tpu.memory_space<vmem>>, vector<1x16xi32>,
      %shift_right_arithmetic3A_97 = arith.constant 14 : i32
      %shift_right_arithmetic3A_98 = vector.broadcast %shift_right_arithmetic3A_97 : i32 to vector<16xi32>
      %shift_right_arithmetic3A_99 = arith.shrsi %get3A_87, %shift_right_arithmetic3A_98 : vector<16xi32>
      %swap3A_100 = arith.constant 1 : i32
      %swap3A_101 = arith.index_cast %swap3A_100 : i32 to index
      %swap3A_102 = arith.constant 48 : index
      %swap3A_103 = tpu.vector_load %arg7[%swap3A_101, %swap3A_102] {strides = array<i32>} : memref<2x128xi32, #tpu.memory_space<vmem>>, vector<1x16xi32>,
      %swap3A_104 = vector.shape_cast %swap3A_103 : vector<1x16xi32> to vector<16xi32>
      %swap3A_105 = vector.shape_cast %shift_right_arithmetic3A_99 : vector<16xi32> to vector<1x16xi32>
      tpu.vector_store %arg7[%swap3A_101, %swap3A_102], %swap3A_105 {strides = array<i32>} : memref<2x128xi32, #tpu.memory_space<vmem>>, vector<1x16xi32>,
      %get3A_106 = arith.index_cast %while3A_21 : i32 to index
      %get3A_107 = arith.constant 64 : index
      %get3A_108 = tpu.vector_load %arg6[%get3A_106, %get3A_107] {strides = array<i32>} : memref<136x128xi32, #tpu.memory_space<vmem>>, vector<1x16xi32>,
      %get3A_109 = vector.shape_cast %get3A_108 : vector<1x16xi32> to vector<16xi32>
      %and3A_110 = arith.constant 16383 : i32
      %and3A_111 = vector.broadcast %and3A_110 : i32 to vector<16xi32>
      %and3A_112 = arith.andi %get3A_109, %and3A_111 : vector<16xi32>
      %swap3A_113 = arith.constant 0 : i32
      %swap3A_114 = arith.index_cast %swap3A_113 : i32 to index
      %swap3A_115 = arith.constant 64 : index
      %swap3A_116 = tpu.vector_load %arg7[%swap3A_114, %swap3A_115] {strides = array<i32>} : memref<2x128xi32, #tpu.memory_space<vmem>>, vector<1x16xi32>,
      %swap3A_117 = vector.shape_cast %swap3A_116 : vector<1x16xi32> to vector<16xi32>
      %swap3A_118 = vector.shape_cast %and3A_112 : vector<16xi32> to vector<1x16xi32>
      tpu.vector_store %arg7[%swap3A_114, %swap3A_115], %swap3A_118 {strides = array<i32>} : memref<2x128xi32, #tpu.memory_space<vmem>>, vector<1x16xi32>,
      %shift_right_arithmetic3A_119 = arith.constant 14 : i32
      %shift_right_arithmetic3A_120 = vector.broadcast %shift_right_arithmetic3A_119 : i32 to vector<16xi32>
      %shift_right_arithmetic3A_121 = arith.shrsi %get3A_109, %shift_right_arithmetic3A_120 : vector<16xi32>
      %swap3A_122 = arith.constant 1 : i32
      %swap3A_123 = arith.index_cast %swap3A_122 : i32 to index
      %swap3A_124 = arith.constant 64 : index
      %swap3A_125 = tpu.vector_load %arg7[%swap3A_123, %swap3A_124] {strides = array<i32>} : memref<2x128xi32, #tpu.memory_space<vmem>>, vector<1x16xi32>,
      %swap3A_126 = vector.shape_cast %swap3A_125 : vector<1x16xi32> to vector<16xi32>
      %swap3A_127 = vector.shape_cast %shift_right_arithmetic3A_121 : vector<16xi32> to vector<1x16xi32>
      tpu.vector_store %arg7[%swap3A_123, %swap3A_124], %swap3A_127 {strides = array<i32>} : memref<2x128xi32, #tpu.memory_space<vmem>>, vector<1x16xi32>,
      %get3A_128 = arith.index_cast %while3A_21 : i32 to index
      %get3A_129 = arith.constant 80 : index
      %get3A_130 = tpu.vector_load %arg6[%get3A_128, %get3A_129] {strides = array<i32>} : memref<136x128xi32, #tpu.memory_space<vmem>>, vector<1x16xi32>,
      %get3A_131 = vector.shape_cast %get3A_130 : vector<1x16xi32> to vector<16xi32>
      %and3A_132 = arith.constant 16383 : i32
      %and3A_133 = vector.broadcast %and3A_132 : i32 to vector<16xi32>
      %and3A_134 = arith.andi %get3A_131, %and3A_133 : vector<16xi32>
      %swap3A_135 = arith.constant 0 : i32
      %swap3A_136 = arith.index_cast %swap3A_135 : i32 to index
      %swap3A_137 = arith.constant 80 : index
      %swap3A_138 = tpu.vector_load %arg7[%swap3A_136, %swap3A_137] {strides = array<i32>} : memref<2x128xi32, #tpu.memory_space<vmem>>, vector<1x16xi32>,
      %swap3A_139 = vector.shape_cast %swap3A_138 : vector<1x16xi32> to vector<16xi32>
      %swap3A_140 = vector.shape_cast %and3A_134 : vector<16xi32> to vector<1x16xi32>
      tpu.vector_store %arg7[%swap3A_136, %swap3A_137], %swap3A_140 {strides = array<i32>} : memref<2x128xi32, #tpu.memory_space<vmem>>, vector<1x16xi32>,
      %shift_right_arithmetic3A_141 = arith.constant 14 : i32
      %shift_right_arithmetic3A_142 = vector.broadcast %shift_right_arithmetic3A_141 : i32 to vector<16xi32>
      %shift_right_arithmetic3A_143 = arith.shrsi %get3A_131, %shift_right_arithmetic3A_142 : vector<16xi32>
      %swap3A_144 = arith.constant 1 : i32
      %swap3A_145 = arith.index_cast %swap3A_144 : i32 to index
      %swap3A_146 = arith.constant 80 : index
      %swap3A_147 = tpu.vector_load %arg7[%swap3A_145, %swap3A_146] {strides = array<i32>} : memref<2x128xi32, #tpu.memory_space<vmem>>, vector<1x16xi32>,
      %swap3A_148 = vector.shape_cast %swap3A_147 : vector<1x16xi32> to vector<16xi32>
      %swap3A_149 = vector.shape_cast %shift_right_arithmetic3A_143 : vector<16xi32> to vector<1x16xi32>
      tpu.vector_store %arg7[%swap3A_145, %swap3A_146], %swap3A_149 {strides = array<i32>} : memref<2x128xi32, #tpu.memory_space<vmem>>, vector<1x16xi32>,
      %get3A_150 = arith.index_cast %while3A_21 : i32 to index
      %get3A_151 = arith.constant 96 : index
      %get3A_152 = tpu.vector_load %arg6[%get3A_150, %get3A_151] {strides = array<i32>} : memref<136x128xi32, #tpu.memory_space<vmem>>, vector<1x16xi32>,
      %get3A_153 = vector.shape_cast %get3A_152 : vector<1x16xi32> to vector<16xi32>
      %and3A_154 = arith.constant 16383 : i32
      %and3A_155 = vector.broadcast %and3A_154 : i32 to vector<16xi32>
      %and3A_156 = arith.andi %get3A_153, %and3A_155 : vector<16xi32>
      %swap3A_157 = arith.constant 0 : i32
      %swap3A_158 = arith.index_cast %swap3A_157 : i32 to index
      %swap3A_159 = arith.constant 96 : index
      %swap3A_160 = tpu.vector_load %arg7[%swap3A_158, %swap3A_159] {strides = array<i32>} : memref<2x128xi32, #tpu.memory_space<vmem>>, vector<1x16xi32>,
      %swap3A_161 = vector.shape_cast %swap3A_160 : vector<1x16xi32> to vector<16xi32>
      %swap3A_162 = vector.shape_cast %and3A_156 : vector<16xi32> to vector<1x16xi32>
      tpu.vector_store %arg7[%swap3A_158, %swap3A_159], %swap3A_162 {strides = array<i32>} : memref<2x128xi32, #tpu.memory_space<vmem>>, vector<1x16xi32>,
      %shift_right_arithmetic3A_163 = arith.constant 14 : i32
      %shift_right_arithmetic3A_164 = vector.broadcast %shift_right_arithmetic3A_163 : i32 to vector<16xi32>
      %shift_right_arithmetic3A_165 = arith.shrsi %get3A_153, %shift_right_arithmetic3A_164 : vector<16xi32>
      %swap3A_166 = arith.constant 1 : i32
      %swap3A_167 = arith.index_cast %swap3A_166 : i32 to index
      %swap3A_168 = arith.constant 96 : index
      %swap3A_169 = tpu.vector_load %arg7[%swap3A_167, %swap3A_168] {strides = array<i32>} : memref<2x128xi32, #tpu.memory_space<vmem>>, vector<1x16xi32>,
      %swap3A_170 = vector.shape_cast %swap3A_169 : vector<1x16xi32> to vector<16xi32>
      %swap3A_171 = vector.shape_cast %shift_right_arithmetic3A_165 : vector<16xi32> to vector<1x16xi32>
      tpu.vector_store %arg7[%swap3A_167, %swap3A_168], %swap3A_171 {strides = array<i32>} : memref<2x128xi32, #tpu.memory_space<vmem>>, vector<1x16xi32>,
      %get3A_172 = arith.index_cast %while3A_21 : i32 to index
      %get3A_173 = arith.constant 112 : index
      %get3A_174 = tpu.vector_load %arg6[%get3A_172, %get3A_173] {strides = array<i32>} : memref<136x128xi32, #tpu.memory_space<vmem>>, vector<1x16xi32>,
      %get3A_175 = vector.shape_cast %get3A_174 : vector<1x16xi32> to vector<16xi32>
      %and3A_176 = arith.constant 16383 : i32
      %and3A_177 = vector.broadcast %and3A_176 : i32 to vector<16xi32>
      %and3A_178 = arith.andi %get3A_175, %and3A_177 : vector<16xi32>
      %swap3A_179 = arith.constant 0 : i32
      %swap3A_180 = arith.index_cast %swap3A_179 : i32 to index
      %swap3A_181 = arith.constant 112 : index
      %swap3A_182 = tpu.vector_load %arg7[%swap3A_180, %swap3A_181] {strides = array<i32>} : memref<2x128xi32, #tpu.memory_space<vmem>>, vector<1x16xi32>,
      %swap3A_183 = vector.shape_cast %swap3A_182 : vector<1x16xi32> to vector<16xi32>
      %swap3A_184 = vector.shape_cast %and3A_178 : vector<16xi32> to vector<1x16xi32>
      tpu.vector_store %arg7[%swap3A_180, %swap3A_181], %swap3A_184 {strides = array<i32>} : memref<2x128xi32, #tpu.memory_space<vmem>>, vector<1x16xi32>,
      %shift_right_arithmetic3A_185 = arith.constant 14 : i32
      %shift_right_arithmetic3A_186 = vector.broadcast %shift_right_arithmetic3A_185 : i32 to vector<16xi32>
      %shift_right_arithmetic3A_187 = arith.shrsi %get3A_175, %shift_right_arithmetic3A_186 : vector<16xi32>
      %swap3A_188 = arith.constant 1 : i32
      %swap3A_189 = arith.index_cast %swap3A_188 : i32 to index
      %swap3A_190 = arith.constant 112 : index
      %swap3A_191 = tpu.vector_load %arg7[%swap3A_189, %swap3A_190] {strides = array<i32>} : memref<2x128xi32, #tpu.memory_space<vmem>>, vector<1x16xi32>,
      %swap3A_192 = vector.shape_cast %swap3A_191 : vector<1x16xi32> to vector<16xi32>
      %swap3A_193 = vector.shape_cast %shift_right_arithmetic3A_187 : vector<16xi32> to vector<1x16xi32>
      tpu.vector_store %arg7[%swap3A_189, %swap3A_190], %swap3A_193 {strides = array<i32>} : memref<2x128xi32, #tpu.memory_space<vmem>>, vector<1x16xi32>,
      %dma_start3A = arith.constant 0 : i32
      %dma_start3A_194 = arith.constant 0 : i32
      %dma_start3A_195 = tpu.memref_slice %arg7[%dma_start3A, %dma_start3A_194] : memref<2x128xi32, #tpu.memory_space<vmem>> -> memref<1x128xi32, #tpu.memory_space<vmem>>
      %dma_start3A_196 = tpu.memref_squeeze %dma_start3A_195 : memref<1x128xi32, #tpu.memory_space<vmem>> -> memref<128xi32, #tpu.memory_space<vmem>>
      %dma_start3A_197 = arith.constant 0 : i32
      %dma_start3A_198 = arith.constant 0 : i32
      %dma_start3A_199 = tpu.memref_slice %arg2[%dma_start3A_197, %dma_start3A_198] : memref<10112x128xf32, #tpu.memory_space<hbm>> -> memref<10112x128xf32, #tpu.memory_space<hbm>>
      tpu.enqueue_indirect_dma source(%dma_start3A_199 : memref<10112x128xf32, #tpu.memory_space<hbm>>) target(%arg8 : memref<128x128xf32, #tpu.memory_space<vmem>>) offsets(%dma_start3A_196 : memref<128xi32, #tpu.memory_space<vmem>>) semaphore(%arg9 : memref<!tpu.dma_semaphore, #tpu.memory_space<semaphore_mem>>)
      %dma_wait3A = arith.constant 0 : i32
      %dma_wait3A_200 = arith.constant 0 : i32
      %dma_wait3A_201 = tpu.memref_slice %arg7[%dma_wait3A, %dma_wait3A_200] : memref<2x128xi32, #tpu.memory_space<vmem>> -> memref<1x128xi32, #tpu.memory_space<vmem>>
      %dma_wait3A_202 = tpu.memref_squeeze %dma_wait3A_201 : memref<1x128xi32, #tpu.memory_space<vmem>> -> memref<128xi32, #tpu.memory_space<vmem>>
      %dma_wait3A_203 = arith.constant 0 : i32
      %dma_wait3A_204 = arith.constant 0 : i32
      %dma_wait3A_205 = tpu.memref_slice %arg2[%dma_wait3A_203, %dma_wait3A_204] : memref<10112x128xf32, #tpu.memory_space<hbm>> -> memref<10112x128xf32, #tpu.memory_space<hbm>>
      tpu.wait_indirect_dma semaphore(%arg9 : memref<!tpu.dma_semaphore, #tpu.memory_space<semaphore_mem>>) src(%dma_wait3A_205 : memref<10112x128xf32, #tpu.memory_space<hbm>>) dst(%arg8 : memref<128x128xf32, #tpu.memory_space<vmem>>)
      %run_scoped3A = arith.constant 1 : i32
      "tpu.region"() ({
        %run_scoped3A_206 = tpu.sem_alloc : memref<!tpu.dma_semaphore, #tpu.memory_space<semaphore_mem>>
        %dma_start3A_207 = arith.constant 0 : i32
        %dma_start3A_208 = tpu.memref_slice %arg7[%run_scoped3A, %dma_start3A_207] : memref<2x128xi32, #tpu.memory_space<vmem>> -> memref<1x128xi32, #tpu.memory_space<vmem>>
        %dma_start3A_209 = tpu.memref_squeeze %dma_start3A_208 : memref<1x128xi32, #tpu.memory_space<vmem>> -> memref<128xi32, #tpu.memory_space<vmem>>
        %dma_start3A_210 = arith.constant 0 : i32
        %dma_start3A_211 = arith.constant 0 : i32
        %dma_start3A_212 = tpu.memref_slice %arg10[%dma_start3A_210, %dma_start3A_211] : memref<10112x128xf32, #tpu.memory_space<vmem_shared>> -> memref<10112x128xf32, #tpu.memory_space<vmem_shared>>
        tpu.enqueue_indirect_dma source(%arg8 : memref<128x128xf32, #tpu.memory_space<vmem>>) target(%dma_start3A_212 : memref<10112x128xf32, #tpu.memory_space<vmem_shared>>) offsets(%dma_start3A_209 : memref<128xi32, #tpu.memory_space<vmem>>) semaphore(%run_scoped3A_206 : memref<!tpu.dma_semaphore, #tpu.memory_space<semaphore_mem>>) {add = true}
        %dma_wait3A_213 = arith.constant 0 : i32
        %dma_wait3A_214 = tpu.memref_slice %arg7[%run_scoped3A, %dma_wait3A_213] : memref<2x128xi32, #tpu.memory_space<vmem>> -> memref<1x128xi32, #tpu.memory_space<vmem>>
        %dma_wait3A_215 = tpu.memref_squeeze %dma_wait3A_214 : memref<1x128xi32, #tpu.memory_space<vmem>> -> memref<128xi32, #tpu.memory_space<vmem>>
        %dma_wait3A_216 = arith.constant 0 : i32
        %dma_wait3A_217 = arith.constant 0 : i32
        %dma_wait3A_218 = tpu.memref_slice %arg10[%dma_wait3A_216, %dma_wait3A_217] : memref<10112x128xf32, #tpu.memory_space<vmem_shared>> -> memref<10112x128xf32, #tpu.memory_space<vmem_shared>>
        tpu.wait_indirect_dma semaphore(%run_scoped3A_206 : memref<!tpu.dma_semaphore, #tpu.memory_space<semaphore_mem>>) src(%arg8 : memref<128x128xf32, #tpu.memory_space<vmem>>) dst(%dma_wait3A_218 : memref<10112x128xf32, #tpu.memory_space<vmem_shared>>)
        tpu.yield
      }) : () -> ()
    }
    %barrier3A_20 = arith.constant 0 : index
    tpu.barrier barrier_id(%barrier3A_20)
    "tpu.region"() ({
      %run_scoped3A = tpu.sem_alloc : memref<!tpu.dma_semaphore, #tpu.memory_space<semaphore_mem>>
      %dma_start3A = arith.constant 0 : i32
      %dma_start3A_21 = tpu.memref_slice %arg5[%arg0, %mul3A_0, %dma_start3A] : memref<2x10112x128xf32, #tpu.memory_space<hbm>> -> memref<1x632x128xf32, #tpu.memory_space<hbm>>
      %dma_start3A_22 = tpu.memref_squeeze %dma_start3A_21 : memref<1x632x128xf32, #tpu.memory_space<hbm>> -> memref<632x128xf32, #tpu.memory_space<hbm>>
      %dma_start3A_23 = arith.constant 0 : i32
      %dma_start3A_24 = tpu.memref_slice %arg10[%mul3A_0, %dma_start3A_23] : memref<10112x128xf32, #tpu.memory_space<vmem_shared>> -> memref<632x128xf32, #tpu.memory_space<vmem_shared>>
      tpu.enqueue_dma source(%dma_start3A_24 : memref<632x128xf32, #tpu.memory_space<vmem_shared>>) target(%dma_start3A_22 : memref<632x128xf32, #tpu.memory_space<hbm>>) target_semaphore(%run_scoped3A : memref<!tpu.dma_semaphore, #tpu.memory_space<semaphore_mem>>)
      %dma_wait3A = arith.constant 0 : i32
      %dma_wait3A_25 = tpu.memref_slice %arg5[%arg0, %mul3A_0, %dma_wait3A] : memref<2x10112x128xf32, #tpu.memory_space<hbm>> -> memref<1x632x128xf32, #tpu.memory_space<hbm>>
      %dma_wait3A_26 = tpu.memref_squeeze %dma_wait3A_25 : memref<1x632x128xf32, #tpu.memory_space<hbm>> -> memref<632x128xf32, #tpu.memory_space<hbm>>
      %dma_wait3A_27 = arith.constant 0 : i32
      %dma_wait3A_28 = tpu.memref_slice %arg10[%mul3A_0, %dma_wait3A_27] : memref<10112x128xf32, #tpu.memory_space<vmem_shared>> -> memref<632x128xf32, #tpu.memory_space<vmem_shared>>
      tpu.wait_dma2 semaphore(%run_scoped3A : memref<!tpu.dma_semaphore, #tpu.memory_space<semaphore_mem>>) src(%dma_wait3A_28 : memref<632x128xf32, #tpu.memory_space<vmem_shared>>) dst(%dma_wait3A_26 : memref<632x128xf32, #tpu.memory_space<hbm>>)
      tpu.yield
    }) : () -> ()
    return
  }
}

#map = affine_map<(d0, d1) -> (0, 0)>
#map1 = affine_map<(d0, d1) -> (0, 0, 0)>
module attributes {stable_mosaic.version = 14 : i64} {
  func.func @_agg_body(%arg0: i32, %arg1: i32, %arg2: memref<10112x128xf32, #tpu.memory_space<hbm>>, %arg3: memref<2560x128xi32, #tpu.memory_space<hbm>>, %arg4: memref<10112x128xf32, #tpu.memory_space<hbm>>, %arg5: memref<2x10112x128xf32, #tpu.memory_space<hbm>>, %arg6: memref<136x128xi32, #tpu.memory_space<vmem>>, %arg7: memref<2x128xi32, #tpu.memory_space<vmem>>, %arg8: memref<128x128xf32, #tpu.memory_space<vmem>>, %arg9: memref<!tpu.dma_semaphore, #tpu.memory_space<semaphore_mem>>, %arg10: memref<10112x128xf32, #tpu.memory_space<vmem_shared>>) attributes {dimension_semantics = [#tpu.dimension_semantics<core_parallel>, #tpu.dimension_semantics<subcore_parallel>], iteration_bounds = array<i64: 2, 16>, scalar_prefetch = 0 : i64, scratch_operands = 5 : i64, tpu.core_type = #tpu.core_type<sc_vector_subcore>, window_params = [{transform_indices = #map}, {transform_indices = #map}, {transform_indices = #map}, {transform_indices = #map1}]} {
    %mul3A = arith.constant 632 : i32
    %mul3A_0 = arith.muli %arg1, %mul3A : i32
    "tpu.region"() ({
      %run_scoped3A = tpu.sem_alloc : memref<!tpu.dma_semaphore, #tpu.memory_space<semaphore_mem>>
      %dma_start3A = arith.constant 0 : i32
      %dma_start3A_21 = tpu.memref_slice %arg10[%mul3A_0, %dma_start3A] : memref<10112x128xf32, #tpu.memory_space<vmem_shared>> -> memref<632x128xf32, #tpu.memory_space<vmem_shared>>
      %dma_start3A_22 = arith.constant 0 : i32
      %dma_start3A_23 = tpu.memref_slice %arg4[%mul3A_0, %dma_start3A_22] : memref<10112x128xf32, #tpu.memory_space<hbm>> -> memref<632x128xf32, #tpu.memory_space<hbm>>
      tpu.enqueue_dma source(%dma_start3A_23 : memref<632x128xf32, #tpu.memory_space<hbm>>) target(%dma_start3A_21 : memref<632x128xf32, #tpu.memory_space<vmem_shared>>) target_semaphore(%run_scoped3A : memref<!tpu.dma_semaphore, #tpu.memory_space<semaphore_mem>>)
      %dma_wait3A = arith.constant 0 : i32
      %dma_wait3A_24 = tpu.memref_slice %arg10[%mul3A_0, %dma_wait3A] : memref<10112x128xf32, #tpu.memory_space<vmem_shared>> -> memref<632x128xf32, #tpu.memory_space<vmem_shared>>
      %dma_wait3A_25 = arith.constant 0 : i32
      %dma_wait3A_26 = tpu.memref_slice %arg4[%mul3A_0, %dma_wait3A_25] : memref<10112x128xf32, #tpu.memory_space<hbm>> -> memref<632x128xf32, #tpu.memory_space<hbm>>
      tpu.wait_dma2 semaphore(%run_scoped3A : memref<!tpu.dma_semaphore, #tpu.memory_space<semaphore_mem>>) src(%dma_wait3A_26 : memref<632x128xf32, #tpu.memory_space<hbm>>) dst(%dma_wait3A_24 : memref<632x128xf32, #tpu.memory_space<vmem_shared>>)
      tpu.yield
    }) : () -> ()
    %eq3A = arith.constant 0 : i32
    %eq3A_1 = arith.cmpi eq, %arg0, %eq3A : i32
    %convert_element_type3A = arith.extui %eq3A_1 : i1 to i32
    %cond3A = arith.constant 0 : i32
    %cond3A_2 = arith.cmpi ne, %convert_element_type3A, %cond3A : i32
    scf.if %cond3A_2 {
      %mul3A_21 = arith.constant 136 : i32
      %mul3A_22 = arith.muli %arg1, %mul3A_21 : i32
      "tpu.region"() ({
        %run_scoped3A = tpu.sem_alloc : memref<!tpu.dma_semaphore, #tpu.memory_space<semaphore_mem>>
        %dma_start3A = arith.constant 0 : i32
        %dma_start3A_23 = arith.constant 0 : i32
        %dma_start3A_24 = tpu.memref_slice %arg6[%dma_start3A, %dma_start3A_23] : memref<136x128xi32, #tpu.memory_space<vmem>> -> memref<136x128xi32, #tpu.memory_space<vmem>>
        %dma_start3A_25 = arith.constant 0 : i32
        %dma_start3A_26 = tpu.memref_slice %arg3[%mul3A_22, %dma_start3A_25] : memref<2560x128xi32, #tpu.memory_space<hbm>> -> memref<136x128xi32, #tpu.memory_space<hbm>>
        %dma_start3A_27 = arith.constant 0 : i32
        %dma_start3A_28 = arith.constant 0 : i32
        %dma_start3A_29 = tpu.memref_slice %arg6[%dma_start3A_27, %dma_start3A_28] : memref<136x128xi32, #tpu.memory_space<vmem>> -> memref<136x128xi32, #tpu.memory_space<vmem>>
        %dma_start3A_30 = arith.constant 0 : i32
        %dma_start3A_31 = tpu.memref_slice %arg3[%mul3A_22, %dma_start3A_30] : memref<2560x128xi32, #tpu.memory_space<hbm>> -> memref<136x128xi32, #tpu.memory_space<hbm>>
        tpu.enqueue_dma source(%dma_start3A_31 : memref<136x128xi32, #tpu.memory_space<hbm>>) target(%dma_start3A_29 : memref<136x128xi32, #tpu.memory_space<vmem>>) target_semaphore(%run_scoped3A : memref<!tpu.dma_semaphore, #tpu.memory_space<semaphore_mem>>)
        %dma_wait3A = arith.constant 0 : i32
        %dma_wait3A_32 = arith.constant 0 : i32
        %dma_wait3A_33 = tpu.memref_slice %arg6[%dma_wait3A, %dma_wait3A_32] : memref<136x128xi32, #tpu.memory_space<vmem>> -> memref<136x128xi32, #tpu.memory_space<vmem>>
        %dma_wait3A_34 = arith.constant 0 : i32
        %dma_wait3A_35 = tpu.memref_slice %arg3[%mul3A_22, %dma_wait3A_34] : memref<2560x128xi32, #tpu.memory_space<hbm>> -> memref<136x128xi32, #tpu.memory_space<hbm>>
        %dma_wait3A_36 = arith.constant 0 : i32
        %dma_wait3A_37 = arith.constant 0 : i32
        %dma_wait3A_38 = tpu.memref_slice %arg6[%dma_wait3A_36, %dma_wait3A_37] : memref<136x128xi32, #tpu.memory_space<vmem>> -> memref<136x128xi32, #tpu.memory_space<vmem>>
        %dma_wait3A_39 = arith.constant 0 : i32
        %dma_wait3A_40 = tpu.memref_slice %arg3[%mul3A_22, %dma_wait3A_39] : memref<2560x128xi32, #tpu.memory_space<hbm>> -> memref<136x128xi32, #tpu.memory_space<hbm>>
        tpu.wait_dma2 semaphore(%run_scoped3A : memref<!tpu.dma_semaphore, #tpu.memory_space<semaphore_mem>>) src(%dma_wait3A_40 : memref<136x128xi32, #tpu.memory_space<hbm>>) dst(%dma_wait3A_38 : memref<136x128xi32, #tpu.memory_space<vmem>>)
        tpu.yield
      }) : () -> ()
    } else {
    }
    %eq3A_3 = arith.constant 1 : i32
    %eq3A_4 = arith.cmpi eq, %arg0, %eq3A_3 : i32
    %convert_element_type3A_5 = arith.extui %eq3A_4 : i1 to i32
    %cond3A_6 = arith.constant 0 : i32
    %cond3A_7 = arith.cmpi ne, %convert_element_type3A_5, %cond3A_6 : i32
    scf.if %cond3A_7 {
      %mul3A_21 = arith.constant 24 : i32
      %mul3A_22 = arith.muli %arg1, %mul3A_21 : i32
      %add3A = arith.constant 2176 : i32
      %add3A_23 = arith.addi %add3A, %mul3A_22 : i32
      "tpu.region"() ({
        %run_scoped3A = tpu.sem_alloc : memref<!tpu.dma_semaphore, #tpu.memory_space<semaphore_mem>>
        %dma_start3A = arith.constant 0 : i32
        %dma_start3A_24 = arith.constant 0 : i32
        %dma_start3A_25 = tpu.memref_slice %arg6[%dma_start3A, %dma_start3A_24] : memref<136x128xi32, #tpu.memory_space<vmem>> -> memref<24x128xi32, #tpu.memory_space<vmem>>
        %dma_start3A_26 = arith.constant 0 : i32
        %dma_start3A_27 = tpu.memref_slice %arg3[%add3A_23, %dma_start3A_26] : memref<2560x128xi32, #tpu.memory_space<hbm>> -> memref<24x128xi32, #tpu.memory_space<hbm>>
        %dma_start3A_28 = arith.constant 0 : i32
        %dma_start3A_29 = arith.constant 0 : i32
        %dma_start3A_30 = tpu.memref_slice %arg6[%dma_start3A_28, %dma_start3A_29] : memref<136x128xi32, #tpu.memory_space<vmem>> -> memref<24x128xi32, #tpu.memory_space<vmem>>
        %dma_start3A_31 = arith.constant 0 : i32
        %dma_start3A_32 = tpu.memref_slice %arg3[%add3A_23, %dma_start3A_31] : memref<2560x128xi32, #tpu.memory_space<hbm>> -> memref<24x128xi32, #tpu.memory_space<hbm>>
        tpu.enqueue_dma source(%dma_start3A_32 : memref<24x128xi32, #tpu.memory_space<hbm>>) target(%dma_start3A_30 : memref<24x128xi32, #tpu.memory_space<vmem>>) target_semaphore(%run_scoped3A : memref<!tpu.dma_semaphore, #tpu.memory_space<semaphore_mem>>)
        %dma_wait3A = arith.constant 0 : i32
        %dma_wait3A_33 = arith.constant 0 : i32
        %dma_wait3A_34 = tpu.memref_slice %arg6[%dma_wait3A, %dma_wait3A_33] : memref<136x128xi32, #tpu.memory_space<vmem>> -> memref<24x128xi32, #tpu.memory_space<vmem>>
        %dma_wait3A_35 = arith.constant 0 : i32
        %dma_wait3A_36 = tpu.memref_slice %arg3[%add3A_23, %dma_wait3A_35] : memref<2560x128xi32, #tpu.memory_space<hbm>> -> memref<24x128xi32, #tpu.memory_space<hbm>>
        %dma_wait3A_37 = arith.constant 0 : i32
        %dma_wait3A_38 = arith.constant 0 : i32
        %dma_wait3A_39 = tpu.memref_slice %arg6[%dma_wait3A_37, %dma_wait3A_38] : memref<136x128xi32, #tpu.memory_space<vmem>> -> memref<24x128xi32, #tpu.memory_space<vmem>>
        %dma_wait3A_40 = arith.constant 0 : i32
        %dma_wait3A_41 = tpu.memref_slice %arg3[%add3A_23, %dma_wait3A_40] : memref<2560x128xi32, #tpu.memory_space<hbm>> -> memref<24x128xi32, #tpu.memory_space<hbm>>
        tpu.wait_dma2 semaphore(%run_scoped3A : memref<!tpu.dma_semaphore, #tpu.memory_space<semaphore_mem>>) src(%dma_wait3A_41 : memref<24x128xi32, #tpu.memory_space<hbm>>) dst(%dma_wait3A_39 : memref<24x128xi32, #tpu.memory_space<vmem>>)
        tpu.yield
      }) : () -> ()
    } else {
    }
    %eq3A_8 = arith.constant 0 : i32
    %eq3A_9 = arith.cmpi eq, %arg0, %eq3A_8 : i32
    %jit3A = arith.constant 136 : i32
    %jit3A_10 = arith.constant 24 : i32
    %select_n3A = arith.select %eq3A_9, %jit3A, %jit3A_10 : i32
    %barrier3A = arith.constant 0 : index
    tpu.barrier barrier_id(%barrier3A)
    %while3A = arith.constant 0 : i32
    %while3A_11 = arith.constant 0 : i32
    %while3A_12 = arith.subi %select_n3A, %while3A_11 : i32
    %while3A_13 = arith.addi %while3A_11, %while3A_12 : i32
    %while3A_14 = arith.constant 1 : i32
    %while3A_15 = arith.divsi %while3A_12, %while3A_14 : i32
    %while3A_16 = arith.muli %while3A_15, %while3A_14 : i32
    %while3A_17 = arith.addi %while3A_11, %while3A_16 : i32
    %while3A_18 = arith.constant 1 : i32
    scf.for %while3A_21 = %while3A_11 to %while3A_17 step %while3A_18  : i32 {
      %get3A = arith.index_cast %while3A_21 : i32 to index
      %get3A_22 = arith.constant 0 : index
      %get3A_23 = tpu.vector_load %arg6[%get3A, %get3A_22] {strides = array<i32>} : memref<136x128xi32, #tpu.memory_space<vmem>>, vector<1x16xi32>,
      %get3A_24 = vector.shape_cast %get3A_23 : vector<1x16xi32> to vector<16xi32>
      %and3A = arith.constant 16383 : i32
      %and3A_25 = vector.broadcast %and3A : i32 to vector<16xi32>
      %and3A_26 = arith.andi %get3A_24, %and3A_25 : vector<16xi32>
      %swap3A = arith.constant 0 : i32
      %swap3A_27 = arith.index_cast %swap3A : i32 to index
      %swap3A_28 = arith.constant 0 : index
      %swap3A_29 = tpu.vector_load %arg7[%swap3A_27, %swap3A_28] {strides = array<i32>} : memref<2x128xi32, #tpu.memory_space<vmem>>, vector<1x16xi32>,
      %swap3A_30 = vector.shape_cast %swap3A_29 : vector<1x16xi32> to vector<16xi32>
      %swap3A_31 = vector.shape_cast %and3A_26 : vector<16xi32> to vector<1x16xi32>
      tpu.vector_store %arg7[%swap3A_27, %swap3A_28], %swap3A_31 {strides = array<i32>} : memref<2x128xi32, #tpu.memory_space<vmem>>, vector<1x16xi32>,
      %shift_right_arithmetic3A = arith.constant 14 : i32
      %shift_right_arithmetic3A_32 = vector.broadcast %shift_right_arithmetic3A : i32 to vector<16xi32>
      %shift_right_arithmetic3A_33 = arith.shrsi %get3A_24, %shift_right_arithmetic3A_32 : vector<16xi32>
      %swap3A_34 = arith.constant 1 : i32
      %swap3A_35 = arith.index_cast %swap3A_34 : i32 to index
      %swap3A_36 = arith.constant 0 : index
      %swap3A_37 = tpu.vector_load %arg7[%swap3A_35, %swap3A_36] {strides = array<i32>} : memref<2x128xi32, #tpu.memory_space<vmem>>, vector<1x16xi32>,
      %swap3A_38 = vector.shape_cast %swap3A_37 : vector<1x16xi32> to vector<16xi32>
      %swap3A_39 = vector.shape_cast %shift_right_arithmetic3A_33 : vector<16xi32> to vector<1x16xi32>
      tpu.vector_store %arg7[%swap3A_35, %swap3A_36], %swap3A_39 {strides = array<i32>} : memref<2x128xi32, #tpu.memory_space<vmem>>, vector<1x16xi32>,
      %get3A_40 = arith.index_cast %while3A_21 : i32 to index
      %get3A_41 = arith.constant 16 : index
      %get3A_42 = tpu.vector_load %arg6[%get3A_40, %get3A_41] {strides = array<i32>} : memref<136x128xi32, #tpu.memory_space<vmem>>, vector<1x16xi32>,
      %get3A_43 = vector.shape_cast %get3A_42 : vector<1x16xi32> to vector<16xi32>
      %and3A_44 = arith.constant 16383 : i32
      %and3A_45 = vector.broadcast %and3A_44 : i32 to vector<16xi32>
      %and3A_46 = arith.andi %get3A_43, %and3A_45 : vector<16xi32>
      %swap3A_47 = arith.constant 0 : i32
      %swap3A_48 = arith.index_cast %swap3A_47 : i32 to index
      %swap3A_49 = arith.constant 16 : index
      %swap3A_50 = tpu.vector_load %arg7[%swap3A_48, %swap3A_49] {strides = array<i32>} : memref<2x128xi32, #tpu.memory_space<vmem>>, vector<1x16xi32>,
      %swap3A_51 = vector.shape_cast %swap3A_50 : vector<1x16xi32> to vector<16xi32>
      %swap3A_52 = vector.shape_cast %and3A_46 : vector<16xi32> to vector<1x16xi32>
      tpu.vector_store %arg7[%swap3A_48, %swap3A_49], %swap3A_52 {strides = array<i32>} : memref<2x128xi32, #tpu.memory_space<vmem>>, vector<1x16xi32>,
      %shift_right_arithmetic3A_53 = arith.constant 14 : i32
      %shift_right_arithmetic3A_54 = vector.broadcast %shift_right_arithmetic3A_53 : i32 to vector<16xi32>
      %shift_right_arithmetic3A_55 = arith.shrsi %get3A_43, %shift_right_arithmetic3A_54 : vector<16xi32>
      %swap3A_56 = arith.constant 1 : i32
      %swap3A_57 = arith.index_cast %swap3A_56 : i32 to index
      %swap3A_58 = arith.constant 16 : index
      %swap3A_59 = tpu.vector_load %arg7[%swap3A_57, %swap3A_58] {strides = array<i32>} : memref<2x128xi32, #tpu.memory_space<vmem>>, vector<1x16xi32>,
      %swap3A_60 = vector.shape_cast %swap3A_59 : vector<1x16xi32> to vector<16xi32>
      %swap3A_61 = vector.shape_cast %shift_right_arithmetic3A_55 : vector<16xi32> to vector<1x16xi32>
      tpu.vector_store %arg7[%swap3A_57, %swap3A_58], %swap3A_61 {strides = array<i32>} : memref<2x128xi32, #tpu.memory_space<vmem>>, vector<1x16xi32>,
      %get3A_62 = arith.index_cast %while3A_21 : i32 to index
      %get3A_63 = arith.constant 32 : index
      %get3A_64 = tpu.vector_load %arg6[%get3A_62, %get3A_63] {strides = array<i32>} : memref<136x128xi32, #tpu.memory_space<vmem>>, vector<1x16xi32>,
      %get3A_65 = vector.shape_cast %get3A_64 : vector<1x16xi32> to vector<16xi32>
      %and3A_66 = arith.constant 16383 : i32
      %and3A_67 = vector.broadcast %and3A_66 : i32 to vector<16xi32>
      %and3A_68 = arith.andi %get3A_65, %and3A_67 : vector<16xi32>
      %swap3A_69 = arith.constant 0 : i32
      %swap3A_70 = arith.index_cast %swap3A_69 : i32 to index
      %swap3A_71 = arith.constant 32 : index
      %swap3A_72 = tpu.vector_load %arg7[%swap3A_70, %swap3A_71] {strides = array<i32>} : memref<2x128xi32, #tpu.memory_space<vmem>>, vector<1x16xi32>,
      %swap3A_73 = vector.shape_cast %swap3A_72 : vector<1x16xi32> to vector<16xi32>
      %swap3A_74 = vector.shape_cast %and3A_68 : vector<16xi32> to vector<1x16xi32>
      tpu.vector_store %arg7[%swap3A_70, %swap3A_71], %swap3A_74 {strides = array<i32>} : memref<2x128xi32, #tpu.memory_space<vmem>>, vector<1x16xi32>,
      %shift_right_arithmetic3A_75 = arith.constant 14 : i32
      %shift_right_arithmetic3A_76 = vector.broadcast %shift_right_arithmetic3A_75 : i32 to vector<16xi32>
      %shift_right_arithmetic3A_77 = arith.shrsi %get3A_65, %shift_right_arithmetic3A_76 : vector<16xi32>
      %swap3A_78 = arith.constant 1 : i32
      %swap3A_79 = arith.index_cast %swap3A_78 : i32 to index
      %swap3A_80 = arith.constant 32 : index
      %swap3A_81 = tpu.vector_load %arg7[%swap3A_79, %swap3A_80] {strides = array<i32>} : memref<2x128xi32, #tpu.memory_space<vmem>>, vector<1x16xi32>,
      %swap3A_82 = vector.shape_cast %swap3A_81 : vector<1x16xi32> to vector<16xi32>
      %swap3A_83 = vector.shape_cast %shift_right_arithmetic3A_77 : vector<16xi32> to vector<1x16xi32>
      tpu.vector_store %arg7[%swap3A_79, %swap3A_80], %swap3A_83 {strides = array<i32>} : memref<2x128xi32, #tpu.memory_space<vmem>>, vector<1x16xi32>,
      %get3A_84 = arith.index_cast %while3A_21 : i32 to index
      %get3A_85 = arith.constant 48 : index
      %get3A_86 = tpu.vector_load %arg6[%get3A_84, %get3A_85] {strides = array<i32>} : memref<136x128xi32, #tpu.memory_space<vmem>>, vector<1x16xi32>,
      %get3A_87 = vector.shape_cast %get3A_86 : vector<1x16xi32> to vector<16xi32>
      %and3A_88 = arith.constant 16383 : i32
      %and3A_89 = vector.broadcast %and3A_88 : i32 to vector<16xi32>
      %and3A_90 = arith.andi %get3A_87, %and3A_89 : vector<16xi32>
      %swap3A_91 = arith.constant 0 : i32
      %swap3A_92 = arith.index_cast %swap3A_91 : i32 to index
      %swap3A_93 = arith.constant 48 : index
      %swap3A_94 = tpu.vector_load %arg7[%swap3A_92, %swap3A_93] {strides = array<i32>} : memref<2x128xi32, #tpu.memory_space<vmem>>, vector<1x16xi32>,
      %swap3A_95 = vector.shape_cast %swap3A_94 : vector<1x16xi32> to vector<16xi32>
      %swap3A_96 = vector.shape_cast %and3A_90 : vector<16xi32> to vector<1x16xi32>
      tpu.vector_store %arg7[%swap3A_92, %swap3A_93], %swap3A_96 {strides = array<i32>} : memref<2x128xi32, #tpu.memory_space<vmem>>, vector<1x16xi32>,
      %shift_right_arithmetic3A_97 = arith.constant 14 : i32
      %shift_right_arithmetic3A_98 = vector.broadcast %shift_right_arithmetic3A_97 : i32 to vector<16xi32>
      %shift_right_arithmetic3A_99 = arith.shrsi %get3A_87, %shift_right_arithmetic3A_98 : vector<16xi32>
      %swap3A_100 = arith.constant 1 : i32
      %swap3A_101 = arith.index_cast %swap3A_100 : i32 to index
      %swap3A_102 = arith.constant 48 : index
      %swap3A_103 = tpu.vector_load %arg7[%swap3A_101, %swap3A_102] {strides = array<i32>} : memref<2x128xi32, #tpu.memory_space<vmem>>, vector<1x16xi32>,
      %swap3A_104 = vector.shape_cast %swap3A_103 : vector<1x16xi32> to vector<16xi32>
      %swap3A_105 = vector.shape_cast %shift_right_arithmetic3A_99 : vector<16xi32> to vector<1x16xi32>
      tpu.vector_store %arg7[%swap3A_101, %swap3A_102], %swap3A_105 {strides = array<i32>} : memref<2x128xi32, #tpu.memory_space<vmem>>, vector<1x16xi32>,
      %get3A_106 = arith.index_cast %while3A_21 : i32 to index
      %get3A_107 = arith.constant 64 : index
      %get3A_108 = tpu.vector_load %arg6[%get3A_106, %get3A_107] {strides = array<i32>} : memref<136x128xi32, #tpu.memory_space<vmem>>, vector<1x16xi32>,
      %get3A_109 = vector.shape_cast %get3A_108 : vector<1x16xi32> to vector<16xi32>
      %and3A_110 = arith.constant 16383 : i32
      %and3A_111 = vector.broadcast %and3A_110 : i32 to vector<16xi32>
      %and3A_112 = arith.andi %get3A_109, %and3A_111 : vector<16xi32>
      %swap3A_113 = arith.constant 0 : i32
      %swap3A_114 = arith.index_cast %swap3A_113 : i32 to index
      %swap3A_115 = arith.constant 64 : index
      %swap3A_116 = tpu.vector_load %arg7[%swap3A_114, %swap3A_115] {strides = array<i32>} : memref<2x128xi32, #tpu.memory_space<vmem>>, vector<1x16xi32>,
      %swap3A_117 = vector.shape_cast %swap3A_116 : vector<1x16xi32> to vector<16xi32>
      %swap3A_118 = vector.shape_cast %and3A_112 : vector<16xi32> to vector<1x16xi32>
      tpu.vector_store %arg7[%swap3A_114, %swap3A_115], %swap3A_118 {strides = array<i32>} : memref<2x128xi32, #tpu.memory_space<vmem>>, vector<1x16xi32>,
      %shift_right_arithmetic3A_119 = arith.constant 14 : i32
      %shift_right_arithmetic3A_120 = vector.broadcast %shift_right_arithmetic3A_119 : i32 to vector<16xi32>
      %shift_right_arithmetic3A_121 = arith.shrsi %get3A_109, %shift_right_arithmetic3A_120 : vector<16xi32>
      %swap3A_122 = arith.constant 1 : i32
      %swap3A_123 = arith.index_cast %swap3A_122 : i32 to index
      %swap3A_124 = arith.constant 64 : index
      %swap3A_125 = tpu.vector_load %arg7[%swap3A_123, %swap3A_124] {strides = array<i32>} : memref<2x128xi32, #tpu.memory_space<vmem>>, vector<1x16xi32>,
      %swap3A_126 = vector.shape_cast %swap3A_125 : vector<1x16xi32> to vector<16xi32>
      %swap3A_127 = vector.shape_cast %shift_right_arithmetic3A_121 : vector<16xi32> to vector<1x16xi32>
      tpu.vector_store %arg7[%swap3A_123, %swap3A_124], %swap3A_127 {strides = array<i32>} : memref<2x128xi32, #tpu.memory_space<vmem>>, vector<1x16xi32>,
      %get3A_128 = arith.index_cast %while3A_21 : i32 to index
      %get3A_129 = arith.constant 80 : index
      %get3A_130 = tpu.vector_load %arg6[%get3A_128, %get3A_129] {strides = array<i32>} : memref<136x128xi32, #tpu.memory_space<vmem>>, vector<1x16xi32>,
      %get3A_131 = vector.shape_cast %get3A_130 : vector<1x16xi32> to vector<16xi32>
      %and3A_132 = arith.constant 16383 : i32
      %and3A_133 = vector.broadcast %and3A_132 : i32 to vector<16xi32>
      %and3A_134 = arith.andi %get3A_131, %and3A_133 : vector<16xi32>
      %swap3A_135 = arith.constant 0 : i32
      %swap3A_136 = arith.index_cast %swap3A_135 : i32 to index
      %swap3A_137 = arith.constant 80 : index
      %swap3A_138 = tpu.vector_load %arg7[%swap3A_136, %swap3A_137] {strides = array<i32>} : memref<2x128xi32, #tpu.memory_space<vmem>>, vector<1x16xi32>,
      %swap3A_139 = vector.shape_cast %swap3A_138 : vector<1x16xi32> to vector<16xi32>
      %swap3A_140 = vector.shape_cast %and3A_134 : vector<16xi32> to vector<1x16xi32>
      tpu.vector_store %arg7[%swap3A_136, %swap3A_137], %swap3A_140 {strides = array<i32>} : memref<2x128xi32, #tpu.memory_space<vmem>>, vector<1x16xi32>,
      %shift_right_arithmetic3A_141 = arith.constant 14 : i32
      %shift_right_arithmetic3A_142 = vector.broadcast %shift_right_arithmetic3A_141 : i32 to vector<16xi32>
      %shift_right_arithmetic3A_143 = arith.shrsi %get3A_131, %shift_right_arithmetic3A_142 : vector<16xi32>
      %swap3A_144 = arith.constant 1 : i32
      %swap3A_145 = arith.index_cast %swap3A_144 : i32 to index
      %swap3A_146 = arith.constant 80 : index
      %swap3A_147 = tpu.vector_load %arg7[%swap3A_145, %swap3A_146] {strides = array<i32>} : memref<2x128xi32, #tpu.memory_space<vmem>>, vector<1x16xi32>,
      %swap3A_148 = vector.shape_cast %swap3A_147 : vector<1x16xi32> to vector<16xi32>
      %swap3A_149 = vector.shape_cast %shift_right_arithmetic3A_143 : vector<16xi32> to vector<1x16xi32>
      tpu.vector_store %arg7[%swap3A_145, %swap3A_146], %swap3A_149 {strides = array<i32>} : memref<2x128xi32, #tpu.memory_space<vmem>>, vector<1x16xi32>,
      %get3A_150 = arith.index_cast %while3A_21 : i32 to index
      %get3A_151 = arith.constant 96 : index
      %get3A_152 = tpu.vector_load %arg6[%get3A_150, %get3A_151] {strides = array<i32>} : memref<136x128xi32, #tpu.memory_space<vmem>>, vector<1x16xi32>,
      %get3A_153 = vector.shape_cast %get3A_152 : vector<1x16xi32> to vector<16xi32>
      %and3A_154 = arith.constant 16383 : i32
      %and3A_155 = vector.broadcast %and3A_154 : i32 to vector<16xi32>
      %and3A_156 = arith.andi %get3A_153, %and3A_155 : vector<16xi32>
      %swap3A_157 = arith.constant 0 : i32
      %swap3A_158 = arith.index_cast %swap3A_157 : i32 to index
      %swap3A_159 = arith.constant 96 : index
      %swap3A_160 = tpu.vector_load %arg7[%swap3A_158, %swap3A_159] {strides = array<i32>} : memref<2x128xi32, #tpu.memory_space<vmem>>, vector<1x16xi32>,
      %swap3A_161 = vector.shape_cast %swap3A_160 : vector<1x16xi32> to vector<16xi32>
      %swap3A_162 = vector.shape_cast %and3A_156 : vector<16xi32> to vector<1x16xi32>
      tpu.vector_store %arg7[%swap3A_158, %swap3A_159], %swap3A_162 {strides = array<i32>} : memref<2x128xi32, #tpu.memory_space<vmem>>, vector<1x16xi32>,
      %shift_right_arithmetic3A_163 = arith.constant 14 : i32
      %shift_right_arithmetic3A_164 = vector.broadcast %shift_right_arithmetic3A_163 : i32 to vector<16xi32>
      %shift_right_arithmetic3A_165 = arith.shrsi %get3A_153, %shift_right_arithmetic3A_164 : vector<16xi32>
      %swap3A_166 = arith.constant 1 : i32
      %swap3A_167 = arith.index_cast %swap3A_166 : i32 to index
      %swap3A_168 = arith.constant 96 : index
      %swap3A_169 = tpu.vector_load %arg7[%swap3A_167, %swap3A_168] {strides = array<i32>} : memref<2x128xi32, #tpu.memory_space<vmem>>, vector<1x16xi32>,
      %swap3A_170 = vector.shape_cast %swap3A_169 : vector<1x16xi32> to vector<16xi32>
      %swap3A_171 = vector.shape_cast %shift_right_arithmetic3A_165 : vector<16xi32> to vector<1x16xi32>
      tpu.vector_store %arg7[%swap3A_167, %swap3A_168], %swap3A_171 {strides = array<i32>} : memref<2x128xi32, #tpu.memory_space<vmem>>, vector<1x16xi32>,
      %get3A_172 = arith.index_cast %while3A_21 : i32 to index
      %get3A_173 = arith.constant 112 : index
      %get3A_174 = tpu.vector_load %arg6[%get3A_172, %get3A_173] {strides = array<i32>} : memref<136x128xi32, #tpu.memory_space<vmem>>, vector<1x16xi32>,
      %get3A_175 = vector.shape_cast %get3A_174 : vector<1x16xi32> to vector<16xi32>
      %and3A_176 = arith.constant 16383 : i32
      %and3A_177 = vector.broadcast %and3A_176 : i32 to vector<16xi32>
      %and3A_178 = arith.andi %get3A_175, %and3A_177 : vector<16xi32>
      %swap3A_179 = arith.constant 0 : i32
      %swap3A_180 = arith.index_cast %swap3A_179 : i32 to index
      %swap3A_181 = arith.constant 112 : index
      %swap3A_182 = tpu.vector_load %arg7[%swap3A_180, %swap3A_181] {strides = array<i32>} : memref<2x128xi32, #tpu.memory_space<vmem>>, vector<1x16xi32>,
      %swap3A_183 = vector.shape_cast %swap3A_182 : vector<1x16xi32> to vector<16xi32>
      %swap3A_184 = vector.shape_cast %and3A_178 : vector<16xi32> to vector<1x16xi32>
      tpu.vector_store %arg7[%swap3A_180, %swap3A_181], %swap3A_184 {strides = array<i32>} : memref<2x128xi32, #tpu.memory_space<vmem>>, vector<1x16xi32>,
      %shift_right_arithmetic3A_185 = arith.constant 14 : i32
      %shift_right_arithmetic3A_186 = vector.broadcast %shift_right_arithmetic3A_185 : i32 to vector<16xi32>
      %shift_right_arithmetic3A_187 = arith.shrsi %get3A_175, %shift_right_arithmetic3A_186 : vector<16xi32>
      %swap3A_188 = arith.constant 1 : i32
      %swap3A_189 = arith.index_cast %swap3A_188 : i32 to index
      %swap3A_190 = arith.constant 112 : index
      %swap3A_191 = tpu.vector_load %arg7[%swap3A_189, %swap3A_190] {strides = array<i32>} : memref<2x128xi32, #tpu.memory_space<vmem>>, vector<1x16xi32>,
      %swap3A_192 = vector.shape_cast %swap3A_191 : vector<1x16xi32> to vector<16xi32>
      %swap3A_193 = vector.shape_cast %shift_right_arithmetic3A_187 : vector<16xi32> to vector<1x16xi32>
      tpu.vector_store %arg7[%swap3A_189, %swap3A_190], %swap3A_193 {strides = array<i32>} : memref<2x128xi32, #tpu.memory_space<vmem>>, vector<1x16xi32>,
      %dma_start3A = arith.constant 0 : i32
      %dma_start3A_194 = arith.constant 0 : i32
      %dma_start3A_195 = tpu.memref_slice %arg7[%dma_start3A, %dma_start3A_194] : memref<2x128xi32, #tpu.memory_space<vmem>> -> memref<1x128xi32, #tpu.memory_space<vmem>>
      %dma_start3A_196 = tpu.memref_squeeze %dma_start3A_195 : memref<1x128xi32, #tpu.memory_space<vmem>> -> memref<128xi32, #tpu.memory_space<vmem>>
      %dma_start3A_197 = arith.constant 0 : i32
      %dma_start3A_198 = arith.constant 0 : i32
      %dma_start3A_199 = tpu.memref_slice %arg2[%dma_start3A_197, %dma_start3A_198] : memref<10112x128xf32, #tpu.memory_space<hbm>> -> memref<10112x128xf32, #tpu.memory_space<hbm>>
      tpu.enqueue_indirect_dma source(%dma_start3A_199 : memref<10112x128xf32, #tpu.memory_space<hbm>>) target(%arg8 : memref<128x128xf32, #tpu.memory_space<vmem>>) offsets(%dma_start3A_196 : memref<128xi32, #tpu.memory_space<vmem>>) semaphore(%arg9 : memref<!tpu.dma_semaphore, #tpu.memory_space<semaphore_mem>>)
      %dma_wait3A = arith.constant 0 : i32
      %dma_wait3A_200 = arith.constant 0 : i32
      %dma_wait3A_201 = tpu.memref_slice %arg7[%dma_wait3A, %dma_wait3A_200] : memref<2x128xi32, #tpu.memory_space<vmem>> -> memref<1x128xi32, #tpu.memory_space<vmem>>
      %dma_wait3A_202 = tpu.memref_squeeze %dma_wait3A_201 : memref<1x128xi32, #tpu.memory_space<vmem>> -> memref<128xi32, #tpu.memory_space<vmem>>
      %dma_wait3A_203 = arith.constant 0 : i32
      %dma_wait3A_204 = arith.constant 0 : i32
      %dma_wait3A_205 = tpu.memref_slice %arg2[%dma_wait3A_203, %dma_wait3A_204] : memref<10112x128xf32, #tpu.memory_space<hbm>> -> memref<10112x128xf32, #tpu.memory_space<hbm>>
      tpu.wait_indirect_dma semaphore(%arg9 : memref<!tpu.dma_semaphore, #tpu.memory_space<semaphore_mem>>) src(%dma_wait3A_205 : memref<10112x128xf32, #tpu.memory_space<hbm>>) dst(%arg8 : memref<128x128xf32, #tpu.memory_space<vmem>>)
      %run_scoped3A = arith.constant 1 : i32
      "tpu.region"() ({
        %run_scoped3A_206 = tpu.sem_alloc : memref<!tpu.dma_semaphore, #tpu.memory_space<semaphore_mem>>
        %dma_start3A_207 = arith.constant 0 : i32
        %dma_start3A_208 = tpu.memref_slice %arg7[%run_scoped3A, %dma_start3A_207] : memref<2x128xi32, #tpu.memory_space<vmem>> -> memref<1x128xi32, #tpu.memory_space<vmem>>
        %dma_start3A_209 = tpu.memref_squeeze %dma_start3A_208 : memref<1x128xi32, #tpu.memory_space<vmem>> -> memref<128xi32, #tpu.memory_space<vmem>>
        %dma_start3A_210 = arith.constant 0 : i32
        %dma_start3A_211 = arith.constant 0 : i32
        %dma_start3A_212 = tpu.memref_slice %arg10[%dma_start3A_210, %dma_start3A_211] : memref<10112x128xf32, #tpu.memory_space<vmem_shared>> -> memref<10112x128xf32, #tpu.memory_space<vmem_shared>>
        tpu.enqueue_indirect_dma source(%arg8 : memref<128x128xf32, #tpu.memory_space<vmem>>) target(%dma_start3A_212 : memref<10112x128xf32, #tpu.memory_space<vmem_shared>>) offsets(%dma_start3A_209 : memref<128xi32, #tpu.memory_space<vmem>>) semaphore(%run_scoped3A_206 : memref<!tpu.dma_semaphore, #tpu.memory_space<semaphore_mem>>) {add = true}
        %dma_wait3A_213 = arith.constant 0 : i32
        %dma_wait3A_214 = tpu.memref_slice %arg7[%run_scoped3A, %dma_wait3A_213] : memref<2x128xi32, #tpu.memory_space<vmem>> -> memref<1x128xi32, #tpu.memory_space<vmem>>
        %dma_wait3A_215 = tpu.memref_squeeze %dma_wait3A_214 : memref<1x128xi32, #tpu.memory_space<vmem>> -> memref<128xi32, #tpu.memory_space<vmem>>
        %dma_wait3A_216 = arith.constant 0 : i32
        %dma_wait3A_217 = arith.constant 0 : i32
        %dma_wait3A_218 = tpu.memref_slice %arg10[%dma_wait3A_216, %dma_wait3A_217] : memref<10112x128xf32, #tpu.memory_space<vmem_shared>> -> memref<10112x128xf32, #tpu.memory_space<vmem_shared>>
        tpu.wait_indirect_dma semaphore(%run_scoped3A_206 : memref<!tpu.dma_semaphore, #tpu.memory_space<semaphore_mem>>) src(%arg8 : memref<128x128xf32, #tpu.memory_space<vmem>>) dst(%dma_wait3A_218 : memref<10112x128xf32, #tpu.memory_space<vmem_shared>>)
        tpu.yield
      }) : () -> ()
    }
    %while3A_19 = arith.constant 1 : i32
    scf.for %while3A_21 = %while3A_17 to %while3A_13 step %while3A_19  : i32 {
      %get3A = arith.index_cast %while3A_21 : i32 to index
      %get3A_22 = arith.constant 0 : index
      %get3A_23 = tpu.vector_load %arg6[%get3A, %get3A_22] {strides = array<i32>} : memref<136x128xi32, #tpu.memory_space<vmem>>, vector<1x16xi32>,
      %get3A_24 = vector.shape_cast %get3A_23 : vector<1x16xi32> to vector<16xi32>
      %and3A = arith.constant 16383 : i32
      %and3A_25 = vector.broadcast %and3A : i32 to vector<16xi32>
      %and3A_26 = arith.andi %get3A_24, %and3A_25 : vector<16xi32>
      %swap3A = arith.constant 0 : i32
      %swap3A_27 = arith.index_cast %swap3A : i32 to index
      %swap3A_28 = arith.constant 0 : index
      %swap3A_29 = tpu.vector_load %arg7[%swap3A_27, %swap3A_28] {strides = array<i32>} : memref<2x128xi32, #tpu.memory_space<vmem>>, vector<1x16xi32>,
      %swap3A_30 = vector.shape_cast %swap3A_29 : vector<1x16xi32> to vector<16xi32>
      %swap3A_31 = vector.shape_cast %and3A_26 : vector<16xi32> to vector<1x16xi32>
      tpu.vector_store %arg7[%swap3A_27, %swap3A_28], %swap3A_31 {strides = array<i32>} : memref<2x128xi32, #tpu.memory_space<vmem>>, vector<1x16xi32>,
      %shift_right_arithmetic3A = arith.constant 14 : i32
      %shift_right_arithmetic3A_32 = vector.broadcast %shift_right_arithmetic3A : i32 to vector<16xi32>
      %shift_right_arithmetic3A_33 = arith.shrsi %get3A_24, %shift_right_arithmetic3A_32 : vector<16xi32>
      %swap3A_34 = arith.constant 1 : i32
      %swap3A_35 = arith.index_cast %swap3A_34 : i32 to index
      %swap3A_36 = arith.constant 0 : index
      %swap3A_37 = tpu.vector_load %arg7[%swap3A_35, %swap3A_36] {strides = array<i32>} : memref<2x128xi32, #tpu.memory_space<vmem>>, vector<1x16xi32>,
      %swap3A_38 = vector.shape_cast %swap3A_37 : vector<1x16xi32> to vector<16xi32>
      %swap3A_39 = vector.shape_cast %shift_right_arithmetic3A_33 : vector<16xi32> to vector<1x16xi32>
      tpu.vector_store %arg7[%swap3A_35, %swap3A_36], %swap3A_39 {strides = array<i32>} : memref<2x128xi32, #tpu.memory_space<vmem>>, vector<1x16xi32>,
      %get3A_40 = arith.index_cast %while3A_21 : i32 to index
      %get3A_41 = arith.constant 16 : index
      %get3A_42 = tpu.vector_load %arg6[%get3A_40, %get3A_41] {strides = array<i32>} : memref<136x128xi32, #tpu.memory_space<vmem>>, vector<1x16xi32>,
      %get3A_43 = vector.shape_cast %get3A_42 : vector<1x16xi32> to vector<16xi32>
      %and3A_44 = arith.constant 16383 : i32
      %and3A_45 = vector.broadcast %and3A_44 : i32 to vector<16xi32>
      %and3A_46 = arith.andi %get3A_43, %and3A_45 : vector<16xi32>
      %swap3A_47 = arith.constant 0 : i32
      %swap3A_48 = arith.index_cast %swap3A_47 : i32 to index
      %swap3A_49 = arith.constant 16 : index
      %swap3A_50 = tpu.vector_load %arg7[%swap3A_48, %swap3A_49] {strides = array<i32>} : memref<2x128xi32, #tpu.memory_space<vmem>>, vector<1x16xi32>,
      %swap3A_51 = vector.shape_cast %swap3A_50 : vector<1x16xi32> to vector<16xi32>
      %swap3A_52 = vector.shape_cast %and3A_46 : vector<16xi32> to vector<1x16xi32>
      tpu.vector_store %arg7[%swap3A_48, %swap3A_49], %swap3A_52 {strides = array<i32>} : memref<2x128xi32, #tpu.memory_space<vmem>>, vector<1x16xi32>,
      %shift_right_arithmetic3A_53 = arith.constant 14 : i32
      %shift_right_arithmetic3A_54 = vector.broadcast %shift_right_arithmetic3A_53 : i32 to vector<16xi32>
      %shift_right_arithmetic3A_55 = arith.shrsi %get3A_43, %shift_right_arithmetic3A_54 : vector<16xi32>
      %swap3A_56 = arith.constant 1 : i32
      %swap3A_57 = arith.index_cast %swap3A_56 : i32 to index
      %swap3A_58 = arith.constant 16 : index
      %swap3A_59 = tpu.vector_load %arg7[%swap3A_57, %swap3A_58] {strides = array<i32>} : memref<2x128xi32, #tpu.memory_space<vmem>>, vector<1x16xi32>,
      %swap3A_60 = vector.shape_cast %swap3A_59 : vector<1x16xi32> to vector<16xi32>
      %swap3A_61 = vector.shape_cast %shift_right_arithmetic3A_55 : vector<16xi32> to vector<1x16xi32>
      tpu.vector_store %arg7[%swap3A_57, %swap3A_58], %swap3A_61 {strides = array<i32>} : memref<2x128xi32, #tpu.memory_space<vmem>>, vector<1x16xi32>,
      %get3A_62 = arith.index_cast %while3A_21 : i32 to index
      %get3A_63 = arith.constant 32 : index
      %get3A_64 = tpu.vector_load %arg6[%get3A_62, %get3A_63] {strides = array<i32>} : memref<136x128xi32, #tpu.memory_space<vmem>>, vector<1x16xi32>,
      %get3A_65 = vector.shape_cast %get3A_64 : vector<1x16xi32> to vector<16xi32>
      %and3A_66 = arith.constant 16383 : i32
      %and3A_67 = vector.broadcast %and3A_66 : i32 to vector<16xi32>
      %and3A_68 = arith.andi %get3A_65, %and3A_67 : vector<16xi32>
      %swap3A_69 = arith.constant 0 : i32
      %swap3A_70 = arith.index_cast %swap3A_69 : i32 to index
      %swap3A_71 = arith.constant 32 : index
      %swap3A_72 = tpu.vector_load %arg7[%swap3A_70, %swap3A_71] {strides = array<i32>} : memref<2x128xi32, #tpu.memory_space<vmem>>, vector<1x16xi32>,
      %swap3A_73 = vector.shape_cast %swap3A_72 : vector<1x16xi32> to vector<16xi32>
      %swap3A_74 = vector.shape_cast %and3A_68 : vector<16xi32> to vector<1x16xi32>
      tpu.vector_store %arg7[%swap3A_70, %swap3A_71], %swap3A_74 {strides = array<i32>} : memref<2x128xi32, #tpu.memory_space<vmem>>, vector<1x16xi32>,
      %shift_right_arithmetic3A_75 = arith.constant 14 : i32
      %shift_right_arithmetic3A_76 = vector.broadcast %shift_right_arithmetic3A_75 : i32 to vector<16xi32>
      %shift_right_arithmetic3A_77 = arith.shrsi %get3A_65, %shift_right_arithmetic3A_76 : vector<16xi32>
      %swap3A_78 = arith.constant 1 : i32
      %swap3A_79 = arith.index_cast %swap3A_78 : i32 to index
      %swap3A_80 = arith.constant 32 : index
      %swap3A_81 = tpu.vector_load %arg7[%swap3A_79, %swap3A_80] {strides = array<i32>} : memref<2x128xi32, #tpu.memory_space<vmem>>, vector<1x16xi32>,
      %swap3A_82 = vector.shape_cast %swap3A_81 : vector<1x16xi32> to vector<16xi32>
      %swap3A_83 = vector.shape_cast %shift_right_arithmetic3A_77 : vector<16xi32> to vector<1x16xi32>
      tpu.vector_store %arg7[%swap3A_79, %swap3A_80], %swap3A_83 {strides = array<i32>} : memref<2x128xi32, #tpu.memory_space<vmem>>, vector<1x16xi32>,
      %get3A_84 = arith.index_cast %while3A_21 : i32 to index
      %get3A_85 = arith.constant 48 : index
      %get3A_86 = tpu.vector_load %arg6[%get3A_84, %get3A_85] {strides = array<i32>} : memref<136x128xi32, #tpu.memory_space<vmem>>, vector<1x16xi32>,
      %get3A_87 = vector.shape_cast %get3A_86 : vector<1x16xi32> to vector<16xi32>
      %and3A_88 = arith.constant 16383 : i32
      %and3A_89 = vector.broadcast %and3A_88 : i32 to vector<16xi32>
      %and3A_90 = arith.andi %get3A_87, %and3A_89 : vector<16xi32>
      %swap3A_91 = arith.constant 0 : i32
      %swap3A_92 = arith.index_cast %swap3A_91 : i32 to index
      %swap3A_93 = arith.constant 48 : index
      %swap3A_94 = tpu.vector_load %arg7[%swap3A_92, %swap3A_93] {strides = array<i32>} : memref<2x128xi32, #tpu.memory_space<vmem>>, vector<1x16xi32>,
      %swap3A_95 = vector.shape_cast %swap3A_94 : vector<1x16xi32> to vector<16xi32>
      %swap3A_96 = vector.shape_cast %and3A_90 : vector<16xi32> to vector<1x16xi32>
      tpu.vector_store %arg7[%swap3A_92, %swap3A_93], %swap3A_96 {strides = array<i32>} : memref<2x128xi32, #tpu.memory_space<vmem>>, vector<1x16xi32>,
      %shift_right_arithmetic3A_97 = arith.constant 14 : i32
      %shift_right_arithmetic3A_98 = vector.broadcast %shift_right_arithmetic3A_97 : i32 to vector<16xi32>
      %shift_right_arithmetic3A_99 = arith.shrsi %get3A_87, %shift_right_arithmetic3A_98 : vector<16xi32>
      %swap3A_100 = arith.constant 1 : i32
      %swap3A_101 = arith.index_cast %swap3A_100 : i32 to index
      %swap3A_102 = arith.constant 48 : index
      %swap3A_103 = tpu.vector_load %arg7[%swap3A_101, %swap3A_102] {strides = array<i32>} : memref<2x128xi32, #tpu.memory_space<vmem>>, vector<1x16xi32>,
      %swap3A_104 = vector.shape_cast %swap3A_103 : vector<1x16xi32> to vector<16xi32>
      %swap3A_105 = vector.shape_cast %shift_right_arithmetic3A_99 : vector<16xi32> to vector<1x16xi32>
      tpu.vector_store %arg7[%swap3A_101, %swap3A_102], %swap3A_105 {strides = array<i32>} : memref<2x128xi32, #tpu.memory_space<vmem>>, vector<1x16xi32>,
      %get3A_106 = arith.index_cast %while3A_21 : i32 to index
      %get3A_107 = arith.constant 64 : index
      %get3A_108 = tpu.vector_load %arg6[%get3A_106, %get3A_107] {strides = array<i32>} : memref<136x128xi32, #tpu.memory_space<vmem>>, vector<1x16xi32>,
      %get3A_109 = vector.shape_cast %get3A_108 : vector<1x16xi32> to vector<16xi32>
      %and3A_110 = arith.constant 16383 : i32
      %and3A_111 = vector.broadcast %and3A_110 : i32 to vector<16xi32>
      %and3A_112 = arith.andi %get3A_109, %and3A_111 : vector<16xi32>
      %swap3A_113 = arith.constant 0 : i32
      %swap3A_114 = arith.index_cast %swap3A_113 : i32 to index
      %swap3A_115 = arith.constant 64 : index
      %swap3A_116 = tpu.vector_load %arg7[%swap3A_114, %swap3A_115] {strides = array<i32>} : memref<2x128xi32, #tpu.memory_space<vmem>>, vector<1x16xi32>,
      %swap3A_117 = vector.shape_cast %swap3A_116 : vector<1x16xi32> to vector<16xi32>
      %swap3A_118 = vector.shape_cast %and3A_112 : vector<16xi32> to vector<1x16xi32>
      tpu.vector_store %arg7[%swap3A_114, %swap3A_115], %swap3A_118 {strides = array<i32>} : memref<2x128xi32, #tpu.memory_space<vmem>>, vector<1x16xi32>,
      %shift_right_arithmetic3A_119 = arith.constant 14 : i32
      %shift_right_arithmetic3A_120 = vector.broadcast %shift_right_arithmetic3A_119 : i32 to vector<16xi32>
      %shift_right_arithmetic3A_121 = arith.shrsi %get3A_109, %shift_right_arithmetic3A_120 : vector<16xi32>
      %swap3A_122 = arith.constant 1 : i32
      %swap3A_123 = arith.index_cast %swap3A_122 : i32 to index
      %swap3A_124 = arith.constant 64 : index
      %swap3A_125 = tpu.vector_load %arg7[%swap3A_123, %swap3A_124] {strides = array<i32>} : memref<2x128xi32, #tpu.memory_space<vmem>>, vector<1x16xi32>,
      %swap3A_126 = vector.shape_cast %swap3A_125 : vector<1x16xi32> to vector<16xi32>
      %swap3A_127 = vector.shape_cast %shift_right_arithmetic3A_121 : vector<16xi32> to vector<1x16xi32>
      tpu.vector_store %arg7[%swap3A_123, %swap3A_124], %swap3A_127 {strides = array<i32>} : memref<2x128xi32, #tpu.memory_space<vmem>>, vector<1x16xi32>,
      %get3A_128 = arith.index_cast %while3A_21 : i32 to index
      %get3A_129 = arith.constant 80 : index
      %get3A_130 = tpu.vector_load %arg6[%get3A_128, %get3A_129] {strides = array<i32>} : memref<136x128xi32, #tpu.memory_space<vmem>>, vector<1x16xi32>,
      %get3A_131 = vector.shape_cast %get3A_130 : vector<1x16xi32> to vector<16xi32>
      %and3A_132 = arith.constant 16383 : i32
      %and3A_133 = vector.broadcast %and3A_132 : i32 to vector<16xi32>
      %and3A_134 = arith.andi %get3A_131, %and3A_133 : vector<16xi32>
      %swap3A_135 = arith.constant 0 : i32
      %swap3A_136 = arith.index_cast %swap3A_135 : i32 to index
      %swap3A_137 = arith.constant 80 : index
      %swap3A_138 = tpu.vector_load %arg7[%swap3A_136, %swap3A_137] {strides = array<i32>} : memref<2x128xi32, #tpu.memory_space<vmem>>, vector<1x16xi32>,
      %swap3A_139 = vector.shape_cast %swap3A_138 : vector<1x16xi32> to vector<16xi32>
      %swap3A_140 = vector.shape_cast %and3A_134 : vector<16xi32> to vector<1x16xi32>
      tpu.vector_store %arg7[%swap3A_136, %swap3A_137], %swap3A_140 {strides = array<i32>} : memref<2x128xi32, #tpu.memory_space<vmem>>, vector<1x16xi32>,
      %shift_right_arithmetic3A_141 = arith.constant 14 : i32
      %shift_right_arithmetic3A_142 = vector.broadcast %shift_right_arithmetic3A_141 : i32 to vector<16xi32>
      %shift_right_arithmetic3A_143 = arith.shrsi %get3A_131, %shift_right_arithmetic3A_142 : vector<16xi32>
      %swap3A_144 = arith.constant 1 : i32
      %swap3A_145 = arith.index_cast %swap3A_144 : i32 to index
      %swap3A_146 = arith.constant 80 : index
      %swap3A_147 = tpu.vector_load %arg7[%swap3A_145, %swap3A_146] {strides = array<i32>} : memref<2x128xi32, #tpu.memory_space<vmem>>, vector<1x16xi32>,
      %swap3A_148 = vector.shape_cast %swap3A_147 : vector<1x16xi32> to vector<16xi32>
      %swap3A_149 = vector.shape_cast %shift_right_arithmetic3A_143 : vector<16xi32> to vector<1x16xi32>
      tpu.vector_store %arg7[%swap3A_145, %swap3A_146], %swap3A_149 {strides = array<i32>} : memref<2x128xi32, #tpu.memory_space<vmem>>, vector<1x16xi32>,
      %get3A_150 = arith.index_cast %while3A_21 : i32 to index
      %get3A_151 = arith.constant 96 : index
      %get3A_152 = tpu.vector_load %arg6[%get3A_150, %get3A_151] {strides = array<i32>} : memref<136x128xi32, #tpu.memory_space<vmem>>, vector<1x16xi32>,
      %get3A_153 = vector.shape_cast %get3A_152 : vector<1x16xi32> to vector<16xi32>
      %and3A_154 = arith.constant 16383 : i32
      %and3A_155 = vector.broadcast %and3A_154 : i32 to vector<16xi32>
      %and3A_156 = arith.andi %get3A_153, %and3A_155 : vector<16xi32>
      %swap3A_157 = arith.constant 0 : i32
      %swap3A_158 = arith.index_cast %swap3A_157 : i32 to index
      %swap3A_159 = arith.constant 96 : index
      %swap3A_160 = tpu.vector_load %arg7[%swap3A_158, %swap3A_159] {strides = array<i32>} : memref<2x128xi32, #tpu.memory_space<vmem>>, vector<1x16xi32>,
      %swap3A_161 = vector.shape_cast %swap3A_160 : vector<1x16xi32> to vector<16xi32>
      %swap3A_162 = vector.shape_cast %and3A_156 : vector<16xi32> to vector<1x16xi32>
      tpu.vector_store %arg7[%swap3A_158, %swap3A_159], %swap3A_162 {strides = array<i32>} : memref<2x128xi32, #tpu.memory_space<vmem>>, vector<1x16xi32>,
      %shift_right_arithmetic3A_163 = arith.constant 14 : i32
      %shift_right_arithmetic3A_164 = vector.broadcast %shift_right_arithmetic3A_163 : i32 to vector<16xi32>
      %shift_right_arithmetic3A_165 = arith.shrsi %get3A_153, %shift_right_arithmetic3A_164 : vector<16xi32>
      %swap3A_166 = arith.constant 1 : i32
      %swap3A_167 = arith.index_cast %swap3A_166 : i32 to index
      %swap3A_168 = arith.constant 96 : index
      %swap3A_169 = tpu.vector_load %arg7[%swap3A_167, %swap3A_168] {strides = array<i32>} : memref<2x128xi32, #tpu.memory_space<vmem>>, vector<1x16xi32>,
      %swap3A_170 = vector.shape_cast %swap3A_169 : vector<1x16xi32> to vector<16xi32>
      %swap3A_171 = vector.shape_cast %shift_right_arithmetic3A_165 : vector<16xi32> to vector<1x16xi32>
      tpu.vector_store %arg7[%swap3A_167, %swap3A_168], %swap3A_171 {strides = array<i32>} : memref<2x128xi32, #tpu.memory_space<vmem>>, vector<1x16xi32>,
      %get3A_172 = arith.index_cast %while3A_21 : i32 to index
      %get3A_173 = arith.constant 112 : index
      %get3A_174 = tpu.vector_load %arg6[%get3A_172, %get3A_173] {strides = array<i32>} : memref<136x128xi32, #tpu.memory_space<vmem>>, vector<1x16xi32>,
      %get3A_175 = vector.shape_cast %get3A_174 : vector<1x16xi32> to vector<16xi32>
      %and3A_176 = arith.constant 16383 : i32
      %and3A_177 = vector.broadcast %and3A_176 : i32 to vector<16xi32>
      %and3A_178 = arith.andi %get3A_175, %and3A_177 : vector<16xi32>
      %swap3A_179 = arith.constant 0 : i32
      %swap3A_180 = arith.index_cast %swap3A_179 : i32 to index
      %swap3A_181 = arith.constant 112 : index
      %swap3A_182 = tpu.vector_load %arg7[%swap3A_180, %swap3A_181] {strides = array<i32>} : memref<2x128xi32, #tpu.memory_space<vmem>>, vector<1x16xi32>,
      %swap3A_183 = vector.shape_cast %swap3A_182 : vector<1x16xi32> to vector<16xi32>
      %swap3A_184 = vector.shape_cast %and3A_178 : vector<16xi32> to vector<1x16xi32>
      tpu.vector_store %arg7[%swap3A_180, %swap3A_181], %swap3A_184 {strides = array<i32>} : memref<2x128xi32, #tpu.memory_space<vmem>>, vector<1x16xi32>,
      %shift_right_arithmetic3A_185 = arith.constant 14 : i32
      %shift_right_arithmetic3A_186 = vector.broadcast %shift_right_arithmetic3A_185 : i32 to vector<16xi32>
      %shift_right_arithmetic3A_187 = arith.shrsi %get3A_175, %shift_right_arithmetic3A_186 : vector<16xi32>
      %swap3A_188 = arith.constant 1 : i32
      %swap3A_189 = arith.index_cast %swap3A_188 : i32 to index
      %swap3A_190 = arith.constant 112 : index
      %swap3A_191 = tpu.vector_load %arg7[%swap3A_189, %swap3A_190] {strides = array<i32>} : memref<2x128xi32, #tpu.memory_space<vmem>>, vector<1x16xi32>,
      %swap3A_192 = vector.shape_cast %swap3A_191 : vector<1x16xi32> to vector<16xi32>
      %swap3A_193 = vector.shape_cast %shift_right_arithmetic3A_187 : vector<16xi32> to vector<1x16xi32>
      tpu.vector_store %arg7[%swap3A_189, %swap3A_190], %swap3A_193 {strides = array<i32>} : memref<2x128xi32, #tpu.memory_space<vmem>>, vector<1x16xi32>,
      %dma_start3A = arith.constant 0 : i32
      %dma_start3A_194 = arith.constant 0 : i32
      %dma_start3A_195 = tpu.memref_slice %arg7[%dma_start3A, %dma_start3A_194] : memref<2x128xi32, #tpu.memory_space<vmem>> -> memref<1x128xi32, #tpu.memory_space<vmem>>
      %dma_start3A_196 = tpu.memref_squeeze %dma_start3A_195 : memref<1x128xi32, #tpu.memory_space<vmem>> -> memref<128xi32, #tpu.memory_space<vmem>>
      %dma_start3A_197 = arith.constant 0 : i32
      %dma_start3A_198 = arith.constant 0 : i32
      %dma_start3A_199 = tpu.memref_slice %arg2[%dma_start3A_197, %dma_start3A_198] : memref<10112x128xf32, #tpu.memory_space<hbm>> -> memref<10112x128xf32, #tpu.memory_space<hbm>>
      tpu.enqueue_indirect_dma source(%dma_start3A_199 : memref<10112x128xf32, #tpu.memory_space<hbm>>) target(%arg8 : memref<128x128xf32, #tpu.memory_space<vmem>>) offsets(%dma_start3A_196 : memref<128xi32, #tpu.memory_space<vmem>>) semaphore(%arg9 : memref<!tpu.dma_semaphore, #tpu.memory_space<semaphore_mem>>)
      %dma_wait3A = arith.constant 0 : i32
      %dma_wait3A_200 = arith.constant 0 : i32
      %dma_wait3A_201 = tpu.memref_slice %arg7[%dma_wait3A, %dma_wait3A_200] : memref<2x128xi32, #tpu.memory_space<vmem>> -> memref<1x128xi32, #tpu.memory_space<vmem>>
      %dma_wait3A_202 = tpu.memref_squeeze %dma_wait3A_201 : memref<1x128xi32, #tpu.memory_space<vmem>> -> memref<128xi32, #tpu.memory_space<vmem>>
      %dma_wait3A_203 = arith.constant 0 : i32
      %dma_wait3A_204 = arith.constant 0 : i32
      %dma_wait3A_205 = tpu.memref_slice %arg2[%dma_wait3A_203, %dma_wait3A_204] : memref<10112x128xf32, #tpu.memory_space<hbm>> -> memref<10112x128xf32, #tpu.memory_space<hbm>>
      tpu.wait_indirect_dma semaphore(%arg9 : memref<!tpu.dma_semaphore, #tpu.memory_space<semaphore_mem>>) src(%dma_wait3A_205 : memref<10112x128xf32, #tpu.memory_space<hbm>>) dst(%arg8 : memref<128x128xf32, #tpu.memory_space<vmem>>)
      %run_scoped3A = arith.constant 1 : i32
      "tpu.region"() ({
        %run_scoped3A_206 = tpu.sem_alloc : memref<!tpu.dma_semaphore, #tpu.memory_space<semaphore_mem>>
        %dma_start3A_207 = arith.constant 0 : i32
        %dma_start3A_208 = tpu.memref_slice %arg7[%run_scoped3A, %dma_start3A_207] : memref<2x128xi32, #tpu.memory_space<vmem>> -> memref<1x128xi32, #tpu.memory_space<vmem>>
        %dma_start3A_209 = tpu.memref_squeeze %dma_start3A_208 : memref<1x128xi32, #tpu.memory_space<vmem>> -> memref<128xi32, #tpu.memory_space<vmem>>
        %dma_start3A_210 = arith.constant 0 : i32
        %dma_start3A_211 = arith.constant 0 : i32
        %dma_start3A_212 = tpu.memref_slice %arg10[%dma_start3A_210, %dma_start3A_211] : memref<10112x128xf32, #tpu.memory_space<vmem_shared>> -> memref<10112x128xf32, #tpu.memory_space<vmem_shared>>
        tpu.enqueue_indirect_dma source(%arg8 : memref<128x128xf32, #tpu.memory_space<vmem>>) target(%dma_start3A_212 : memref<10112x128xf32, #tpu.memory_space<vmem_shared>>) offsets(%dma_start3A_209 : memref<128xi32, #tpu.memory_space<vmem>>) semaphore(%run_scoped3A_206 : memref<!tpu.dma_semaphore, #tpu.memory_space<semaphore_mem>>) {add = true}
        %dma_wait3A_213 = arith.constant 0 : i32
        %dma_wait3A_214 = tpu.memref_slice %arg7[%run_scoped3A, %dma_wait3A_213] : memref<2x128xi32, #tpu.memory_space<vmem>> -> memref<1x128xi32, #tpu.memory_space<vmem>>
        %dma_wait3A_215 = tpu.memref_squeeze %dma_wait3A_214 : memref<1x128xi32, #tpu.memory_space<vmem>> -> memref<128xi32, #tpu.memory_space<vmem>>
        %dma_wait3A_216 = arith.constant 0 : i32
        %dma_wait3A_217 = arith.constant 0 : i32
        %dma_wait3A_218 = tpu.memref_slice %arg10[%dma_wait3A_216, %dma_wait3A_217] : memref<10112x128xf32, #tpu.memory_space<vmem_shared>> -> memref<10112x128xf32, #tpu.memory_space<vmem_shared>>
        tpu.wait_indirect_dma semaphore(%run_scoped3A_206 : memref<!tpu.dma_semaphore, #tpu.memory_space<semaphore_mem>>) src(%arg8 : memref<128x128xf32, #tpu.memory_space<vmem>>) dst(%dma_wait3A_218 : memref<10112x128xf32, #tpu.memory_space<vmem_shared>>)
        tpu.yield
      }) : () -> ()
    }
    %barrier3A_20 = arith.constant 0 : index
    tpu.barrier barrier_id(%barrier3A_20)
    "tpu.region"() ({
      %run_scoped3A = tpu.sem_alloc : memref<!tpu.dma_semaphore, #tpu.memory_space<semaphore_mem>>
      %dma_start3A = arith.constant 0 : i32
      %dma_start3A_21 = tpu.memref_slice %arg5[%arg0, %mul3A_0, %dma_start3A] : memref<2x10112x128xf32, #tpu.memory_space<hbm>> -> memref<1x632x128xf32, #tpu.memory_space<hbm>>
      %dma_start3A_22 = tpu.memref_squeeze %dma_start3A_21 : memref<1x632x128xf32, #tpu.memory_space<hbm>> -> memref<632x128xf32, #tpu.memory_space<hbm>>
      %dma_start3A_23 = arith.constant 0 : i32
      %dma_start3A_24 = tpu.memref_slice %arg10[%mul3A_0, %dma_start3A_23] : memref<10112x128xf32, #tpu.memory_space<vmem_shared>> -> memref<632x128xf32, #tpu.memory_space<vmem_shared>>
      tpu.enqueue_dma source(%dma_start3A_24 : memref<632x128xf32, #tpu.memory_space<vmem_shared>>) target(%dma_start3A_22 : memref<632x128xf32, #tpu.memory_space<hbm>>) target_semaphore(%run_scoped3A : memref<!tpu.dma_semaphore, #tpu.memory_space<semaphore_mem>>)
      %dma_wait3A = arith.constant 0 : i32
      %dma_wait3A_25 = tpu.memref_slice %arg5[%arg0, %mul3A_0, %dma_wait3A] : memref<2x10112x128xf32, #tpu.memory_space<hbm>> -> memref<1x632x128xf32, #tpu.memory_space<hbm>>
      %dma_wait3A_26 = tpu.memref_squeeze %dma_wait3A_25 : memref<1x632x128xf32, #tpu.memory_space<hbm>> -> memref<632x128xf32, #tpu.memory_space<hbm>>
      %dma_wait3A_27 = arith.constant 0 : i32
      %dma_wait3A_28 = tpu.memref_slice %arg10[%mul3A_0, %dma_wait3A_27] : memref<10112x128xf32, #tpu.memory_space<vmem_shared>> -> memref<632x128xf32, #tpu.memory_space<vmem_shared>>
      tpu.wait_dma2 semaphore(%run_scoped3A : memref<!tpu.dma_semaphore, #tpu.memory_space<semaphore_mem>>) src(%dma_wait3A_28 : memref<632x128xf32, #tpu.memory_space<vmem_shared>>) dst(%dma_wait3A_26 : memref<632x128xf32, #tpu.memory_space<hbm>>)
      tpu.yield
    }) : () -> ()
    return
  }
}

#map = affine_map<(d0, d1) -> (0, 0)>
#map1 = affine_map<(d0, d1) -> (0, 0, 0)>
module attributes {stable_mosaic.version = 14 : i64} {
  func.func @_agg_body(%arg0: i32, %arg1: i32, %arg2: memref<10112x128xf32, #tpu.memory_space<hbm>>, %arg3: memref<2560x128xi32, #tpu.memory_space<hbm>>, %arg4: memref<10112x128xf32, #tpu.memory_space<hbm>>, %arg5: memref<2x10112x128xf32, #tpu.memory_space<hbm>>, %arg6: memref<136x128xi32, #tpu.memory_space<vmem>>, %arg7: memref<2x128xi32, #tpu.memory_space<vmem>>, %arg8: memref<128x128xf32, #tpu.memory_space<vmem>>, %arg9: memref<!tpu.dma_semaphore, #tpu.memory_space<semaphore_mem>>, %arg10: memref<10112x128xf32, #tpu.memory_space<vmem_shared>>) attributes {dimension_semantics = [#tpu.dimension_semantics<core_parallel>, #tpu.dimension_semantics<subcore_parallel>], iteration_bounds = array<i64: 2, 16>, scalar_prefetch = 0 : i64, scratch_operands = 5 : i64, tpu.core_type = #tpu.core_type<sc_vector_subcore>, window_params = [{transform_indices = #map}, {transform_indices = #map}, {transform_indices = #map}, {transform_indices = #map1}]} {
    %mul3A = arith.constant 632 : i32
    %mul3A_0 = arith.muli %arg1, %mul3A : i32
    "tpu.region"() ({
      %run_scoped3A = tpu.sem_alloc : memref<!tpu.dma_semaphore, #tpu.memory_space<semaphore_mem>>
      %dma_start3A = arith.constant 0 : i32
      %dma_start3A_21 = tpu.memref_slice %arg10[%mul3A_0, %dma_start3A] : memref<10112x128xf32, #tpu.memory_space<vmem_shared>> -> memref<632x128xf32, #tpu.memory_space<vmem_shared>>
      %dma_start3A_22 = arith.constant 0 : i32
      %dma_start3A_23 = tpu.memref_slice %arg4[%mul3A_0, %dma_start3A_22] : memref<10112x128xf32, #tpu.memory_space<hbm>> -> memref<632x128xf32, #tpu.memory_space<hbm>>
      tpu.enqueue_dma source(%dma_start3A_23 : memref<632x128xf32, #tpu.memory_space<hbm>>) target(%dma_start3A_21 : memref<632x128xf32, #tpu.memory_space<vmem_shared>>) target_semaphore(%run_scoped3A : memref<!tpu.dma_semaphore, #tpu.memory_space<semaphore_mem>>)
      %dma_wait3A = arith.constant 0 : i32
      %dma_wait3A_24 = tpu.memref_slice %arg10[%mul3A_0, %dma_wait3A] : memref<10112x128xf32, #tpu.memory_space<vmem_shared>> -> memref<632x128xf32, #tpu.memory_space<vmem_shared>>
      %dma_wait3A_25 = arith.constant 0 : i32
      %dma_wait3A_26 = tpu.memref_slice %arg4[%mul3A_0, %dma_wait3A_25] : memref<10112x128xf32, #tpu.memory_space<hbm>> -> memref<632x128xf32, #tpu.memory_space<hbm>>
      tpu.wait_dma2 semaphore(%run_scoped3A : memref<!tpu.dma_semaphore, #tpu.memory_space<semaphore_mem>>) src(%dma_wait3A_26 : memref<632x128xf32, #tpu.memory_space<hbm>>) dst(%dma_wait3A_24 : memref<632x128xf32, #tpu.memory_space<vmem_shared>>)
      tpu.yield
    }) : () -> ()
    %eq3A = arith.constant 0 : i32
    %eq3A_1 = arith.cmpi eq, %arg0, %eq3A : i32
    %convert_element_type3A = arith.extui %eq3A_1 : i1 to i32
    %cond3A = arith.constant 0 : i32
    %cond3A_2 = arith.cmpi ne, %convert_element_type3A, %cond3A : i32
    scf.if %cond3A_2 {
      %mul3A_21 = arith.constant 136 : i32
      %mul3A_22 = arith.muli %arg1, %mul3A_21 : i32
      "tpu.region"() ({
        %run_scoped3A = tpu.sem_alloc : memref<!tpu.dma_semaphore, #tpu.memory_space<semaphore_mem>>
        %dma_start3A = arith.constant 0 : i32
        %dma_start3A_23 = arith.constant 0 : i32
        %dma_start3A_24 = tpu.memref_slice %arg6[%dma_start3A, %dma_start3A_23] : memref<136x128xi32, #tpu.memory_space<vmem>> -> memref<136x128xi32, #tpu.memory_space<vmem>>
        %dma_start3A_25 = arith.constant 0 : i32
        %dma_start3A_26 = tpu.memref_slice %arg3[%mul3A_22, %dma_start3A_25] : memref<2560x128xi32, #tpu.memory_space<hbm>> -> memref<136x128xi32, #tpu.memory_space<hbm>>
        %dma_start3A_27 = arith.constant 0 : i32
        %dma_start3A_28 = arith.constant 0 : i32
        %dma_start3A_29 = tpu.memref_slice %arg6[%dma_start3A_27, %dma_start3A_28] : memref<136x128xi32, #tpu.memory_space<vmem>> -> memref<136x128xi32, #tpu.memory_space<vmem>>
        %dma_start3A_30 = arith.constant 0 : i32
        %dma_start3A_31 = tpu.memref_slice %arg3[%mul3A_22, %dma_start3A_30] : memref<2560x128xi32, #tpu.memory_space<hbm>> -> memref<136x128xi32, #tpu.memory_space<hbm>>
        tpu.enqueue_dma source(%dma_start3A_31 : memref<136x128xi32, #tpu.memory_space<hbm>>) target(%dma_start3A_29 : memref<136x128xi32, #tpu.memory_space<vmem>>) target_semaphore(%run_scoped3A : memref<!tpu.dma_semaphore, #tpu.memory_space<semaphore_mem>>)
        %dma_wait3A = arith.constant 0 : i32
        %dma_wait3A_32 = arith.constant 0 : i32
        %dma_wait3A_33 = tpu.memref_slice %arg6[%dma_wait3A, %dma_wait3A_32] : memref<136x128xi32, #tpu.memory_space<vmem>> -> memref<136x128xi32, #tpu.memory_space<vmem>>
        %dma_wait3A_34 = arith.constant 0 : i32
        %dma_wait3A_35 = tpu.memref_slice %arg3[%mul3A_22, %dma_wait3A_34] : memref<2560x128xi32, #tpu.memory_space<hbm>> -> memref<136x128xi32, #tpu.memory_space<hbm>>
        %dma_wait3A_36 = arith.constant 0 : i32
        %dma_wait3A_37 = arith.constant 0 : i32
        %dma_wait3A_38 = tpu.memref_slice %arg6[%dma_wait3A_36, %dma_wait3A_37] : memref<136x128xi32, #tpu.memory_space<vmem>> -> memref<136x128xi32, #tpu.memory_space<vmem>>
        %dma_wait3A_39 = arith.constant 0 : i32
        %dma_wait3A_40 = tpu.memref_slice %arg3[%mul3A_22, %dma_wait3A_39] : memref<2560x128xi32, #tpu.memory_space<hbm>> -> memref<136x128xi32, #tpu.memory_space<hbm>>
        tpu.wait_dma2 semaphore(%run_scoped3A : memref<!tpu.dma_semaphore, #tpu.memory_space<semaphore_mem>>) src(%dma_wait3A_40 : memref<136x128xi32, #tpu.memory_space<hbm>>) dst(%dma_wait3A_38 : memref<136x128xi32, #tpu.memory_space<vmem>>)
        tpu.yield
      }) : () -> ()
    } else {
    }
    %eq3A_3 = arith.constant 1 : i32
    %eq3A_4 = arith.cmpi eq, %arg0, %eq3A_3 : i32
    %convert_element_type3A_5 = arith.extui %eq3A_4 : i1 to i32
    %cond3A_6 = arith.constant 0 : i32
    %cond3A_7 = arith.cmpi ne, %convert_element_type3A_5, %cond3A_6 : i32
    scf.if %cond3A_7 {
      %mul3A_21 = arith.constant 24 : i32
      %mul3A_22 = arith.muli %arg1, %mul3A_21 : i32
      %add3A = arith.constant 2176 : i32
      %add3A_23 = arith.addi %add3A, %mul3A_22 : i32
      "tpu.region"() ({
        %run_scoped3A = tpu.sem_alloc : memref<!tpu.dma_semaphore, #tpu.memory_space<semaphore_mem>>
        %dma_start3A = arith.constant 0 : i32
        %dma_start3A_24 = arith.constant 0 : i32
        %dma_start3A_25 = tpu.memref_slice %arg6[%dma_start3A, %dma_start3A_24] : memref<136x128xi32, #tpu.memory_space<vmem>> -> memref<24x128xi32, #tpu.memory_space<vmem>>
        %dma_start3A_26 = arith.constant 0 : i32
        %dma_start3A_27 = tpu.memref_slice %arg3[%add3A_23, %dma_start3A_26] : memref<2560x128xi32, #tpu.memory_space<hbm>> -> memref<24x128xi32, #tpu.memory_space<hbm>>
        %dma_start3A_28 = arith.constant 0 : i32
        %dma_start3A_29 = arith.constant 0 : i32
        %dma_start3A_30 = tpu.memref_slice %arg6[%dma_start3A_28, %dma_start3A_29] : memref<136x128xi32, #tpu.memory_space<vmem>> -> memref<24x128xi32, #tpu.memory_space<vmem>>
        %dma_start3A_31 = arith.constant 0 : i32
        %dma_start3A_32 = tpu.memref_slice %arg3[%add3A_23, %dma_start3A_31] : memref<2560x128xi32, #tpu.memory_space<hbm>> -> memref<24x128xi32, #tpu.memory_space<hbm>>
        tpu.enqueue_dma source(%dma_start3A_32 : memref<24x128xi32, #tpu.memory_space<hbm>>) target(%dma_start3A_30 : memref<24x128xi32, #tpu.memory_space<vmem>>) target_semaphore(%run_scoped3A : memref<!tpu.dma_semaphore, #tpu.memory_space<semaphore_mem>>)
        %dma_wait3A = arith.constant 0 : i32
        %dma_wait3A_33 = arith.constant 0 : i32
        %dma_wait3A_34 = tpu.memref_slice %arg6[%dma_wait3A, %dma_wait3A_33] : memref<136x128xi32, #tpu.memory_space<vmem>> -> memref<24x128xi32, #tpu.memory_space<vmem>>
        %dma_wait3A_35 = arith.constant 0 : i32
        %dma_wait3A_36 = tpu.memref_slice %arg3[%add3A_23, %dma_wait3A_35] : memref<2560x128xi32, #tpu.memory_space<hbm>> -> memref<24x128xi32, #tpu.memory_space<hbm>>
        %dma_wait3A_37 = arith.constant 0 : i32
        %dma_wait3A_38 = arith.constant 0 : i32
        %dma_wait3A_39 = tpu.memref_slice %arg6[%dma_wait3A_37, %dma_wait3A_38] : memref<136x128xi32, #tpu.memory_space<vmem>> -> memref<24x128xi32, #tpu.memory_space<vmem>>
        %dma_wait3A_40 = arith.constant 0 : i32
        %dma_wait3A_41 = tpu.memref_slice %arg3[%add3A_23, %dma_wait3A_40] : memref<2560x128xi32, #tpu.memory_space<hbm>> -> memref<24x128xi32, #tpu.memory_space<hbm>>
        tpu.wait_dma2 semaphore(%run_scoped3A : memref<!tpu.dma_semaphore, #tpu.memory_space<semaphore_mem>>) src(%dma_wait3A_41 : memref<24x128xi32, #tpu.memory_space<hbm>>) dst(%dma_wait3A_39 : memref<24x128xi32, #tpu.memory_space<vmem>>)
        tpu.yield
      }) : () -> ()
    } else {
    }
    %eq3A_8 = arith.constant 0 : i32
    %eq3A_9 = arith.cmpi eq, %arg0, %eq3A_8 : i32
    %jit3A = arith.constant 136 : i32
    %jit3A_10 = arith.constant 24 : i32
    %select_n3A = arith.select %eq3A_9, %jit3A, %jit3A_10 : i32
    %barrier3A = arith.constant 0 : index
    tpu.barrier barrier_id(%barrier3A)
    %while3A = arith.constant 0 : i32
    %while3A_11 = arith.constant 0 : i32
    %while3A_12 = arith.subi %select_n3A, %while3A_11 : i32
    %while3A_13 = arith.addi %while3A_11, %while3A_12 : i32
    %while3A_14 = arith.constant 1 : i32
    %while3A_15 = arith.divsi %while3A_12, %while3A_14 : i32
    %while3A_16 = arith.muli %while3A_15, %while3A_14 : i32
    %while3A_17 = arith.addi %while3A_11, %while3A_16 : i32
    %while3A_18 = arith.constant 1 : i32
    scf.for %while3A_21 = %while3A_11 to %while3A_17 step %while3A_18  : i32 {
      %get3A = arith.index_cast %while3A_21 : i32 to index
      %get3A_22 = arith.constant 0 : index
      %get3A_23 = tpu.vector_load %arg6[%get3A, %get3A_22] {strides = array<i32>} : memref<136x128xi32, #tpu.memory_space<vmem>>, vector<1x16xi32>,
      %get3A_24 = vector.shape_cast %get3A_23 : vector<1x16xi32> to vector<16xi32>
      %and3A = arith.constant 16383 : i32
      %and3A_25 = vector.broadcast %and3A : i32 to vector<16xi32>
      %and3A_26 = arith.andi %get3A_24, %and3A_25 : vector<16xi32>
      %swap3A = arith.constant 0 : i32
      %swap3A_27 = arith.index_cast %swap3A : i32 to index
      %swap3A_28 = arith.constant 0 : index
      %swap3A_29 = tpu.vector_load %arg7[%swap3A_27, %swap3A_28] {strides = array<i32>} : memref<2x128xi32, #tpu.memory_space<vmem>>, vector<1x16xi32>,
      %swap3A_30 = vector.shape_cast %swap3A_29 : vector<1x16xi32> to vector<16xi32>
      %swap3A_31 = vector.shape_cast %and3A_26 : vector<16xi32> to vector<1x16xi32>
      tpu.vector_store %arg7[%swap3A_27, %swap3A_28], %swap3A_31 {strides = array<i32>} : memref<2x128xi32, #tpu.memory_space<vmem>>, vector<1x16xi32>,
      %shift_right_arithmetic3A = arith.constant 14 : i32
      %shift_right_arithmetic3A_32 = vector.broadcast %shift_right_arithmetic3A : i32 to vector<16xi32>
      %shift_right_arithmetic3A_33 = arith.shrsi %get3A_24, %shift_right_arithmetic3A_32 : vector<16xi32>
      %swap3A_34 = arith.constant 1 : i32
      %swap3A_35 = arith.index_cast %swap3A_34 : i32 to index
      %swap3A_36 = arith.constant 0 : index
      %swap3A_37 = tpu.vector_load %arg7[%swap3A_35, %swap3A_36] {strides = array<i32>} : memref<2x128xi32, #tpu.memory_space<vmem>>, vector<1x16xi32>,
      %swap3A_38 = vector.shape_cast %swap3A_37 : vector<1x16xi32> to vector<16xi32>
      %swap3A_39 = vector.shape_cast %shift_right_arithmetic3A_33 : vector<16xi32> to vector<1x16xi32>
      tpu.vector_store %arg7[%swap3A_35, %swap3A_36], %swap3A_39 {strides = array<i32>} : memref<2x128xi32, #tpu.memory_space<vmem>>, vector<1x16xi32>,
      %get3A_40 = arith.index_cast %while3A_21 : i32 to index
      %get3A_41 = arith.constant 16 : index
      %get3A_42 = tpu.vector_load %arg6[%get3A_40, %get3A_41] {strides = array<i32>} : memref<136x128xi32, #tpu.memory_space<vmem>>, vector<1x16xi32>,
      %get3A_43 = vector.shape_cast %get3A_42 : vector<1x16xi32> to vector<16xi32>
      %and3A_44 = arith.constant 16383 : i32
      %and3A_45 = vector.broadcast %and3A_44 : i32 to vector<16xi32>
      %and3A_46 = arith.andi %get3A_43, %and3A_45 : vector<16xi32>
      %swap3A_47 = arith.constant 0 : i32
      %swap3A_48 = arith.index_cast %swap3A_47 : i32 to index
      %swap3A_49 = arith.constant 16 : index
      %swap3A_50 = tpu.vector_load %arg7[%swap3A_48, %swap3A_49] {strides = array<i32>} : memref<2x128xi32, #tpu.memory_space<vmem>>, vector<1x16xi32>,
      %swap3A_51 = vector.shape_cast %swap3A_50 : vector<1x16xi32> to vector<16xi32>
      %swap3A_52 = vector.shape_cast %and3A_46 : vector<16xi32> to vector<1x16xi32>
      tpu.vector_store %arg7[%swap3A_48, %swap3A_49], %swap3A_52 {strides = array<i32>} : memref<2x128xi32, #tpu.memory_space<vmem>>, vector<1x16xi32>,
      %shift_right_arithmetic3A_53 = arith.constant 14 : i32
      %shift_right_arithmetic3A_54 = vector.broadcast %shift_right_arithmetic3A_53 : i32 to vector<16xi32>
      %shift_right_arithmetic3A_55 = arith.shrsi %get3A_43, %shift_right_arithmetic3A_54 : vector<16xi32>
      %swap3A_56 = arith.constant 1 : i32
      %swap3A_57 = arith.index_cast %swap3A_56 : i32 to index
      %swap3A_58 = arith.constant 16 : index
      %swap3A_59 = tpu.vector_load %arg7[%swap3A_57, %swap3A_58] {strides = array<i32>} : memref<2x128xi32, #tpu.memory_space<vmem>>, vector<1x16xi32>,
      %swap3A_60 = vector.shape_cast %swap3A_59 : vector<1x16xi32> to vector<16xi32>
      %swap3A_61 = vector.shape_cast %shift_right_arithmetic3A_55 : vector<16xi32> to vector<1x16xi32>
      tpu.vector_store %arg7[%swap3A_57, %swap3A_58], %swap3A_61 {strides = array<i32>} : memref<2x128xi32, #tpu.memory_space<vmem>>, vector<1x16xi32>,
      %get3A_62 = arith.index_cast %while3A_21 : i32 to index
      %get3A_63 = arith.constant 32 : index
      %get3A_64 = tpu.vector_load %arg6[%get3A_62, %get3A_63] {strides = array<i32>} : memref<136x128xi32, #tpu.memory_space<vmem>>, vector<1x16xi32>,
      %get3A_65 = vector.shape_cast %get3A_64 : vector<1x16xi32> to vector<16xi32>
      %and3A_66 = arith.constant 16383 : i32
      %and3A_67 = vector.broadcast %and3A_66 : i32 to vector<16xi32>
      %and3A_68 = arith.andi %get3A_65, %and3A_67 : vector<16xi32>
      %swap3A_69 = arith.constant 0 : i32
      %swap3A_70 = arith.index_cast %swap3A_69 : i32 to index
      %swap3A_71 = arith.constant 32 : index
      %swap3A_72 = tpu.vector_load %arg7[%swap3A_70, %swap3A_71] {strides = array<i32>} : memref<2x128xi32, #tpu.memory_space<vmem>>, vector<1x16xi32>,
      %swap3A_73 = vector.shape_cast %swap3A_72 : vector<1x16xi32> to vector<16xi32>
      %swap3A_74 = vector.shape_cast %and3A_68 : vector<16xi32> to vector<1x16xi32>
      tpu.vector_store %arg7[%swap3A_70, %swap3A_71], %swap3A_74 {strides = array<i32>} : memref<2x128xi32, #tpu.memory_space<vmem>>, vector<1x16xi32>,
      %shift_right_arithmetic3A_75 = arith.constant 14 : i32
      %shift_right_arithmetic3A_76 = vector.broadcast %shift_right_arithmetic3A_75 : i32 to vector<16xi32>
      %shift_right_arithmetic3A_77 = arith.shrsi %get3A_65, %shift_right_arithmetic3A_76 : vector<16xi32>
      %swap3A_78 = arith.constant 1 : i32
      %swap3A_79 = arith.index_cast %swap3A_78 : i32 to index
      %swap3A_80 = arith.constant 32 : index
      %swap3A_81 = tpu.vector_load %arg7[%swap3A_79, %swap3A_80] {strides = array<i32>} : memref<2x128xi32, #tpu.memory_space<vmem>>, vector<1x16xi32>,
      %swap3A_82 = vector.shape_cast %swap3A_81 : vector<1x16xi32> to vector<16xi32>
      %swap3A_83 = vector.shape_cast %shift_right_arithmetic3A_77 : vector<16xi32> to vector<1x16xi32>
      tpu.vector_store %arg7[%swap3A_79, %swap3A_80], %swap3A_83 {strides = array<i32>} : memref<2x128xi32, #tpu.memory_space<vmem>>, vector<1x16xi32>,
      %get3A_84 = arith.index_cast %while3A_21 : i32 to index
      %get3A_85 = arith.constant 48 : index
      %get3A_86 = tpu.vector_load %arg6[%get3A_84, %get3A_85] {strides = array<i32>} : memref<136x128xi32, #tpu.memory_space<vmem>>, vector<1x16xi32>,
      %get3A_87 = vector.shape_cast %get3A_86 : vector<1x16xi32> to vector<16xi32>
      %and3A_88 = arith.constant 16383 : i32
      %and3A_89 = vector.broadcast %and3A_88 : i32 to vector<16xi32>
      %and3A_90 = arith.andi %get3A_87, %and3A_89 : vector<16xi32>
      %swap3A_91 = arith.constant 0 : i32
      %swap3A_92 = arith.index_cast %swap3A_91 : i32 to index
      %swap3A_93 = arith.constant 48 : index
      %swap3A_94 = tpu.vector_load %arg7[%swap3A_92, %swap3A_93] {strides = array<i32>} : memref<2x128xi32, #tpu.memory_space<vmem>>, vector<1x16xi32>,
      %swap3A_95 = vector.shape_cast %swap3A_94 : vector<1x16xi32> to vector<16xi32>
      %swap3A_96 = vector.shape_cast %and3A_90 : vector<16xi32> to vector<1x16xi32>
      tpu.vector_store %arg7[%swap3A_92, %swap3A_93], %swap3A_96 {strides = array<i32>} : memref<2x128xi32, #tpu.memory_space<vmem>>, vector<1x16xi32>,
      %shift_right_arithmetic3A_97 = arith.constant 14 : i32
      %shift_right_arithmetic3A_98 = vector.broadcast %shift_right_arithmetic3A_97 : i32 to vector<16xi32>
      %shift_right_arithmetic3A_99 = arith.shrsi %get3A_87, %shift_right_arithmetic3A_98 : vector<16xi32>
      %swap3A_100 = arith.constant 1 : i32
      %swap3A_101 = arith.index_cast %swap3A_100 : i32 to index
      %swap3A_102 = arith.constant 48 : index
      %swap3A_103 = tpu.vector_load %arg7[%swap3A_101, %swap3A_102] {strides = array<i32>} : memref<2x128xi32, #tpu.memory_space<vmem>>, vector<1x16xi32>,
      %swap3A_104 = vector.shape_cast %swap3A_103 : vector<1x16xi32> to vector<16xi32>
      %swap3A_105 = vector.shape_cast %shift_right_arithmetic3A_99 : vector<16xi32> to vector<1x16xi32>
      tpu.vector_store %arg7[%swap3A_101, %swap3A_102], %swap3A_105 {strides = array<i32>} : memref<2x128xi32, #tpu.memory_space<vmem>>, vector<1x16xi32>,
      %get3A_106 = arith.index_cast %while3A_21 : i32 to index
      %get3A_107 = arith.constant 64 : index
      %get3A_108 = tpu.vector_load %arg6[%get3A_106, %get3A_107] {strides = array<i32>} : memref<136x128xi32, #tpu.memory_space<vmem>>, vector<1x16xi32>,
      %get3A_109 = vector.shape_cast %get3A_108 : vector<1x16xi32> to vector<16xi32>
      %and3A_110 = arith.constant 16383 : i32
      %and3A_111 = vector.broadcast %and3A_110 : i32 to vector<16xi32>
      %and3A_112 = arith.andi %get3A_109, %and3A_111 : vector<16xi32>
      %swap3A_113 = arith.constant 0 : i32
      %swap3A_114 = arith.index_cast %swap3A_113 : i32 to index
      %swap3A_115 = arith.constant 64 : index
      %swap3A_116 = tpu.vector_load %arg7[%swap3A_114, %swap3A_115] {strides = array<i32>} : memref<2x128xi32, #tpu.memory_space<vmem>>, vector<1x16xi32>,
      %swap3A_117 = vector.shape_cast %swap3A_116 : vector<1x16xi32> to vector<16xi32>
      %swap3A_118 = vector.shape_cast %and3A_112 : vector<16xi32> to vector<1x16xi32>
      tpu.vector_store %arg7[%swap3A_114, %swap3A_115], %swap3A_118 {strides = array<i32>} : memref<2x128xi32, #tpu.memory_space<vmem>>, vector<1x16xi32>,
      %shift_right_arithmetic3A_119 = arith.constant 14 : i32
      %shift_right_arithmetic3A_120 = vector.broadcast %shift_right_arithmetic3A_119 : i32 to vector<16xi32>
      %shift_right_arithmetic3A_121 = arith.shrsi %get3A_109, %shift_right_arithmetic3A_120 : vector<16xi32>
      %swap3A_122 = arith.constant 1 : i32
      %swap3A_123 = arith.index_cast %swap3A_122 : i32 to index
      %swap3A_124 = arith.constant 64 : index
      %swap3A_125 = tpu.vector_load %arg7[%swap3A_123, %swap3A_124] {strides = array<i32>} : memref<2x128xi32, #tpu.memory_space<vmem>>, vector<1x16xi32>,
      %swap3A_126 = vector.shape_cast %swap3A_125 : vector<1x16xi32> to vector<16xi32>
      %swap3A_127 = vector.shape_cast %shift_right_arithmetic3A_121 : vector<16xi32> to vector<1x16xi32>
      tpu.vector_store %arg7[%swap3A_123, %swap3A_124], %swap3A_127 {strides = array<i32>} : memref<2x128xi32, #tpu.memory_space<vmem>>, vector<1x16xi32>,
      %get3A_128 = arith.index_cast %while3A_21 : i32 to index
      %get3A_129 = arith.constant 80 : index
      %get3A_130 = tpu.vector_load %arg6[%get3A_128, %get3A_129] {strides = array<i32>} : memref<136x128xi32, #tpu.memory_space<vmem>>, vector<1x16xi32>,
      %get3A_131 = vector.shape_cast %get3A_130 : vector<1x16xi32> to vector<16xi32>
      %and3A_132 = arith.constant 16383 : i32
      %and3A_133 = vector.broadcast %and3A_132 : i32 to vector<16xi32>
      %and3A_134 = arith.andi %get3A_131, %and3A_133 : vector<16xi32>
      %swap3A_135 = arith.constant 0 : i32
      %swap3A_136 = arith.index_cast %swap3A_135 : i32 to index
      %swap3A_137 = arith.constant 80 : index
      %swap3A_138 = tpu.vector_load %arg7[%swap3A_136, %swap3A_137] {strides = array<i32>} : memref<2x128xi32, #tpu.memory_space<vmem>>, vector<1x16xi32>,
      %swap3A_139 = vector.shape_cast %swap3A_138 : vector<1x16xi32> to vector<16xi32>
      %swap3A_140 = vector.shape_cast %and3A_134 : vector<16xi32> to vector<1x16xi32>
      tpu.vector_store %arg7[%swap3A_136, %swap3A_137], %swap3A_140 {strides = array<i32>} : memref<2x128xi32, #tpu.memory_space<vmem>>, vector<1x16xi32>,
      %shift_right_arithmetic3A_141 = arith.constant 14 : i32
      %shift_right_arithmetic3A_142 = vector.broadcast %shift_right_arithmetic3A_141 : i32 to vector<16xi32>
      %shift_right_arithmetic3A_143 = arith.shrsi %get3A_131, %shift_right_arithmetic3A_142 : vector<16xi32>
      %swap3A_144 = arith.constant 1 : i32
      %swap3A_145 = arith.index_cast %swap3A_144 : i32 to index
      %swap3A_146 = arith.constant 80 : index
      %swap3A_147 = tpu.vector_load %arg7[%swap3A_145, %swap3A_146] {strides = array<i32>} : memref<2x128xi32, #tpu.memory_space<vmem>>, vector<1x16xi32>,
      %swap3A_148 = vector.shape_cast %swap3A_147 : vector<1x16xi32> to vector<16xi32>
      %swap3A_149 = vector.shape_cast %shift_right_arithmetic3A_143 : vector<16xi32> to vector<1x16xi32>
      tpu.vector_store %arg7[%swap3A_145, %swap3A_146], %swap3A_149 {strides = array<i32>} : memref<2x128xi32, #tpu.memory_space<vmem>>, vector<1x16xi32>,
      %get3A_150 = arith.index_cast %while3A_21 : i32 to index
      %get3A_151 = arith.constant 96 : index
      %get3A_152 = tpu.vector_load %arg6[%get3A_150, %get3A_151] {strides = array<i32>} : memref<136x128xi32, #tpu.memory_space<vmem>>, vector<1x16xi32>,
      %get3A_153 = vector.shape_cast %get3A_152 : vector<1x16xi32> to vector<16xi32>
      %and3A_154 = arith.constant 16383 : i32
      %and3A_155 = vector.broadcast %and3A_154 : i32 to vector<16xi32>
      %and3A_156 = arith.andi %get3A_153, %and3A_155 : vector<16xi32>
      %swap3A_157 = arith.constant 0 : i32
      %swap3A_158 = arith.index_cast %swap3A_157 : i32 to index
      %swap3A_159 = arith.constant 96 : index
      %swap3A_160 = tpu.vector_load %arg7[%swap3A_158, %swap3A_159] {strides = array<i32>} : memref<2x128xi32, #tpu.memory_space<vmem>>, vector<1x16xi32>,
      %swap3A_161 = vector.shape_cast %swap3A_160 : vector<1x16xi32> to vector<16xi32>
      %swap3A_162 = vector.shape_cast %and3A_156 : vector<16xi32> to vector<1x16xi32>
      tpu.vector_store %arg7[%swap3A_158, %swap3A_159], %swap3A_162 {strides = array<i32>} : memref<2x128xi32, #tpu.memory_space<vmem>>, vector<1x16xi32>,
      %shift_right_arithmetic3A_163 = arith.constant 14 : i32
      %shift_right_arithmetic3A_164 = vector.broadcast %shift_right_arithmetic3A_163 : i32 to vector<16xi32>
      %shift_right_arithmetic3A_165 = arith.shrsi %get3A_153, %shift_right_arithmetic3A_164 : vector<16xi32>
      %swap3A_166 = arith.constant 1 : i32
      %swap3A_167 = arith.index_cast %swap3A_166 : i32 to index
      %swap3A_168 = arith.constant 96 : index
      %swap3A_169 = tpu.vector_load %arg7[%swap3A_167, %swap3A_168] {strides = array<i32>} : memref<2x128xi32, #tpu.memory_space<vmem>>, vector<1x16xi32>,
      %swap3A_170 = vector.shape_cast %swap3A_169 : vector<1x16xi32> to vector<16xi32>
      %swap3A_171 = vector.shape_cast %shift_right_arithmetic3A_165 : vector<16xi32> to vector<1x16xi32>
      tpu.vector_store %arg7[%swap3A_167, %swap3A_168], %swap3A_171 {strides = array<i32>} : memref<2x128xi32, #tpu.memory_space<vmem>>, vector<1x16xi32>,
      %get3A_172 = arith.index_cast %while3A_21 : i32 to index
      %get3A_173 = arith.constant 112 : index
      %get3A_174 = tpu.vector_load %arg6[%get3A_172, %get3A_173] {strides = array<i32>} : memref<136x128xi32, #tpu.memory_space<vmem>>, vector<1x16xi32>,
      %get3A_175 = vector.shape_cast %get3A_174 : vector<1x16xi32> to vector<16xi32>
      %and3A_176 = arith.constant 16383 : i32
      %and3A_177 = vector.broadcast %and3A_176 : i32 to vector<16xi32>
      %and3A_178 = arith.andi %get3A_175, %and3A_177 : vector<16xi32>
      %swap3A_179 = arith.constant 0 : i32
      %swap3A_180 = arith.index_cast %swap3A_179 : i32 to index
      %swap3A_181 = arith.constant 112 : index
      %swap3A_182 = tpu.vector_load %arg7[%swap3A_180, %swap3A_181] {strides = array<i32>} : memref<2x128xi32, #tpu.memory_space<vmem>>, vector<1x16xi32>,
      %swap3A_183 = vector.shape_cast %swap3A_182 : vector<1x16xi32> to vector<16xi32>
      %swap3A_184 = vector.shape_cast %and3A_178 : vector<16xi32> to vector<1x16xi32>
      tpu.vector_store %arg7[%swap3A_180, %swap3A_181], %swap3A_184 {strides = array<i32>} : memref<2x128xi32, #tpu.memory_space<vmem>>, vector<1x16xi32>,
      %shift_right_arithmetic3A_185 = arith.constant 14 : i32
      %shift_right_arithmetic3A_186 = vector.broadcast %shift_right_arithmetic3A_185 : i32 to vector<16xi32>
      %shift_right_arithmetic3A_187 = arith.shrsi %get3A_175, %shift_right_arithmetic3A_186 : vector<16xi32>
      %swap3A_188 = arith.constant 1 : i32
      %swap3A_189 = arith.index_cast %swap3A_188 : i32 to index
      %swap3A_190 = arith.constant 112 : index
      %swap3A_191 = tpu.vector_load %arg7[%swap3A_189, %swap3A_190] {strides = array<i32>} : memref<2x128xi32, #tpu.memory_space<vmem>>, vector<1x16xi32>,
      %swap3A_192 = vector.shape_cast %swap3A_191 : vector<1x16xi32> to vector<16xi32>
      %swap3A_193 = vector.shape_cast %shift_right_arithmetic3A_187 : vector<16xi32> to vector<1x16xi32>
      tpu.vector_store %arg7[%swap3A_189, %swap3A_190], %swap3A_193 {strides = array<i32>} : memref<2x128xi32, #tpu.memory_space<vmem>>, vector<1x16xi32>,
      %dma_start3A = arith.constant 0 : i32
      %dma_start3A_194 = arith.constant 0 : i32
      %dma_start3A_195 = tpu.memref_slice %arg7[%dma_start3A, %dma_start3A_194] : memref<2x128xi32, #tpu.memory_space<vmem>> -> memref<1x128xi32, #tpu.memory_space<vmem>>
      %dma_start3A_196 = tpu.memref_squeeze %dma_start3A_195 : memref<1x128xi32, #tpu.memory_space<vmem>> -> memref<128xi32, #tpu.memory_space<vmem>>
      %dma_start3A_197 = arith.constant 0 : i32
      %dma_start3A_198 = arith.constant 0 : i32
      %dma_start3A_199 = tpu.memref_slice %arg2[%dma_start3A_197, %dma_start3A_198] : memref<10112x128xf32, #tpu.memory_space<hbm>> -> memref<10112x128xf32, #tpu.memory_space<hbm>>
      tpu.enqueue_indirect_dma source(%dma_start3A_199 : memref<10112x128xf32, #tpu.memory_space<hbm>>) target(%arg8 : memref<128x128xf32, #tpu.memory_space<vmem>>) offsets(%dma_start3A_196 : memref<128xi32, #tpu.memory_space<vmem>>) semaphore(%arg9 : memref<!tpu.dma_semaphore, #tpu.memory_space<semaphore_mem>>)
      %dma_wait3A = arith.constant 0 : i32
      %dma_wait3A_200 = arith.constant 0 : i32
      %dma_wait3A_201 = tpu.memref_slice %arg7[%dma_wait3A, %dma_wait3A_200] : memref<2x128xi32, #tpu.memory_space<vmem>> -> memref<1x128xi32, #tpu.memory_space<vmem>>
      %dma_wait3A_202 = tpu.memref_squeeze %dma_wait3A_201 : memref<1x128xi32, #tpu.memory_space<vmem>> -> memref<128xi32, #tpu.memory_space<vmem>>
      %dma_wait3A_203 = arith.constant 0 : i32
      %dma_wait3A_204 = arith.constant 0 : i32
      %dma_wait3A_205 = tpu.memref_slice %arg2[%dma_wait3A_203, %dma_wait3A_204] : memref<10112x128xf32, #tpu.memory_space<hbm>> -> memref<10112x128xf32, #tpu.memory_space<hbm>>
      tpu.wait_indirect_dma semaphore(%arg9 : memref<!tpu.dma_semaphore, #tpu.memory_space<semaphore_mem>>) src(%dma_wait3A_205 : memref<10112x128xf32, #tpu.memory_space<hbm>>) dst(%arg8 : memref<128x128xf32, #tpu.memory_space<vmem>>)
      %run_scoped3A = arith.constant 1 : i32
      "tpu.region"() ({
        %run_scoped3A_206 = tpu.sem_alloc : memref<!tpu.dma_semaphore, #tpu.memory_space<semaphore_mem>>
        %dma_start3A_207 = arith.constant 0 : i32
        %dma_start3A_208 = tpu.memref_slice %arg7[%run_scoped3A, %dma_start3A_207] : memref<2x128xi32, #tpu.memory_space<vmem>> -> memref<1x128xi32, #tpu.memory_space<vmem>>
        %dma_start3A_209 = tpu.memref_squeeze %dma_start3A_208 : memref<1x128xi32, #tpu.memory_space<vmem>> -> memref<128xi32, #tpu.memory_space<vmem>>
        %dma_start3A_210 = arith.constant 0 : i32
        %dma_start3A_211 = arith.constant 0 : i32
        %dma_start3A_212 = tpu.memref_slice %arg10[%dma_start3A_210, %dma_start3A_211] : memref<10112x128xf32, #tpu.memory_space<vmem_shared>> -> memref<10112x128xf32, #tpu.memory_space<vmem_shared>>
        tpu.enqueue_indirect_dma source(%arg8 : memref<128x128xf32, #tpu.memory_space<vmem>>) target(%dma_start3A_212 : memref<10112x128xf32, #tpu.memory_space<vmem_shared>>) offsets(%dma_start3A_209 : memref<128xi32, #tpu.memory_space<vmem>>) semaphore(%run_scoped3A_206 : memref<!tpu.dma_semaphore, #tpu.memory_space<semaphore_mem>>) {add = true}
        %dma_wait3A_213 = arith.constant 0 : i32
        %dma_wait3A_214 = tpu.memref_slice %arg7[%run_scoped3A, %dma_wait3A_213] : memref<2x128xi32, #tpu.memory_space<vmem>> -> memref<1x128xi32, #tpu.memory_space<vmem>>
        %dma_wait3A_215 = tpu.memref_squeeze %dma_wait3A_214 : memref<1x128xi32, #tpu.memory_space<vmem>> -> memref<128xi32, #tpu.memory_space<vmem>>
        %dma_wait3A_216 = arith.constant 0 : i32
        %dma_wait3A_217 = arith.constant 0 : i32
        %dma_wait3A_218 = tpu.memref_slice %arg10[%dma_wait3A_216, %dma_wait3A_217] : memref<10112x128xf32, #tpu.memory_space<vmem_shared>> -> memref<10112x128xf32, #tpu.memory_space<vmem_shared>>
        tpu.wait_indirect_dma semaphore(%run_scoped3A_206 : memref<!tpu.dma_semaphore, #tpu.memory_space<semaphore_mem>>) src(%arg8 : memref<128x128xf32, #tpu.memory_space<vmem>>) dst(%dma_wait3A_218 : memref<10112x128xf32, #tpu.memory_space<vmem_shared>>)
        tpu.yield
      }) : () -> ()
    }
    %while3A_19 = arith.constant 1 : i32
    scf.for %while3A_21 = %while3A_17 to %while3A_13 step %while3A_19  : i32 {
      %get3A = arith.index_cast %while3A_21 : i32 to index
      %get3A_22 = arith.constant 0 : index
      %get3A_23 = tpu.vector_load %arg6[%get3A, %get3A_22] {strides = array<i32>} : memref<136x128xi32, #tpu.memory_space<vmem>>, vector<1x16xi32>,
      %get3A_24 = vector.shape_cast %get3A_23 : vector<1x16xi32> to vector<16xi32>
      %and3A = arith.constant 16383 : i32
      %and3A_25 = vector.broadcast %and3A : i32 to vector<16xi32>
      %and3A_26 = arith.andi %get3A_24, %and3A_25 : vector<16xi32>
      %swap3A = arith.constant 0 : i32
      %swap3A_27 = arith.index_cast %swap3A : i32 to index
      %swap3A_28 = arith.constant 0 : index
      %swap3A_29 = tpu.vector_load %arg7[%swap3A_27, %swap3A_28] {strides = array<i32>} : memref<2x128xi32, #tpu.memory_space<vmem>>, vector<1x16xi32>,
      %swap3A_30 = vector.shape_cast %swap3A_29 : vector<1x16xi32> to vector<16xi32>
      %swap3A_31 = vector.shape_cast %and3A_26 : vector<16xi32> to vector<1x16xi32>
      tpu.vector_store %arg7[%swap3A_27, %swap3A_28], %swap3A_31 {strides = array<i32>} : memref<2x128xi32, #tpu.memory_space<vmem>>, vector<1x16xi32>,
      %shift_right_arithmetic3A = arith.constant 14 : i32
      %shift_right_arithmetic3A_32 = vector.broadcast %shift_right_arithmetic3A : i32 to vector<16xi32>
      %shift_right_arithmetic3A_33 = arith.shrsi %get3A_24, %shift_right_arithmetic3A_32 : vector<16xi32>
      %swap3A_34 = arith.constant 1 : i32
      %swap3A_35 = arith.index_cast %swap3A_34 : i32 to index
      %swap3A_36 = arith.constant 0 : index
      %swap3A_37 = tpu.vector_load %arg7[%swap3A_35, %swap3A_36] {strides = array<i32>} : memref<2x128xi32, #tpu.memory_space<vmem>>, vector<1x16xi32>,
      %swap3A_38 = vector.shape_cast %swap3A_37 : vector<1x16xi32> to vector<16xi32>
      %swap3A_39 = vector.shape_cast %shift_right_arithmetic3A_33 : vector<16xi32> to vector<1x16xi32>
      tpu.vector_store %arg7[%swap3A_35, %swap3A_36], %swap3A_39 {strides = array<i32>} : memref<2x128xi32, #tpu.memory_space<vmem>>, vector<1x16xi32>,
      %get3A_40 = arith.index_cast %while3A_21 : i32 to index
      %get3A_41 = arith.constant 16 : index
      %get3A_42 = tpu.vector_load %arg6[%get3A_40, %get3A_41] {strides = array<i32>} : memref<136x128xi32, #tpu.memory_space<vmem>>, vector<1x16xi32>,
      %get3A_43 = vector.shape_cast %get3A_42 : vector<1x16xi32> to vector<16xi32>
      %and3A_44 = arith.constant 16383 : i32
      %and3A_45 = vector.broadcast %and3A_44 : i32 to vector<16xi32>
      %and3A_46 = arith.andi %get3A_43, %and3A_45 : vector<16xi32>
      %swap3A_47 = arith.constant 0 : i32
      %swap3A_48 = arith.index_cast %swap3A_47 : i32 to index
      %swap3A_49 = arith.constant 16 : index
      %swap3A_50 = tpu.vector_load %arg7[%swap3A_48, %swap3A_49] {strides = array<i32>} : memref<2x128xi32, #tpu.memory_space<vmem>>, vector<1x16xi32>,
      %swap3A_51 = vector.shape_cast %swap3A_50 : vector<1x16xi32> to vector<16xi32>
      %swap3A_52 = vector.shape_cast %and3A_46 : vector<16xi32> to vector<1x16xi32>
      tpu.vector_store %arg7[%swap3A_48, %swap3A_49], %swap3A_52 {strides = array<i32>} : memref<2x128xi32, #tpu.memory_space<vmem>>, vector<1x16xi32>,
      %shift_right_arithmetic3A_53 = arith.constant 14 : i32
      %shift_right_arithmetic3A_54 = vector.broadcast %shift_right_arithmetic3A_53 : i32 to vector<16xi32>
      %shift_right_arithmetic3A_55 = arith.shrsi %get3A_43, %shift_right_arithmetic3A_54 : vector<16xi32>
      %swap3A_56 = arith.constant 1 : i32
      %swap3A_57 = arith.index_cast %swap3A_56 : i32 to index
      %swap3A_58 = arith.constant 16 : index
      %swap3A_59 = tpu.vector_load %arg7[%swap3A_57, %swap3A_58] {strides = array<i32>} : memref<2x128xi32, #tpu.memory_space<vmem>>, vector<1x16xi32>,
      %swap3A_60 = vector.shape_cast %swap3A_59 : vector<1x16xi32> to vector<16xi32>
      %swap3A_61 = vector.shape_cast %shift_right_arithmetic3A_55 : vector<16xi32> to vector<1x16xi32>
      tpu.vector_store %arg7[%swap3A_57, %swap3A_58], %swap3A_61 {strides = array<i32>} : memref<2x128xi32, #tpu.memory_space<vmem>>, vector<1x16xi32>,
      %get3A_62 = arith.index_cast %while3A_21 : i32 to index
      %get3A_63 = arith.constant 32 : index
      %get3A_64 = tpu.vector_load %arg6[%get3A_62, %get3A_63] {strides = array<i32>} : memref<136x128xi32, #tpu.memory_space<vmem>>, vector<1x16xi32>,
      %get3A_65 = vector.shape_cast %get3A_64 : vector<1x16xi32> to vector<16xi32>
      %and3A_66 = arith.constant 16383 : i32
      %and3A_67 = vector.broadcast %and3A_66 : i32 to vector<16xi32>
      %and3A_68 = arith.andi %get3A_65, %and3A_67 : vector<16xi32>
      %swap3A_69 = arith.constant 0 : i32
      %swap3A_70 = arith.index_cast %swap3A_69 : i32 to index
      %swap3A_71 = arith.constant 32 : index
      %swap3A_72 = tpu.vector_load %arg7[%swap3A_70, %swap3A_71] {strides = array<i32>} : memref<2x128xi32, #tpu.memory_space<vmem>>, vector<1x16xi32>,
      %swap3A_73 = vector.shape_cast %swap3A_72 : vector<1x16xi32> to vector<16xi32>
      %swap3A_74 = vector.shape_cast %and3A_68 : vector<16xi32> to vector<1x16xi32>
      tpu.vector_store %arg7[%swap3A_70, %swap3A_71], %swap3A_74 {strides = array<i32>} : memref<2x128xi32, #tpu.memory_space<vmem>>, vector<1x16xi32>,
      %shift_right_arithmetic3A_75 = arith.constant 14 : i32
      %shift_right_arithmetic3A_76 = vector.broadcast %shift_right_arithmetic3A_75 : i32 to vector<16xi32>
      %shift_right_arithmetic3A_77 = arith.shrsi %get3A_65, %shift_right_arithmetic3A_76 : vector<16xi32>
      %swap3A_78 = arith.constant 1 : i32
      %swap3A_79 = arith.index_cast %swap3A_78 : i32 to index
      %swap3A_80 = arith.constant 32 : index
      %swap3A_81 = tpu.vector_load %arg7[%swap3A_79, %swap3A_80] {strides = array<i32>} : memref<2x128xi32, #tpu.memory_space<vmem>>, vector<1x16xi32>,
      %swap3A_82 = vector.shape_cast %swap3A_81 : vector<1x16xi32> to vector<16xi32>
      %swap3A_83 = vector.shape_cast %shift_right_arithmetic3A_77 : vector<16xi32> to vector<1x16xi32>
      tpu.vector_store %arg7[%swap3A_79, %swap3A_80], %swap3A_83 {strides = array<i32>} : memref<2x128xi32, #tpu.memory_space<vmem>>, vector<1x16xi32>,
      %get3A_84 = arith.index_cast %while3A_21 : i32 to index
      %get3A_85 = arith.constant 48 : index
      %get3A_86 = tpu.vector_load %arg6[%get3A_84, %get3A_85] {strides = array<i32>} : memref<136x128xi32, #tpu.memory_space<vmem>>, vector<1x16xi32>,
      %get3A_87 = vector.shape_cast %get3A_86 : vector<1x16xi32> to vector<16xi32>
      %and3A_88 = arith.constant 16383 : i32
      %and3A_89 = vector.broadcast %and3A_88 : i32 to vector<16xi32>
      %and3A_90 = arith.andi %get3A_87, %and3A_89 : vector<16xi32>
      %swap3A_91 = arith.constant 0 : i32
      %swap3A_92 = arith.index_cast %swap3A_91 : i32 to index
      %swap3A_93 = arith.constant 48 : index
      %swap3A_94 = tpu.vector_load %arg7[%swap3A_92, %swap3A_93] {strides = array<i32>} : memref<2x128xi32, #tpu.memory_space<vmem>>, vector<1x16xi32>,
      %swap3A_95 = vector.shape_cast %swap3A_94 : vector<1x16xi32> to vector<16xi32>
      %swap3A_96 = vector.shape_cast %and3A_90 : vector<16xi32> to vector<1x16xi32>
      tpu.vector_store %arg7[%swap3A_92, %swap3A_93], %swap3A_96 {strides = array<i32>} : memref<2x128xi32, #tpu.memory_space<vmem>>, vector<1x16xi32>,
      %shift_right_arithmetic3A_97 = arith.constant 14 : i32
      %shift_right_arithmetic3A_98 = vector.broadcast %shift_right_arithmetic3A_97 : i32 to vector<16xi32>
      %shift_right_arithmetic3A_99 = arith.shrsi %get3A_87, %shift_right_arithmetic3A_98 : vector<16xi32>
      %swap3A_100 = arith.constant 1 : i32
      %swap3A_101 = arith.index_cast %swap3A_100 : i32 to index
      %swap3A_102 = arith.constant 48 : index
      %swap3A_103 = tpu.vector_load %arg7[%swap3A_101, %swap3A_102] {strides = array<i32>} : memref<2x128xi32, #tpu.memory_space<vmem>>, vector<1x16xi32>,
      %swap3A_104 = vector.shape_cast %swap3A_103 : vector<1x16xi32> to vector<16xi32>
      %swap3A_105 = vector.shape_cast %shift_right_arithmetic3A_99 : vector<16xi32> to vector<1x16xi32>
      tpu.vector_store %arg7[%swap3A_101, %swap3A_102], %swap3A_105 {strides = array<i32>} : memref<2x128xi32, #tpu.memory_space<vmem>>, vector<1x16xi32>,
      %get3A_106 = arith.index_cast %while3A_21 : i32 to index
      %get3A_107 = arith.constant 64 : index
      %get3A_108 = tpu.vector_load %arg6[%get3A_106, %get3A_107] {strides = array<i32>} : memref<136x128xi32, #tpu.memory_space<vmem>>, vector<1x16xi32>,
      %get3A_109 = vector.shape_cast %get3A_108 : vector<1x16xi32> to vector<16xi32>
      %and3A_110 = arith.constant 16383 : i32
      %and3A_111 = vector.broadcast %and3A_110 : i32 to vector<16xi32>
      %and3A_112 = arith.andi %get3A_109, %and3A_111 : vector<16xi32>
      %swap3A_113 = arith.constant 0 : i32
      %swap3A_114 = arith.index_cast %swap3A_113 : i32 to index
      %swap3A_115 = arith.constant 64 : index
      %swap3A_116 = tpu.vector_load %arg7[%swap3A_114, %swap3A_115] {strides = array<i32>} : memref<2x128xi32, #tpu.memory_space<vmem>>, vector<1x16xi32>,
      %swap3A_117 = vector.shape_cast %swap3A_116 : vector<1x16xi32> to vector<16xi32>
      %swap3A_118 = vector.shape_cast %and3A_112 : vector<16xi32> to vector<1x16xi32>
      tpu.vector_store %arg7[%swap3A_114, %swap3A_115], %swap3A_118 {strides = array<i32>} : memref<2x128xi32, #tpu.memory_space<vmem>>, vector<1x16xi32>,
      %shift_right_arithmetic3A_119 = arith.constant 14 : i32
      %shift_right_arithmetic3A_120 = vector.broadcast %shift_right_arithmetic3A_119 : i32 to vector<16xi32>
      %shift_right_arithmetic3A_121 = arith.shrsi %get3A_109, %shift_right_arithmetic3A_120 : vector<16xi32>
      %swap3A_122 = arith.constant 1 : i32
      %swap3A_123 = arith.index_cast %swap3A_122 : i32 to index
      %swap3A_124 = arith.constant 64 : index
      %swap3A_125 = tpu.vector_load %arg7[%swap3A_123, %swap3A_124] {strides = array<i32>} : memref<2x128xi32, #tpu.memory_space<vmem>>, vector<1x16xi32>,
      %swap3A_126 = vector.shape_cast %swap3A_125 : vector<1x16xi32> to vector<16xi32>
      %swap3A_127 = vector.shape_cast %shift_right_arithmetic3A_121 : vector<16xi32> to vector<1x16xi32>
      tpu.vector_store %arg7[%swap3A_123, %swap3A_124], %swap3A_127 {strides = array<i32>} : memref<2x128xi32, #tpu.memory_space<vmem>>, vector<1x16xi32>,
      %get3A_128 = arith.index_cast %while3A_21 : i32 to index
      %get3A_129 = arith.constant 80 : index
      %get3A_130 = tpu.vector_load %arg6[%get3A_128, %get3A_129] {strides = array<i32>} : memref<136x128xi32, #tpu.memory_space<vmem>>, vector<1x16xi32>,
      %get3A_131 = vector.shape_cast %get3A_130 : vector<1x16xi32> to vector<16xi32>
      %and3A_132 = arith.constant 16383 : i32
      %and3A_133 = vector.broadcast %and3A_132 : i32 to vector<16xi32>
      %and3A_134 = arith.andi %get3A_131, %and3A_133 : vector<16xi32>
      %swap3A_135 = arith.constant 0 : i32
      %swap3A_136 = arith.index_cast %swap3A_135 : i32 to index
      %swap3A_137 = arith.constant 80 : index
      %swap3A_138 = tpu.vector_load %arg7[%swap3A_136, %swap3A_137] {strides = array<i32>} : memref<2x128xi32, #tpu.memory_space<vmem>>, vector<1x16xi32>,
      %swap3A_139 = vector.shape_cast %swap3A_138 : vector<1x16xi32> to vector<16xi32>
      %swap3A_140 = vector.shape_cast %and3A_134 : vector<16xi32> to vector<1x16xi32>
      tpu.vector_store %arg7[%swap3A_136, %swap3A_137], %swap3A_140 {strides = array<i32>} : memref<2x128xi32, #tpu.memory_space<vmem>>, vector<1x16xi32>,
      %shift_right_arithmetic3A_141 = arith.constant 14 : i32
      %shift_right_arithmetic3A_142 = vector.broadcast %shift_right_arithmetic3A_141 : i32 to vector<16xi32>
      %shift_right_arithmetic3A_143 = arith.shrsi %get3A_131, %shift_right_arithmetic3A_142 : vector<16xi32>
      %swap3A_144 = arith.constant 1 : i32
      %swap3A_145 = arith.index_cast %swap3A_144 : i32 to index
      %swap3A_146 = arith.constant 80 : index
      %swap3A_147 = tpu.vector_load %arg7[%swap3A_145, %swap3A_146] {strides = array<i32>} : memref<2x128xi32, #tpu.memory_space<vmem>>, vector<1x16xi32>,
      %swap3A_148 = vector.shape_cast %swap3A_147 : vector<1x16xi32> to vector<16xi32>
      %swap3A_149 = vector.shape_cast %shift_right_arithmetic3A_143 : vector<16xi32> to vector<1x16xi32>
      tpu.vector_store %arg7[%swap3A_145, %swap3A_146], %swap3A_149 {strides = array<i32>} : memref<2x128xi32, #tpu.memory_space<vmem>>, vector<1x16xi32>,
      %get3A_150 = arith.index_cast %while3A_21 : i32 to index
      %get3A_151 = arith.constant 96 : index
      %get3A_152 = tpu.vector_load %arg6[%get3A_150, %get3A_151] {strides = array<i32>} : memref<136x128xi32, #tpu.memory_space<vmem>>, vector<1x16xi32>,
      %get3A_153 = vector.shape_cast %get3A_152 : vector<1x16xi32> to vector<16xi32>
      %and3A_154 = arith.constant 16383 : i32
      %and3A_155 = vector.broadcast %and3A_154 : i32 to vector<16xi32>
      %and3A_156 = arith.andi %get3A_153, %and3A_155 : vector<16xi32>
      %swap3A_157 = arith.constant 0 : i32
      %swap3A_158 = arith.index_cast %swap3A_157 : i32 to index
      %swap3A_159 = arith.constant 96 : index
      %swap3A_160 = tpu.vector_load %arg7[%swap3A_158, %swap3A_159] {strides = array<i32>} : memref<2x128xi32, #tpu.memory_space<vmem>>, vector<1x16xi32>,
      %swap3A_161 = vector.shape_cast %swap3A_160 : vector<1x16xi32> to vector<16xi32>
      %swap3A_162 = vector.shape_cast %and3A_156 : vector<16xi32> to vector<1x16xi32>
      tpu.vector_store %arg7[%swap3A_158, %swap3A_159], %swap3A_162 {strides = array<i32>} : memref<2x128xi32, #tpu.memory_space<vmem>>, vector<1x16xi32>,
      %shift_right_arithmetic3A_163 = arith.constant 14 : i32
      %shift_right_arithmetic3A_164 = vector.broadcast %shift_right_arithmetic3A_163 : i32 to vector<16xi32>
      %shift_right_arithmetic3A_165 = arith.shrsi %get3A_153, %shift_right_arithmetic3A_164 : vector<16xi32>
      %swap3A_166 = arith.constant 1 : i32
      %swap3A_167 = arith.index_cast %swap3A_166 : i32 to index
      %swap3A_168 = arith.constant 96 : index
      %swap3A_169 = tpu.vector_load %arg7[%swap3A_167, %swap3A_168] {strides = array<i32>} : memref<2x128xi32, #tpu.memory_space<vmem>>, vector<1x16xi32>,
      %swap3A_170 = vector.shape_cast %swap3A_169 : vector<1x16xi32> to vector<16xi32>
      %swap3A_171 = vector.shape_cast %shift_right_arithmetic3A_165 : vector<16xi32> to vector<1x16xi32>
      tpu.vector_store %arg7[%swap3A_167, %swap3A_168], %swap3A_171 {strides = array<i32>} : memref<2x128xi32, #tpu.memory_space<vmem>>, vector<1x16xi32>,
      %get3A_172 = arith.index_cast %while3A_21 : i32 to index
      %get3A_173 = arith.constant 112 : index
      %get3A_174 = tpu.vector_load %arg6[%get3A_172, %get3A_173] {strides = array<i32>} : memref<136x128xi32, #tpu.memory_space<vmem>>, vector<1x16xi32>,
      %get3A_175 = vector.shape_cast %get3A_174 : vector<1x16xi32> to vector<16xi32>
      %and3A_176 = arith.constant 16383 : i32
      %and3A_177 = vector.broadcast %and3A_176 : i32 to vector<16xi32>
      %and3A_178 = arith.andi %get3A_175, %and3A_177 : vector<16xi32>
      %swap3A_179 = arith.constant 0 : i32
      %swap3A_180 = arith.index_cast %swap3A_179 : i32 to index
      %swap3A_181 = arith.constant 112 : index
      %swap3A_182 = tpu.vector_load %arg7[%swap3A_180, %swap3A_181] {strides = array<i32>} : memref<2x128xi32, #tpu.memory_space<vmem>>, vector<1x16xi32>,
      %swap3A_183 = vector.shape_cast %swap3A_182 : vector<1x16xi32> to vector<16xi32>
      %swap3A_184 = vector.shape_cast %and3A_178 : vector<16xi32> to vector<1x16xi32>
      tpu.vector_store %arg7[%swap3A_180, %swap3A_181], %swap3A_184 {strides = array<i32>} : memref<2x128xi32, #tpu.memory_space<vmem>>, vector<1x16xi32>,
      %shift_right_arithmetic3A_185 = arith.constant 14 : i32
      %shift_right_arithmetic3A_186 = vector.broadcast %shift_right_arithmetic3A_185 : i32 to vector<16xi32>
      %shift_right_arithmetic3A_187 = arith.shrsi %get3A_175, %shift_right_arithmetic3A_186 : vector<16xi32>
      %swap3A_188 = arith.constant 1 : i32
      %swap3A_189 = arith.index_cast %swap3A_188 : i32 to index
      %swap3A_190 = arith.constant 112 : index
      %swap3A_191 = tpu.vector_load %arg7[%swap3A_189, %swap3A_190] {strides = array<i32>} : memref<2x128xi32, #tpu.memory_space<vmem>>, vector<1x16xi32>,
      %swap3A_192 = vector.shape_cast %swap3A_191 : vector<1x16xi32> to vector<16xi32>
      %swap3A_193 = vector.shape_cast %shift_right_arithmetic3A_187 : vector<16xi32> to vector<1x16xi32>
      tpu.vector_store %arg7[%swap3A_189, %swap3A_190], %swap3A_193 {strides = array<i32>} : memref<2x128xi32, #tpu.memory_space<vmem>>, vector<1x16xi32>,
      %dma_start3A = arith.constant 0 : i32
      %dma_start3A_194 = arith.constant 0 : i32
      %dma_start3A_195 = tpu.memref_slice %arg7[%dma_start3A, %dma_start3A_194] : memref<2x128xi32, #tpu.memory_space<vmem>> -> memref<1x128xi32, #tpu.memory_space<vmem>>
      %dma_start3A_196 = tpu.memref_squeeze %dma_start3A_195 : memref<1x128xi32, #tpu.memory_space<vmem>> -> memref<128xi32, #tpu.memory_space<vmem>>
      %dma_start3A_197 = arith.constant 0 : i32
      %dma_start3A_198 = arith.constant 0 : i32
      %dma_start3A_199 = tpu.memref_slice %arg2[%dma_start3A_197, %dma_start3A_198] : memref<10112x128xf32, #tpu.memory_space<hbm>> -> memref<10112x128xf32, #tpu.memory_space<hbm>>
      tpu.enqueue_indirect_dma source(%dma_start3A_199 : memref<10112x128xf32, #tpu.memory_space<hbm>>) target(%arg8 : memref<128x128xf32, #tpu.memory_space<vmem>>) offsets(%dma_start3A_196 : memref<128xi32, #tpu.memory_space<vmem>>) semaphore(%arg9 : memref<!tpu.dma_semaphore, #tpu.memory_space<semaphore_mem>>)
      %dma_wait3A = arith.constant 0 : i32
      %dma_wait3A_200 = arith.constant 0 : i32
      %dma_wait3A_201 = tpu.memref_slice %arg7[%dma_wait3A, %dma_wait3A_200] : memref<2x128xi32, #tpu.memory_space<vmem>> -> memref<1x128xi32, #tpu.memory_space<vmem>>
      %dma_wait3A_202 = tpu.memref_squeeze %dma_wait3A_201 : memref<1x128xi32, #tpu.memory_space<vmem>> -> memref<128xi32, #tpu.memory_space<vmem>>
      %dma_wait3A_203 = arith.constant 0 : i32
      %dma_wait3A_204 = arith.constant 0 : i32
      %dma_wait3A_205 = tpu.memref_slice %arg2[%dma_wait3A_203, %dma_wait3A_204] : memref<10112x128xf32, #tpu.memory_space<hbm>> -> memref<10112x128xf32, #tpu.memory_space<hbm>>
      tpu.wait_indirect_dma semaphore(%arg9 : memref<!tpu.dma_semaphore, #tpu.memory_space<semaphore_mem>>) src(%dma_wait3A_205 : memref<10112x128xf32, #tpu.memory_space<hbm>>) dst(%arg8 : memref<128x128xf32, #tpu.memory_space<vmem>>)
      %run_scoped3A = arith.constant 1 : i32
      "tpu.region"() ({
        %run_scoped3A_206 = tpu.sem_alloc : memref<!tpu.dma_semaphore, #tpu.memory_space<semaphore_mem>>
        %dma_start3A_207 = arith.constant 0 : i32
        %dma_start3A_208 = tpu.memref_slice %arg7[%run_scoped3A, %dma_start3A_207] : memref<2x128xi32, #tpu.memory_space<vmem>> -> memref<1x128xi32, #tpu.memory_space<vmem>>
        %dma_start3A_209 = tpu.memref_squeeze %dma_start3A_208 : memref<1x128xi32, #tpu.memory_space<vmem>> -> memref<128xi32, #tpu.memory_space<vmem>>
        %dma_start3A_210 = arith.constant 0 : i32
        %dma_start3A_211 = arith.constant 0 : i32
        %dma_start3A_212 = tpu.memref_slice %arg10[%dma_start3A_210, %dma_start3A_211] : memref<10112x128xf32, #tpu.memory_space<vmem_shared>> -> memref<10112x128xf32, #tpu.memory_space<vmem_shared>>
        tpu.enqueue_indirect_dma source(%arg8 : memref<128x128xf32, #tpu.memory_space<vmem>>) target(%dma_start3A_212 : memref<10112x128xf32, #tpu.memory_space<vmem_shared>>) offsets(%dma_start3A_209 : memref<128xi32, #tpu.memory_space<vmem>>) semaphore(%run_scoped3A_206 : memref<!tpu.dma_semaphore, #tpu.memory_space<semaphore_mem>>) {add = true}
        %dma_wait3A_213 = arith.constant 0 : i32
        %dma_wait3A_214 = tpu.memref_slice %arg7[%run_scoped3A, %dma_wait3A_213] : memref<2x128xi32, #tpu.memory_space<vmem>> -> memref<1x128xi32, #tpu.memory_space<vmem>>
        %dma_wait3A_215 = tpu.memref_squeeze %dma_wait3A_214 : memref<1x128xi32, #tpu.memory_space<vmem>> -> memref<128xi32, #tpu.memory_space<vmem>>
        %dma_wait3A_216 = arith.constant 0 : i32
        %dma_wait3A_217 = arith.constant 0 : i32
        %dma_wait3A_218 = tpu.memref_slice %arg10[%dma_wait3A_216, %dma_wait3A_217] : memref<10112x128xf32, #tpu.memory_space<vmem_shared>> -> memref<10112x128xf32, #tpu.memory_space<vmem_shared>>
        tpu.wait_indirect_dma semaphore(%run_scoped3A_206 : memref<!tpu.dma_semaphore, #tpu.memory_space<semaphore_mem>>) src(%arg8 : memref<128x128xf32, #tpu.memory_space<vmem>>) dst(%dma_wait3A_218 : memref<10112x128xf32, #tpu.memory_space<vmem_shared>>)
        tpu.yield
      }) : () -> ()
    }
    %barrier3A_20 = arith.constant 0 : index
    tpu.barrier barrier_id(%barrier3A_20)
    "tpu.region"() ({
      %run_scoped3A = tpu.sem_alloc : memref<!tpu.dma_semaphore, #tpu.memory_space<semaphore_mem>>
      %dma_start3A = arith.constant 0 : i32
      %dma_start3A_21 = tpu.memref_slice %arg5[%arg0, %mul3A_0, %dma_start3A] : memref<2x10112x128xf32, #tpu.memory_space<hbm>> -> memref<1x632x128xf32, #tpu.memory_space<hbm>>
      %dma_start3A_22 = tpu.memref_squeeze %dma_start3A_21 : memref<1x632x128xf32, #tpu.memory_space<hbm>> -> memref<632x128xf32, #tpu.memory_space<hbm>>
      %dma_start3A_23 = arith.constant 0 : i32
      %dma_start3A_24 = tpu.memref_slice %arg10[%mul3A_0, %dma_start3A_23] : memref<10112x128xf32, #tpu.memory_space<vmem_shared>> -> memref<632x128xf32, #tpu.memory_space<vmem_shared>>
      tpu.enqueue_dma source(%dma_start3A_24 : memref<632x128xf32, #tpu.memory_space<vmem_shared>>) target(%dma_start3A_22 : memref<632x128xf32, #tpu.memory_space<hbm>>) target_semaphore(%run_scoped3A : memref<!tpu.dma_semaphore, #tpu.memory_space<semaphore_mem>>)
      %dma_wait3A = arith.constant 0 : i32
      %dma_wait3A_25 = tpu.memref_slice %arg5[%arg0, %mul3A_0, %dma_wait3A] : memref<2x10112x128xf32, #tpu.memory_space<hbm>> -> memref<1x632x128xf32, #tpu.memory_space<hbm>>
      %dma_wait3A_26 = tpu.memref_squeeze %dma_wait3A_25 : memref<1x632x128xf32, #tpu.memory_space<hbm>> -> memref<632x128xf32, #tpu.memory_space<hbm>>
      %dma_wait3A_27 = arith.constant 0 : i32
      %dma_wait3A_28 = tpu.memref_slice %arg10[%mul3A_0, %dma_wait3A_27] : memref<10112x128xf32, #tpu.memory_space<vmem_shared>> -> memref<632x128xf32, #tpu.memory_space<vmem_shared>>
      tpu.wait_dma2 semaphore(%run_scoped3A : memref<!tpu.dma_semaphore, #tpu.memory_space<semaphore_mem>>) src(%dma_wait3A_28 : memref<632x128xf32, #tpu.memory_space<vmem_shared>>) dst(%dma_wait3A_26 : memref<632x128xf32, #tpu.memory_space<hbm>>)
      tpu.yield
    }) : () -> ()
    return
  }
}

module attributes {stable_mosaic.version = 14 : i64} {
  func.func @_hist_body(%arg0: i32, %arg1: memref<6400x1xf32, #tpu.memory_space<vmem>>, %arg2: memref<80x128xf32, #tpu.memory_space<vmem>>) attributes {dimension_semantics = [#tpu.dimension_semantics<arbitrary>], iteration_bounds = array<i64: 50>, scalar_prefetch = 0 : i64, scratch_operands = 0 : i64, tpu.core_type = #tpu.core_type<tc>, window_params = [{transform_indices = @transform_0, window_bounds = array<i64: 6400, 1>}, {pipeline_mode = #tpu.pipeline_mode<synchronous>, transform_indices = @transform_1, window_bounds = array<i64: 80, 128>}]} {
    %eq3A = arith.constant 0 : i32
    %eq3A_0 = arith.cmpi eq, %arg0, %eq3A : i32
    %convert_element_type3A = arith.extui %eq3A_0 : i1 to i32
    %cond3A = arith.constant 0 : i32
    %cond3A_1 = arith.cmpi ne, %convert_element_type3A, %cond3A : i32
    scf.if %cond3A_1 {
      %broadcast_in_dim3A_31 = arith.constant 0.000000e+00 : f32
      %broadcast_in_dim3A_32 = vector.broadcast %broadcast_in_dim3A_31 : f32 to vector<80x128xf32>
      %swap3A_33 = arith.constant 0 : index
      %swap3A_34 = arith.constant 0 : index
      %swap3A_35 = vector.load %arg2[%swap3A_33, %swap3A_34] : memref<80x128xf32, #tpu.memory_space<vmem>>, vector<80x128xf32>
      tpu.vector_store %arg2[%swap3A_33, %swap3A_34], %broadcast_in_dim3A_32 {strides = array<i32>} : memref<80x128xf32, #tpu.memory_space<vmem>>, vector<80x128xf32>,
    } else {
    }
    %get3A = arith.constant 0 : index
    %get3A_2 = arith.constant 0 : index
    %get3A_3 = vector.load %arg1[%get3A, %get3A_2] : memref<6400x1xf32, #tpu.memory_space<vmem>>, vector<6400x1xf32>
    %mul3A = arith.constant 7.812500e-03 : f32
    %mul3A_4 = vector.broadcast %mul3A : f32 to vector<6400x1xf32>
    %mul3A_5 = arith.mulf %get3A_3, %mul3A_4 : vector<6400x1xf32>
    %floor3A = math.floor %mul3A_5 : vector<6400x1xf32>
    %mul3A_6 = arith.constant 1.280000e+02 : f32
    %mul3A_7 = vector.broadcast %mul3A_6 : f32 to vector<6400x1xf32>
    %mul3A_8 = arith.mulf %floor3A, %mul3A_7 : vector<6400x1xf32>
    %sub3A = arith.subf %get3A_3, %mul3A_8 : vector<6400x1xf32>
    %iota3A = tpu.iota {dimensions = array<i32: 1>} : vector<1x80xi32>
    %convert_element_type3A_9 = arith.sitofp %iota3A : vector<1x80xi32> to vector<1x80xf32>
    %iota3A_10 = tpu.iota {dimensions = array<i32: 1>} : vector<1x128xi32>
    %convert_element_type3A_11 = arith.sitofp %iota3A_10 : vector<1x128xi32> to vector<1x128xf32>
    %eq3A_12 = vector.broadcast %floor3A : vector<6400x1xf32> to vector<6400x80xf32>
    %eq3A_13 = vector.broadcast %convert_element_type3A_9 : vector<1x80xf32> to vector<6400x80xf32>
    %eq3A_14 = arith.cmpf oeq, %eq3A_12, %eq3A_13 : vector<6400x80xf32>
    %jit3A = arith.constant 1.000000e+00 : f32
    %jit3A_15 = arith.constant 0.000000e+00 : f32
    %broadcast_in_dim3A = vector.broadcast %jit3A : f32 to vector<6400x80xf32>
    %broadcast_in_dim3A_16 = vector.broadcast %jit3A_15 : f32 to vector<6400x80xf32>
    %select_n3A = arith.select %eq3A_14, %broadcast_in_dim3A, %broadcast_in_dim3A_16 : vector<6400x80xi1>, vector<6400x80xf32>
    %eq3A_17 = vector.broadcast %sub3A : vector<6400x1xf32> to vector<6400x128xf32>
    %eq3A_18 = vector.broadcast %convert_element_type3A_11 : vector<1x128xf32> to vector<6400x128xf32>
    %eq3A_19 = arith.cmpf oeq, %eq3A_17, %eq3A_18 : vector<6400x128xf32>
    %jit3A_20 = arith.constant 1.000000e+00 : f32
    %jit3A_21 = arith.constant 0.000000e+00 : f32
    %broadcast_in_dim3A_22 = vector.broadcast %jit3A_20 : f32 to vector<6400x128xf32>
    %broadcast_in_dim3A_23 = vector.broadcast %jit3A_21 : f32 to vector<6400x128xf32>
    %select_n3A_24 = arith.select %eq3A_19, %broadcast_in_dim3A_22, %broadcast_in_dim3A_23 : vector<6400x128xi1>, vector<6400x128xf32>
    %get3A_25 = arith.constant 0 : index
    %get3A_26 = arith.constant 0 : index
    %get3A_27 = vector.load %arg2[%get3A_25, %get3A_26] : memref<80x128xf32, #tpu.memory_space<vmem>>, vector<80x128xf32>
    %dot_general3A = arith.constant dense<0.000000e+00> : vector<80x128xf32>
    %dot_general3A_28 = tpu.matmul %select_n3A, %select_n3A_24, %dot_general3A {dimension_numbers = #tpu.dot_dimension_numbers<[0], [0], [1], [1], [0, 1, 1, 1], [], []>, transpose_lhs_hint = false} : vector<6400x80xf32>, vector<6400x128xf32>, vector<80x128xf32> -> vector<80x128xf32>
    %add3A = arith.addf %get3A_27, %dot_general3A_28 : vector<80x128xf32>
    %swap3A = arith.constant 0 : index
    %swap3A_29 = arith.constant 0 : index
    %swap3A_30 = vector.load %arg2[%swap3A, %swap3A_29] : memref<80x128xf32, #tpu.memory_space<vmem>>, vector<80x128xf32>
    tpu.vector_store %arg2[%swap3A, %swap3A_29], %add3A {strides = array<i32>} : memref<80x128xf32, #tpu.memory_space<vmem>>, vector<80x128xf32>,
    return
  }
  func.func @transform_0(%arg0: i32) -> (i32, i32) {
    %c0_i32 = arith.constant 0 : i32
    %c0_i32_0 = arith.constant 0 : i32
    return %arg0, %c0_i32 : i32, i32
  }
  func.func @transform_1(%arg0: i32) -> (i32, i32) {
    %c0_i32 = arith.constant 0 : i32
    %c0_i32_0 = arith.constant 0 : i32
    %c0_i32_1 = arith.constant 0 : i32
    return %c0_i32, %c0_i32_0 : i32, i32
  }
}

module attributes {stable_mosaic.version = 14 : i64} {
  func.func @_pre_body(%arg0: memref<10112x128xf32, #tpu.memory_space<vmem>>, %arg1: memref<128x128xf32, #tpu.memory_space<vmem>>, %arg2: memref<1x128xf32, #tpu.memory_space<vmem>>, %arg3: memref<10112x1xf32, #tpu.memory_space<vmem>>, %arg4: memref<10112x128xf32, #tpu.memory_space<vmem>>, %arg5: memref<10112x1xf32, #tpu.memory_space<vmem>>) attributes {dimension_semantics = [], scalar_prefetch = 0 : i64, scratch_operands = 0 : i64, tpu.core_type = #tpu.core_type<tc>} {
    %get3A = arith.constant 0 : index
    %get3A_0 = arith.constant 0 : index
    %get3A_1 = vector.load %arg3[%get3A, %get3A_0] : memref<10112x1xf32, #tpu.memory_space<vmem>>, vector<10112x1xf32>
    %add3A = arith.constant 1.000000e+00 : f32
    %add3A_2 = vector.broadcast %add3A : f32 to vector<10112x1xf32>
    %add3A_3 = arith.addf %get3A_1, %add3A_2 : vector<10112x1xf32>
    %rsqrt3A = math.rsqrt %add3A_3 : vector<10112x1xf32>
    %swap3A = arith.constant 0 : index
    %swap3A_4 = arith.constant 0 : index
    %swap3A_5 = vector.load %arg5[%swap3A, %swap3A_4] : memref<10112x1xf32, #tpu.memory_space<vmem>>, vector<10112x1xf32>
    tpu.vector_store %arg5[%swap3A, %swap3A_4], %rsqrt3A {strides = array<i32>} : memref<10112x1xf32, #tpu.memory_space<vmem>>, vector<10112x1xf32>,
    %get3A_6 = arith.constant 0 : index
    %get3A_7 = arith.constant 0 : index
    %get3A_8 = vector.load %arg0[%get3A_6, %get3A_7] : memref<10112x128xf32, #tpu.memory_space<vmem>>, vector<10112x128xf32>
    %get3A_9 = arith.constant 0 : index
    %get3A_10 = arith.constant 0 : index
    %get3A_11 = vector.load %arg1[%get3A_9, %get3A_10] : memref<128x128xf32, #tpu.memory_space<vmem>>, vector<128x128xf32>
    %dot_general3A = arith.constant dense<0.000000e+00> : vector<10112x128xf32>
    %dot_general3A_12 = tpu.matmul %get3A_8, %get3A_11, %dot_general3A {dimension_numbers = #tpu.dot_dimension_numbers<[1], [0], [0], [1], [0, 0, 1, 1], [], []>, transpose_lhs_hint = false} : vector<10112x128xf32>, vector<128x128xf32>, vector<10112x128xf32> -> vector<10112x128xf32>
    %get3A_13 = arith.constant 0 : index
    %get3A_14 = arith.constant 0 : index
    %get3A_15 = vector.load %arg2[%get3A_13, %get3A_14] : memref<1x128xf32, #tpu.memory_space<vmem>>, vector<1x128xf32>
    %add3A_16 = vector.broadcast %get3A_15 : vector<1x128xf32> to vector<10112x128xf32>
    %add3A_17 = arith.addf %dot_general3A_12, %add3A_16 : vector<10112x128xf32>
    %mul3A = vector.broadcast %rsqrt3A : vector<10112x1xf32> to vector<10112x128xf32>
    %mul3A_18 = arith.mulf %add3A_17, %mul3A : vector<10112x128xf32>
    %swap3A_19 = arith.constant 0 : index
    %swap3A_20 = arith.constant 0 : index
    %swap3A_21 = vector.load %arg4[%swap3A_19, %swap3A_20] : memref<10112x128xf32, #tpu.memory_space<vmem>>, vector<10112x128xf32>
    tpu.vector_store %arg4[%swap3A_19, %swap3A_20], %mul3A_18 {strides = array<i32>} : memref<10112x128xf32, #tpu.memory_space<vmem>>, vector<10112x128xf32>,
    return
  }
}

module attributes {stable_mosaic.version = 14 : i64} {
  func.func @_mid_body(%arg0: memref<2x10112x128xf32, #tpu.memory_space<vmem>>, %arg1: memref<10112x128xf32, #tpu.memory_space<vmem>>, %arg2: memref<10112x1xf32, #tpu.memory_space<vmem>>, %arg3: memref<128x128xf32, #tpu.memory_space<vmem>>, %arg4: memref<1x128xf32, #tpu.memory_space<vmem>>, %arg5: memref<10112x128xf32, #tpu.memory_space<vmem>>) attributes {dimension_semantics = [], scalar_prefetch = 0 : i64, scratch_operands = 0 : i64, tpu.core_type = #tpu.core_type<tc>} {
    %get3A = arith.constant 0 : index
    %get3A_0 = arith.constant 0 : index
    %get3A_1 = vector.load %arg2[%get3A, %get3A_0] : memref<10112x1xf32, #tpu.memory_space<vmem>>, vector<10112x1xf32>
    %get3A_2 = arith.constant 0 : index
    %get3A_3 = arith.constant 0 : index
    %get3A_4 = arith.constant 0 : index
    %get3A_5 = vector.load %arg0[%get3A_2, %get3A_3, %get3A_4] : memref<2x10112x128xf32, #tpu.memory_space<vmem>>, vector<1x10112x128xf32>
    %get3A_6 = vector.shape_cast %get3A_5 : vector<1x10112x128xf32> to vector<10112x128xf32>
    %get3A_7 = arith.constant 1 : index
    %get3A_8 = arith.constant 0 : index
    %get3A_9 = arith.constant 0 : index
    %get3A_10 = vector.load %arg0[%get3A_7, %get3A_8, %get3A_9] : memref<2x10112x128xf32, #tpu.memory_space<vmem>>, vector<1x10112x128xf32>
    %get3A_11 = vector.shape_cast %get3A_10 : vector<1x10112x128xf32> to vector<10112x128xf32>
    %add3A = arith.addf %get3A_6, %get3A_11 : vector<10112x128xf32>
    %get3A_12 = arith.constant 0 : index
    %get3A_13 = arith.constant 0 : index
    %get3A_14 = vector.load %arg1[%get3A_12, %get3A_13] : memref<10112x128xf32, #tpu.memory_space<vmem>>, vector<10112x128xf32>
    %add3A_15 = arith.addf %add3A, %get3A_14 : vector<10112x128xf32>
    %mul3A = vector.broadcast %get3A_1 : vector<10112x1xf32> to vector<10112x128xf32>
    %mul3A_16 = arith.mulf %add3A_15, %mul3A : vector<10112x128xf32>
    %max3A = arith.constant 0.000000e+00 : f32
    %max3A_17 = vector.broadcast %max3A : f32 to vector<10112x128xf32>
    %max3A_18 = arith.maximumf %mul3A_16, %max3A_17 : vector<10112x128xf32>
    %get3A_19 = arith.constant 0 : index
    %get3A_20 = arith.constant 0 : index
    %get3A_21 = vector.load %arg3[%get3A_19, %get3A_20] : memref<128x128xf32, #tpu.memory_space<vmem>>, vector<128x128xf32>
    %convert_element_type3A = arith.truncf %max3A_18 : vector<10112x128xf32> to vector<10112x128xbf16>
    %convert_element_type3A_22 = arith.extf %convert_element_type3A : vector<10112x128xbf16> to vector<10112x128xf32>
    %sub3A = arith.subf %max3A_18, %convert_element_type3A_22 : vector<10112x128xf32>
    %convert_element_type3A_23 = arith.truncf %get3A_21 : vector<128x128xf32> to vector<128x128xbf16>
    %convert_element_type3A_24 = arith.extf %convert_element_type3A_23 : vector<128x128xbf16> to vector<128x128xf32>
    %sub3A_25 = arith.subf %get3A_21, %convert_element_type3A_24 : vector<128x128xf32>
    %dot_general3A = arith.constant dense<0.000000e+00> : vector<10112x128xf32>
    %dot_general3A_26 = tpu.matmul %convert_element_type3A_22, %convert_element_type3A_24, %dot_general3A {dimension_numbers = #tpu.dot_dimension_numbers<[1], [0], [0], [1], [0, 0, 1, 1], [], []>, transpose_lhs_hint = false} : vector<10112x128xf32>, vector<128x128xf32>, vector<10112x128xf32> -> vector<10112x128xf32>
    %dot_general3A_27 = arith.constant dense<0.000000e+00> : vector<10112x128xf32>
    %dot_general3A_28 = tpu.matmul %convert_element_type3A_22, %sub3A_25, %dot_general3A_27 {dimension_numbers = #tpu.dot_dimension_numbers<[1], [0], [0], [1], [0, 0, 1, 1], [], []>, transpose_lhs_hint = false} : vector<10112x128xf32>, vector<128x128xf32>, vector<10112x128xf32> -> vector<10112x128xf32>
    %add3A_29 = arith.addf %dot_general3A_26, %dot_general3A_28 : vector<10112x128xf32>
    %dot_general3A_30 = arith.constant dense<0.000000e+00> : vector<10112x128xf32>
    %dot_general3A_31 = tpu.matmul %sub3A, %convert_element_type3A_24, %dot_general3A_30 {dimension_numbers = #tpu.dot_dimension_numbers<[1], [0], [0], [1], [0, 0, 1, 1], [], []>, transpose_lhs_hint = false} : vector<10112x128xf32>, vector<128x128xf32>, vector<10112x128xf32> -> vector<10112x128xf32>
    %add3A_32 = arith.addf %add3A_29, %dot_general3A_31 : vector<10112x128xf32>
    %get3A_33 = arith.constant 0 : index
    %get3A_34 = arith.constant 0 : index
    %get3A_35 = vector.load %arg4[%get3A_33, %get3A_34] : memref<1x128xf32, #tpu.memory_space<vmem>>, vector<1x128xf32>
    %add3A_36 = vector.broadcast %get3A_35 : vector<1x128xf32> to vector<10112x128xf32>
    %add3A_37 = arith.addf %add3A_32, %add3A_36 : vector<10112x128xf32>
    %mul3A_38 = vector.broadcast %get3A_1 : vector<10112x1xf32> to vector<10112x128xf32>
    %mul3A_39 = arith.mulf %add3A_37, %mul3A_38 : vector<10112x128xf32>
    %swap3A = arith.constant 0 : index
    %swap3A_40 = arith.constant 0 : index
    %swap3A_41 = vector.load %arg5[%swap3A, %swap3A_40] : memref<10112x128xf32, #tpu.memory_space<vmem>>, vector<10112x128xf32>
    tpu.vector_store %arg5[%swap3A, %swap3A_40], %mul3A_39 {strides = array<i32>} : memref<10112x128xf32, #tpu.memory_space<vmem>>, vector<10112x128xf32>,
    return
  }
}

module attributes {stable_mosaic.version = 14 : i64} {
  func.func @_post_body(%arg0: memref<2x10112x128xf32, #tpu.memory_space<vmem>>, %arg1: memref<10112x128xf32, #tpu.memory_space<vmem>>, %arg2: memref<10112x1xf32, #tpu.memory_space<vmem>>, %arg3: memref<1x10112xf32, #tpu.memory_space<vmem>>, %arg4: memref<128x128xf32, #tpu.memory_space<vmem>>, %arg5: memref<1x128xf32, #tpu.memory_space<vmem>>, %arg6: memref<128x1xf32, #tpu.memory_space<vmem>>, %arg7: memref<1x1xf32, #tpu.memory_space<vmem>>, %arg8: memref<64x1xf32, #tpu.memory_space<vmem>>) attributes {dimension_semantics = [], scalar_prefetch = 0 : i64, scratch_operands = 0 : i64, tpu.core_type = #tpu.core_type<tc>} {
    %get3A = arith.constant 0 : index
    %get3A_0 = arith.constant 0 : index
    %get3A_1 = arith.constant 0 : index
    %get3A_2 = vector.load %arg0[%get3A, %get3A_0, %get3A_1] : memref<2x10112x128xf32, #tpu.memory_space<vmem>>, vector<1x10112x128xf32>
    %get3A_3 = vector.shape_cast %get3A_2 : vector<1x10112x128xf32> to vector<10112x128xf32>
    %get3A_4 = arith.constant 1 : index
    %get3A_5 = arith.constant 0 : index
    %get3A_6 = arith.constant 0 : index
    %get3A_7 = vector.load %arg0[%get3A_4, %get3A_5, %get3A_6] : memref<2x10112x128xf32, #tpu.memory_space<vmem>>, vector<1x10112x128xf32>
    %get3A_8 = vector.shape_cast %get3A_7 : vector<1x10112x128xf32> to vector<10112x128xf32>
    %add3A = arith.addf %get3A_3, %get3A_8 : vector<10112x128xf32>
    %get3A_9 = arith.constant 0 : index
    %get3A_10 = arith.constant 0 : index
    %get3A_11 = vector.load %arg1[%get3A_9, %get3A_10] : memref<10112x128xf32, #tpu.memory_space<vmem>>, vector<10112x128xf32>
    %add3A_12 = arith.addf %add3A, %get3A_11 : vector<10112x128xf32>
    %get3A_13 = arith.constant 0 : index
    %get3A_14 = arith.constant 0 : index
    %get3A_15 = vector.load %arg2[%get3A_13, %get3A_14] : memref<10112x1xf32, #tpu.memory_space<vmem>>, vector<10112x1xf32>
    %mul3A = vector.broadcast %get3A_15 : vector<10112x1xf32> to vector<10112x128xf32>
    %mul3A_16 = arith.mulf %add3A_12, %mul3A : vector<10112x128xf32>
    %max3A = arith.constant 0.000000e+00 : f32
    %max3A_17 = vector.broadcast %max3A : f32 to vector<10112x128xf32>
    %max3A_18 = arith.maximumf %mul3A_16, %max3A_17 : vector<10112x128xf32>
    %iota3A = tpu.iota {dimensions = array<i32: 0>} : vector<64x1xi32>
    %convert_element_type3A = arith.sitofp %iota3A : vector<64x1xi32> to vector<64x1xf32>
    %get3A_19 = arith.constant 0 : index
    %get3A_20 = arith.constant 0 : index
    %get3A_21 = vector.load %arg3[%get3A_19, %get3A_20] : memref<1x10112xf32, #tpu.memory_space<vmem>>, vector<1x10112xf32>
    %eq3A = vector.broadcast %get3A_21 : vector<1x10112xf32> to vector<64x10112xf32>
    %eq3A_22 = vector.broadcast %convert_element_type3A : vector<64x1xf32> to vector<64x10112xf32>
    %eq3A_23 = arith.cmpf oeq, %eq3A, %eq3A_22 : vector<64x10112xf32>
    %jit3A = arith.constant 1.000000e+00 : f32
    %jit3A_24 = arith.constant 0.000000e+00 : f32
    %broadcast_in_dim3A = vector.broadcast %jit3A : f32 to vector<64x10112xf32>
    %broadcast_in_dim3A_25 = vector.broadcast %jit3A_24 : f32 to vector<64x10112xf32>
    %select_n3A = arith.select %eq3A_23, %broadcast_in_dim3A, %broadcast_in_dim3A_25 : vector<64x10112xi1>, vector<64x10112xf32>
    %convert_element_type3A_26 = arith.truncf %select_n3A : vector<64x10112xf32> to vector<64x10112xbf16>
    %convert_element_type3A_27 = arith.extf %convert_element_type3A_26 : vector<64x10112xbf16> to vector<64x10112xf32>
    %sub3A = arith.subf %select_n3A, %convert_element_type3A_27 : vector<64x10112xf32>
    %convert_element_type3A_28 = arith.truncf %max3A_18 : vector<10112x128xf32> to vector<10112x128xbf16>
    %convert_element_type3A_29 = arith.extf %convert_element_type3A_28 : vector<10112x128xbf16> to vector<10112x128xf32>
    %sub3A_30 = arith.subf %max3A_18, %convert_element_type3A_29 : vector<10112x128xf32>
    %dot_general3A = arith.constant dense<0.000000e+00> : vector<64x128xf32>
    %dot_general3A_31 = tpu.matmul %convert_element_type3A_27, %convert_element_type3A_29, %dot_general3A {dimension_numbers = #tpu.dot_dimension_numbers<[1], [0], [0], [1], [0, 0, 1, 1], [], []>, transpose_lhs_hint = false} : vector<64x10112xf32>, vector<10112x128xf32>, vector<64x128xf32> -> vector<64x128xf32>
    %dot_general3A_32 = arith.constant dense<0.000000e+00> : vector<64x128xf32>
    %dot_general3A_33 = tpu.matmul %convert_element_type3A_27, %sub3A_30, %dot_general3A_32 {dimension_numbers = #tpu.dot_dimension_numbers<[1], [0], [0], [1], [0, 0, 1, 1], [], []>, transpose_lhs_hint = false} : vector<64x10112xf32>, vector<10112x128xf32>, vector<64x128xf32> -> vector<64x128xf32>
    %add3A_34 = arith.addf %dot_general3A_31, %dot_general3A_33 : vector<64x128xf32>
    %dot_general3A_35 = arith.constant dense<0.000000e+00> : vector<64x128xf32>
    %dot_general3A_36 = tpu.matmul %sub3A, %convert_element_type3A_29, %dot_general3A_35 {dimension_numbers = #tpu.dot_dimension_numbers<[1], [0], [0], [1], [0, 0, 1, 1], [], []>, transpose_lhs_hint = false} : vector<64x10112xf32>, vector<10112x128xf32>, vector<64x128xf32> -> vector<64x128xf32>
    %add3A_37 = arith.addf %add3A_34, %dot_general3A_36 : vector<64x128xf32>
    %reduce_sum3A = arith.constant dense<0.000000e+00> : vector<64xf32>
    %reduce_sum3A_38 = vector.multi_reduction <add>, %select_n3A, %reduce_sum3A [1] : vector<64x10112xf32> to vector<64xf32>
    %broadcast_in_dim3A_39 = vector.shape_cast %reduce_sum3A_38 : vector<64xf32> to vector<64x1xf32>
    %jit3A_40 = arith.constant 1.000000e+00 : f32
    %max3A_41 = vector.broadcast %jit3A_40 : f32 to vector<64x1xf32>
    %max3A_42 = arith.maximumf %max3A_41, %broadcast_in_dim3A_39 : vector<64x1xf32>
    %div3A = vector.broadcast %max3A_42 : vector<64x1xf32> to vector<64x128xf32>
    %div3A_43 = arith.divf %add3A_37, %div3A : vector<64x128xf32>
    %get3A_44 = arith.constant 0 : index
    %get3A_45 = arith.constant 0 : index
    %get3A_46 = vector.load %arg4[%get3A_44, %get3A_45] : memref<128x128xf32, #tpu.memory_space<vmem>>, vector<128x128xf32>
    %convert_element_type3A_47 = arith.truncf %div3A_43 : vector<64x128xf32> to vector<64x128xbf16>
    %convert_element_type3A_48 = arith.extf %convert_element_type3A_47 : vector<64x128xbf16> to vector<64x128xf32>
    %sub3A_49 = arith.subf %div3A_43, %convert_element_type3A_48 : vector<64x128xf32>
    %convert_element_type3A_50 = arith.truncf %get3A_46 : vector<128x128xf32> to vector<128x128xbf16>
    %convert_element_type3A_51 = arith.extf %convert_element_type3A_50 : vector<128x128xbf16> to vector<128x128xf32>
    %sub3A_52 = arith.subf %get3A_46, %convert_element_type3A_51 : vector<128x128xf32>
    %dot_general3A_53 = arith.constant dense<0.000000e+00> : vector<64x128xf32>
    %dot_general3A_54 = tpu.matmul %convert_element_type3A_48, %convert_element_type3A_51, %dot_general3A_53 {dimension_numbers = #tpu.dot_dimension_numbers<[1], [0], [0], [1], [0, 0, 1, 1], [], []>, transpose_lhs_hint = false} : vector<64x128xf32>, vector<128x128xf32>, vector<64x128xf32> -> vector<64x128xf32>
    %dot_general3A_55 = arith.constant dense<0.000000e+00> : vector<64x128xf32>
    %dot_general3A_56 = tpu.matmul %convert_element_type3A_48, %sub3A_52, %dot_general3A_55 {dimension_numbers = #tpu.dot_dimension_numbers<[1], [0], [0], [1], [0, 0, 1, 1], [], []>, transpose_lhs_hint = false} : vector<64x128xf32>, vector<128x128xf32>, vector<64x128xf32> -> vector<64x128xf32>
    %add3A_57 = arith.addf %dot_general3A_54, %dot_general3A_56 : vector<64x128xf32>
    %dot_general3A_58 = arith.constant dense<0.000000e+00> : vector<64x128xf32>
    %dot_general3A_59 = tpu.matmul %sub3A_49, %convert_element_type3A_51, %dot_general3A_58 {dimension_numbers = #tpu.dot_dimension_numbers<[1], [0], [0], [1], [0, 0, 1, 1], [], []>, transpose_lhs_hint = false} : vector<64x128xf32>, vector<128x128xf32>, vector<64x128xf32> -> vector<64x128xf32>
    %add3A_60 = arith.addf %add3A_57, %dot_general3A_59 : vector<64x128xf32>
    %get3A_61 = arith.constant 0 : index
    %get3A_62 = arith.constant 0 : index
    %get3A_63 = vector.load %arg5[%get3A_61, %get3A_62] : memref<1x128xf32, #tpu.memory_space<vmem>>, vector<1x128xf32>
    %add3A_64 = vector.broadcast %get3A_63 : vector<1x128xf32> to vector<64x128xf32>
    %add3A_65 = arith.addf %add3A_60, %add3A_64 : vector<64x128xf32>
    %max3A_66 = arith.constant 0.000000e+00 : f32
    %max3A_67 = vector.broadcast %max3A_66 : f32 to vector<64x128xf32>
    %max3A_68 = arith.maximumf %add3A_65, %max3A_67 : vector<64x128xf32>
    %get3A_69 = arith.constant 0 : index
    %get3A_70 = arith.constant 0 : index
    %get3A_71 = vector.load %arg6[%get3A_69, %get3A_70] : memref<128x1xf32, #tpu.memory_space<vmem>>, vector<128x1xf32>
    %convert_element_type3A_72 = arith.truncf %max3A_68 : vector<64x128xf32> to vector<64x128xbf16>
    %convert_element_type3A_73 = arith.extf %convert_element_type3A_72 : vector<64x128xbf16> to vector<64x128xf32>
    %sub3A_74 = arith.subf %max3A_68, %convert_element_type3A_73 : vector<64x128xf32>
    %convert_element_type3A_75 = arith.truncf %get3A_71 : vector<128x1xf32> to vector<128x1xbf16>
    %convert_element_type3A_76 = arith.extf %convert_element_type3A_75 : vector<128x1xbf16> to vector<128x1xf32>
    %sub3A_77 = arith.subf %get3A_71, %convert_element_type3A_76 : vector<128x1xf32>
    %dot_general3A_78 = arith.constant dense<0.000000e+00> : vector<64x1xf32>
    %dot_general3A_79 = tpu.matmul %convert_element_type3A_73, %convert_element_type3A_76, %dot_general3A_78 {dimension_numbers = #tpu.dot_dimension_numbers<[1], [0], [0], [1], [0, 0, 1, 1], [], []>, transpose_lhs_hint = false} : vector<64x128xf32>, vector<128x1xf32>, vector<64x1xf32> -> vector<64x1xf32>
    %dot_general3A_80 = arith.constant dense<0.000000e+00> : vector<64x1xf32>
    %dot_general3A_81 = tpu.matmul %convert_element_type3A_73, %sub3A_77, %dot_general3A_80 {dimension_numbers = #tpu.dot_dimension_numbers<[1], [0], [0], [1], [0, 0, 1, 1], [], []>, transpose_lhs_hint = false} : vector<64x128xf32>, vector<128x1xf32>, vector<64x1xf32> -> vector<64x1xf32>
    %add3A_82 = arith.addf %dot_general3A_79, %dot_general3A_81 : vector<64x1xf32>
    %dot_general3A_83 = arith.constant dense<0.000000e+00> : vector<64x1xf32>
    %dot_general3A_84 = tpu.matmul %sub3A_74, %convert_element_type3A_76, %dot_general3A_83 {dimension_numbers = #tpu.dot_dimension_numbers<[1], [0], [0], [1], [0, 0, 1, 1], [], []>, transpose_lhs_hint = false} : vector<64x128xf32>, vector<128x1xf32>, vector<64x1xf32> -> vector<64x1xf32>
    %add3A_85 = arith.addf %add3A_82, %dot_general3A_84 : vector<64x1xf32>
    %get3A_86 = arith.constant 0 : index
    %get3A_87 = arith.constant 0 : index
    %get3A_88 = vector.load %arg7[%get3A_86, %get3A_87] : memref<1x1xf32, #tpu.memory_space<vmem>>, vector<1x1xf32>
    %add3A_89 = vector.broadcast %get3A_88 : vector<1x1xf32> to vector<64x1xf32>
    %add3A_90 = arith.addf %add3A_85, %add3A_89 : vector<64x1xf32>
    %swap3A = arith.constant 0 : index
    %swap3A_91 = arith.constant 0 : index
    %swap3A_92 = vector.load %arg8[%swap3A, %swap3A_91] : memref<64x1xf32, #tpu.memory_space<vmem>>, vector<64x1xf32>
    tpu.vector_store %arg8[%swap3A, %swap3A_91], %add3A_90 {strides = array<i32>} : memref<64x1xf32, #tpu.memory_space<vmem>>, vector<64x1xf32>,
    return
  }
}

</mosaic_0001>

<sc_bundles>
// kernel: kernel.10.cloned.1.call-start
scs
__scs_entry_jumppad:
0x0: {  	(pc) =	sbr.rel $0x88, $3  }
0x1: {  	(tag) =	ssettag $0x0;
	lr =	simm.s32 $0x1  }
0x2: {  	[smem:$0x3F94] =	sst lr;
	_ =	strace $0xD0000000  }
0x3: {  	_ = 	snop  }
0x4: {  	_ = 	snop  }
0x5: {  	_ = 	snop  }
0x6: {  	_ = 	snop  }
0x7: {  	_ = 	snop  }
__scs_overlays_trampoline_lowered:
0x8: {  	[smem:$0x3FA3] =	sst s0  }
0x9: {  	[smem:$0x3FA4] =	sst s1  }
0xa: {  	[smem:$0x3FA5] =	sst s2  }
0xb: {  	[smem:$0x3FA6] =	sst s3  }
0xc: {  	[smem:$0x3FA7] =	sst s4  }
0xd: {  	[smem:$0x3FA8] =	sst s5  }
0xe: {  	[smem:$0x3FA9] =	sst s6  }
0xf: {  	[smem:$0x3FAA] =	sst s7  }
0x10: {  	[smem:$0x3FAB] =	sst s8  }
0x11: {  	[smem:$0x3FAC] =	sst s9;
	s0 =	simm.s32 @!p0 $0x0  }
0x12: {  	s1 =	sld [smem:$0x3F92];
	s0 =	simm.s32 @p0 $0x1  }
0x13: {  	[smem:$0x3FAD] =	sst s0;
	s0 =	simm.s32 @!p1 $0x0  }
0x14: {  	s2 =	sld [smem:$0x3F91];
	s0 =	simm.s32 @p1 $0x1  }
0x15: {  	[smem:$0x3FAE] =	sst s0;
	s0 =	simm.s32 @!p2 $0x0  }
0x16: {  	s3 =	sld [smem:$0x3FDB];
	s0 =	simm.s32 @p2 $0x1  }
0x17: {  	s4 =	simm.s32 $0x1BF5;
	[smem:$0x3FB0] =	sst s0  }
0x18: {  	s0 =	sld [smem:$0x3F93];
	_ =	swait.ge [sflag:s4], $0x0  }
0x19: {  	s7 =	sld [smem:$0x3F94]  }
0x1a: {  	s8 =	sadd.s32 $0xFFFFE003, lr  }
0x1b: {  	s9 =	sadd.s32 $0xFFFFFEF7, lr;
	s5 =	simm.s32 $0xFFFFFFFF;
	p2 =	slt.u32 s8, $0xFFFFF086  }
0x1c: {  	p1 =	slt.u32 s9, $0xF7A;
	s5 =	simm.s32 @!p2 $0x0  }
0x1d: {  	s5 =	simm.s32 @p1 $0x1;
	p0 =	seq.s32 s7, s2  }
0x1e: {  	s7 =	smul.u32 @!p0 $0xF7A, s2;
	p2 =	seq.s32 @!p0 s5, $0x0  }
0x1f: {  	s9 =	smul.u32 $0xF7A, s1;
	s8 =	simm.s32 @!p0 $0x1BF5;
	p2 =	por !p2, p0  }
0x20: {  	[sflag:s8] =	ssyncset.s32 @!p0 $0xFFFFF086;
	s6 =	sadd.s32 @!p0 s3, s7;
	s7 =	simm.s32 @!p0 $0x108  }
0x21: {  	s3 =	sadd.s32 s3, s9;
	s6 =	sadd.s32 @!p0 $0x88, s6;
	s7 =	simm.s32 @p2 $0x1082  }
0x22: {  	[simem:s7], [sflag:s8] =	dma.local @!p0 [hbm:s6], $0xF7A  }
0x23: {  	s9 =	sor.u32 $0xD0000000, s2;
	s6 =	simm.s32 $0x108;
	_ =	swait.ge @!p0 [sflag:s8], $0x0  }
0x24: {  	s3 =	sadd.s32 $0x88, s3;
	s6 =	simm.s32 @!p1 $0x1082;
	[sflag:s4] =	ssyncset.s32 $0xFFFFF086  }
0x25: {  	[simem:s6], [sflag:s4] =	dma.local [hbm:s3], $0xF7A  }
0x26: {  	[smem:$0x3F94] =	sst s1;
	(tag) =	ssettag s2;
	_ =	strace s9  }
0x27: {  	s1 =	sld [smem:$0x3FA4]  }
0x28: {  	s2 =	sld [smem:$0x3FA5]  }
0x29: {  	s4 =	sld [smem:$0x3FA7]  }
0x2a: {  	p0 =	seq.s32 s5, $0x0;
	s5 =	sld [smem:$0x3FA8]  }
0x2b: {  	s6 =	sld [smem:$0x3FA9]  }
0x2c: {  	s7 =	sld [smem:$0x3FAA]  }
0x2d: {  	s3 =	simm.s32 $0x108;
	s8 =	sld [smem:$0x3FAB]  }
0x2e: {  	s3 =	simm.s32 @!p0 $0x1082;
	s9 =	sld [smem:$0x3FAC]  }
0x2f: {  	lr =	sadd.s32 s0, s3;
	s0 =	sld [smem:$0x3FA3]  }
0x30: {  	s3 =	sld [smem:$0x3FA6]  }
0x31: {  	[smem:$0x3FAF] =	sst s10  }
0x32: {  	s10 =	sld [smem:$0x3FAD];
	_ =	sdelay $0x3  }
0x33: {  	p0 =	seq.s32 s10, $0x1;
	s10 =	sld [smem:$0x3FAF];
	_ =	sdelay $0x3  }
0x34: {  	[smem:$0x3FAF] =	sst s10  }
0x35: {  	s10 =	sld [smem:$0x3FAE];
	_ =	sdelay $0x3  }
0x36: {  	p1 =	seq.s32 s10, $0x1;
	s10 =	sld [smem:$0x3FAF];
	_ =	sdelay $0x3  }
0x37: {  	[smem:$0x3FAF] =	sst s10  }
0x38: {  	s10 =	sld [smem:$0x3FB0]  }
0x39: {  	_ = 	snop;
	(pc) =	sbr.ind lr, $3  }
0x3a: {  	_ = 	snop  }
0x3b: {  	_ = 	snop  }
0x3c: {  	p2 =	seq.s32 s10, $0x1;
	s10 =	sld [smem:$0x3FAF]  }
0x3d: {  	_ =	shalt  }
0x3e: {  	_ =	shalt  }
0x3f: {  	_ =	shalt  }
0x40: {  	_ =	shalt  }
0x41: {  	_ =	shalt  }
0x42: {  	_ =	shalt  }
0x43: {  	_ =	shalt  }
0x44: {  	_ =	shalt  }
0x45: {  	_ =	shalt  }
0x46: {  	_ =	shalt  }
0x47: {  	_ =	shalt  }
0x48: {  	_ =	shalt  }
0x49: {  	_ =	shalt  }
0x4a: {  	_ =	shalt  }
0x4b: {  	_ =	shalt  }
0x4c: {  	_ =	shalt  }
0x4d: {  	_ =	shalt  }
0x4e: {  	_ =	shalt  }
0x4f: {  	_ =	shalt  }
0x50: {  	_ =	shalt  }
0x51: {  	_ =	shalt  }
0x52: {  	_ =	shalt  }
0x53: {  	_ =	shalt  }
0x54: {  	_ =	shalt  }
0x55: {  	_ =	shalt  }
0x56: {  	_ =	shalt  }
0x57: {  	_ =	shalt  }
0x58: {  	_ =	shalt  }
0x59: {  	_ =	shalt  }
0x5a: {  	_ =	shalt  }
0x5b: {  	_ =	shalt  }
0x5c: {  	_ =	shalt  }
0x5d: {  	_ =	shalt  }
0x5e: {  	_ =	shalt  }
0x5f: {  	_ =	shalt  }
0x60: {  	_ =	shalt  }
0x61: {  	_ =	shalt  }
0x62: {  	_ =	shalt  }
0x63: {  	_ =	shalt  }
0x64: {  	_ =	shalt  }
0x65: {  	_ =	shalt  }
0x66: {  	_ =	shalt  }
0x67: {  	_ =	shalt  }
0x68: {  	_ =	shalt  }
0x69: {  	_ =	shalt  }
0x6a: {  	_ =	shalt  }
0x6b: {  	_ =	shalt  }
0x6c: {  	_ =	shalt  }
0x6d: {  	_ =	shalt  }
0x6e: {  	_ =	shalt  }
0x6f: {  	_ =	shalt  }
0x70: {  	_ =	shalt  }
0x71: {  	_ =	shalt  }
0x72: {  	_ =	shalt  }
0x73: {  	_ =	shalt  }
0x74: {  	_ =	shalt  }
0x75: {  	_ =	shalt  }
0x76: {  	_ =	shalt  }
0x77: {  	_ =	shalt  }
0x78: {  	_ =	shalt  }
0x79: {  	_ =	shalt  }
0x7a: {  	_ =	shalt  }
0x7b: {  	_ =	shalt  }
0x7c: {  	_ =	shalt  }
0x7d: {  	_ =	shalt  }
0x7e: {  	_ =	shalt  }
0x7f: {  	_ =	shalt  }
0x80: {  	_ =	shalt  }
0x81: {  	_ =	shalt  }
0x82: {  	_ =	shalt  }
0x83: {  	_ =	shalt  }
0x84: {  	_ =	shalt  }
0x85: {  	_ =	shalt  }
0x86: {  	_ =	shalt  }
0x87: {  	_ =	shalt  }
.Lfunc_end0:
.L_simem_size_0:
called_computation_lowered:
.L_overlay_start_0:
0x88: {  	s2 =	sld [smem:$0x3FD9]  }
0x89: {  	s3 =	sld [smem:$0x3FFE];
	_ =	sdelay $0x1  }
0x8a: {  	s1 =	srdreg.scid  }
0x8b: {  	s0 =	sand.u32 $0x1, s1  }
0x8c: {  	s16 =	sshll.u32 s0, $0xA;
	s2 =	sadd.s32 s3, s2  }
0x8d: {  	s2 =	sadd.s32 s2, s16  }
0x8e: {  	[smem:$0x3FBB] =	sst s2  }
0x8f: {  	_ = 	snop  }
0x90: {  	(tm) =	ssettm $0x1  }
0x91: {  	s17 =	sld [smem:$0x3FFB];
	_ =	sdelay $0x3  }
0x92: {  	_ =	strace s17  }
0x93: {  	s2 =	sld [smem:$0x3FFC];
	_ =	sdelay $0x3  }
0x94: {  	_ =	strace s2  }
0x95: {  	s2 =	sld [smem:$0x3FFD];
	_ =	sdelay $0x3  }
0x96: {  	_ =	strace s2  }
0x97: {  	_ =	strace $0x8FFFFFFF  }
0x98: {  	s18 =	sld [smem:$0x3FDB];
	_ =	sdelay $0x1  }
0x99: {  	s19 =	simm.s32 $_scs_section_size  }
0x9a: {  	s4 =	simm.s32 $_size__tile_overlayer_lowered;
	s5 =	simm.s32 $_tile_overlayer_lowered  }
0x9b: {  	s22 =	simm.s32 $0x1BFF;
	s21 =	sshll.u32 s5, $0x1;
	s2 =	sadd.s32 s19, s18  }
0x9c: {  	s6 =	simm.s32 $0x0;
	s20 =	sshll.u32 s4, $0x1;
	s4 =	sadd.s32 s21, s2  }
0x9d: {  	[timem:s6], [sflag:s22] =	dma.local [hbm:s4], s20  }
0x9e: {  	_ =	swait.ge [sflag:s22], s20  }
0x9f: {  	s3 =	ssub.s32 $0x0, s20;
	[sflag:s22] =	ssyncset.done $0x0  }
0xa0: {  	[sflag:s22] =	ssyncadd.s32 s3;
	_ =	sdelay $0x1  }
0xa1: {  	s23 =	simm.s32 $0x1B8B  }
0xa2: {  	_ =	swait.ge [sflag:s23], $0x1  }
0xa3: {  	[sflag:s23] =	ssyncset.done $0x0  }
0xa4: {  	s25 =	simm.s32 $0x1B8E;
	s24 =	sld [smem:$0x3FFE];
	[sflag:s23] =	ssyncadd.s32 $0xFFFFFFFF  }
0xa5: {  	s26 =	simm.s32 $execute0_lowered;
	[smem:$0x3FD2] =	sst s25  }
0xa6: {  	s4 =	sshll.u32 s26, $0x1;
	_ =	strace $0x80000046;
	[dreg:$0x1] =	wrdreg $0xFFFFFFFF  }
0xa7: {  	s28 =	simm.s32 $_size_execute0_lowered;
	s2 =	sadd.s32 s2, s4;
	[dreg:$0x0] =	wrdreg $0x0  }
0xa8: {  	s4 =	sshll.u32 s28, $0x1;
	[dreg:$0x2] =	wrdreg s2  }
0xa9: {  	[dreg:$0x3] =	wrdreg s4  }
0xaa: {  	[dreg:$0x4] =	wrdreg $0xC0  }
0xab: {  	_ =	task [dreg:s6], $0x5FFFF  }
0xac: {  	[dreg:$0x1] =	wrdreg $0xFFFFFFFF  }
0xad: {  	[dreg:$0x0] =	wrdreg $0x60  }
0xae: {  	[dreg:$0x2] =	wrdreg s24  }
0xaf: {  	[dreg:$0x3] =	wrdreg $0x85000  }
0xb0: {  	[dreg:$0x4] =	wrdreg $0x9  }
0xb1: {  	_ =	task.clear_ibuf [dreg:s6], $0x5FFFF;
	_ =	strace $0x90000046  }
0xb2: {  	s29 =	simm.s32 $0x9;
	_ =	strace $0x80000048  }
0xb3: {  	_ =	swait.ge [sflag:s29], $0x1  }
0xb4: {  	[sflag:s29] =	ssyncadd.s32 $0xFFFFFFFF  }
0xb5: {  	_ =	strace $0x90000048  }
0xb6: {  	_ =	sfence  }
0xb7: {  	s30 =	sld [smem:$0x0];
	_ =	sdelay $0x2  }
0xb8: {  	s31 =	sshll.u32 s1, $0xD;
	s1 =	sshrl.u32 s1, $0x2  }
0xb9: {  	s3 =	sand.u32 $0x4000, s31;
	s1 =	sadd.s32 s1, s30  }
0xba: {  	s0 =	sor.u32 s3, s0;
	s1 =	sshll.u32 s1, $0x11  }
0xbb: {  	s0 =	sor.u32 s1, s0  }
0xbc: {  	s0 =	sadd.s32 $0x8F2B, s0  }
0xbd: {  	[sflag:s0] =	ssyncadd.remote.s32 $0x1  }
0xbe: {  	_ =	sfence.sel $0xFFFF  }
0xbf: {  	[dreg:$0x0] =	wrdreg $0xFFFFFFFF;
	(pc) =	sbr.abs _section_cstart, $3  }
0xc0: {  	[dreg:$0x1] =	wrdreg $0xFFFFFFFF  }
0xc1: {  	_ =	task.clear_ibuf [dreg:s6], $0x2FFFF;
	_ =	strace $0x9FFFFFFF  }
0xc2: {  	(tm) =	ssettm $0x7FFFFFFF  }
0xc3: {  	_ =	shalt  }
tec
execute0_lowered:
.L_overlay_start_1:
0x0: {  	(tag) =	ssettag $0x1  }
0x1: {  	s5 =	rddreg [dreg:$0x0]  }
0x2: {  	s2 =	rddreg [dreg:$0x1]  }
0x3: {  	s0 =	rddreg [dreg:$0x2];
	s1 =	stileid.u32  }
0x4: {  	s4 =	srdreg.scid;
	s3 =	simm.s32 $0x0;
	s6 =	smul.u32 $0x13C00, s1  }
0x5: {  	s15 =	simm.s32 $0x4500;
	s16 =	simm.s32 $0x1;
	s26 =	smul.u32 $0x4F000, s1  }
0x6: {  	s17 =	simm.s32 $0x4480;
	s11 =	sand.u32 $0x1, s4;
	s13 =	smul.u32 $0xC00, s1  }
0x7: {  	[smem:$0x7FF] =	sst s3;
	s4 =	sadd.s32 $0xCA00, s5;
	s31 =	smul.u32 $0x880, s1  }
0x8: {  	s8 =	sadd.s32 $0x2A00, s5;
	s29 =	sshll.u32 s1, $0x6;
	s7 =	smul.u32 $0x13C000, s11  }
0x9: {  	_ =	strace $0x80000047;
	s10 =	ssub.s32 $0x2, s11;
	p0 =	sne.s32 s11, $0x0  }
0xa: {  	s9 =	sshrl.u32 s6, $0x3;
	s12 =	sshrl.u32 s10, $0x1;
	s30 =	sshrl.u32 s13, $0x3  }
0xb: {  	s13 =	simm.s32 $0x80;
	s6 =	sadd.s32 s6, s7;
	s9 =	sadd.s32 s9, s5  }
0xc: {  	s7 =	sshrl.u32 s26, $0x2;
	s10 =	ssub.s32 s10, s12;
	s12 =	simm.s32 $0x2  }
0xd: {  	s6 =	sshrl.u32 s6, $0x3;
	s28 =	sadd.s32 s7, s2;
	s7 =	sadd.s32 s8, s30  }
0xe: {  	s8 =	sadd.s32 s8, s31;
	s10 =	smax.u32 s10, $0x1;
	s14 =	sadd.s32 s6, s5  }
0xf: {  	s5 =	sadd.s32 $0x34200, s9;
	s6 =	sor.u32 $0x1C02, s29;
	s7 =	sadd.s32 $0x8800, s7  }
0x10: {  	s11 =	sshrl.u32 s28, $0x3;
	s9 =	sadd.s32 $0x5BA00, s14;
	s14 =	simm.s32 $0x4400  }
.LBB2_1:
0x11: {  	[spmem:s11], [sflag:s6] =	dma.local [hbm:s5], $0x2780  }
0x12: {  	_ =	swait.ge [sflag:s12], $0x2780  }
0x13: {  	[sflag:s12] =	ssyncset.done $0x0  }
0x14: {  	s18 =	simm.s32 @p0 $0x0;
	[sflag:s12] =	ssyncadd.s32 $0xFFFFD880  }
0x15: {  	[tilespmem:s18], [sflag:$0x2] =	stream.linear.gather @p0 [hbm4b:s7+s18], $0xC00, $0x38;
	[tilespmem:$0x1C100] =	vst v63  }
0x16: {  	s18 =	simm.s32 @p0 $0x2  }
0x17: {  	_ =	swait.ge @p0 [sflag:s18], $0xC00  }
0x18: {  	[sflag:s18] =	ssyncset.done @p0 $0x0  }
0x19: {  	[sflag:s18] =	ssyncadd.s32 @p0 $0xFFFFF400;
	s18 =	simm.s32 @!p0 $0x0  }
0x1a: {  	[tilespmem:s18], [sflag:$0x2] =	stream.linear.gather @!p0 [hbm4b:s8+s18], $0x4400, $0x38;
	[tilespmem:$0x1C100] =	vst v63  }
0x1b: {  	s18 =	simm.s32 @!p0 $0x2  }
0x1c: {  	_ =	swait.ge @!p0 [sflag:s18], $0x4400  }
0x1d: {  	[sflag:s18] =	ssyncset.done @!p0 $0x0  }
0x1e: {  	[sflag:s18] =	ssyncadd.s32 @!p0 $0xFFFFBC00  }
0x1f: {  	s18 =	simm.s32 $0x40;
	[bflag:$0x0] =	sbarrier.arrive $0xFFFF  }
0x20: {  	v0 =	vld [tilespmem:s18+$0xFFFFFFC0];
	_ =	sdelay $0x4  }
0x21: {  	v1 =	vand.u32 $0x3FFF, v0  }
0x22: {  	v0 =	vshra.s32 v0, $0xE;
	[tilespmem:$0x4400] =	vst v1  }
0x23: {  	[tilespmem:$0x4480] =	vst v0  }
0x24: {  	v0 =	vld [tilespmem:s18+$0xFFFFFFD0];
	_ =	sdelay $0x4  }
0x25: {  	v1 =	vand.u32 $0x3FFF, v0  }
0x26: {  	v0 =	vshra.s32 v0, $0xE;
	[tilespmem:$0x4410] =	vst v1  }
0x27: {  	[tilespmem:$0x4490] =	vst v0  }
0x28: {  	v0 =	vld [tilespmem:s18+$0xFFFFFFE0];
	_ =	sdelay $0x4  }
0x29: {  	v1 =	vand.u32 $0x3FFF, v0  }
0x2a: {  	v0 =	vshra.s32 v0, $0xE;
	[tilespmem:$0x4420] =	vst v1  }
0x2b: {  	[tilespmem:$0x44A0] =	vst v0  }
0x2c: {  	v0 =	vld [tilespmem:s18+$0xFFFFFFF0];
	_ =	sdelay $0x4  }
0x2d: {  	v1 =	vand.u32 $0x3FFF, v0  }
0x2e: {  	v0 =	vshra.s32 v0, $0xE;
	[tilespmem:$0x4430] =	vst v1  }
0x2f: {  	[tilespmem:$0x44B0] =	vst v0  }
0x30: {  	v0 =	vld [tilespmem:s18+$0x0];
	_ =	sdelay $0x4  }
0x31: {  	v1 =	vand.u32 $0x3FFF, v0  }
0x32: {  	v0 =	vshra.s32 v0, $0xE;
	[tilespmem:$0x4440] =	vst v1  }
0x33: {  	[tilespmem:$0x44C0] =	vst v0  }
0x34: {  	v0 =	vld [tilespmem:s18+$0x10];
	_ =	sdelay $0x4  }
0x35: {  	v1 =	vand.u32 $0x3FFF, v0  }
0x36: {  	v0 =	vshra.s32 v0, $0xE;
	[tilespmem:$0x4450] =	vst v1  }
0x37: {  	[tilespmem:$0x44D0] =	vst v0  }
0x38: {  	v0 =	vld [tilespmem:s18+$0x20];
	_ =	sdelay $0x4  }
0x39: {  	v1 =	vand.u32 $0x3FFF, v0  }
0x3a: {  	v0 =	vshra.s32 v0, $0xE;
	[tilespmem:$0x4460] =	vst v1  }
0x3b: {  	s19 =	simm.s32 @!p0 $0x88;
	[tilespmem:$0x44E0] =	vst v0  }
0x3c: {  	s19 =	simm.s32 @p0 $0x18;
	v0 =	vld [tilespmem:s18+$0x30]  }
0x3d: {  	p1 =	sne.s32 s19, $0x1  }
.Ltmp0:
0x3e: {  	_ = 	snop;
	(pc) =	sbr.rel @!p1 .LBB2_3-.Ltmp0, $3  }
0x3f: {  	_ =	sdelay $0x1  }
0x40: {  	v1 =	vand.u32 $0x3FFF, v0  }
0x41: {  	s19 =	sadd.s32 $0xFFFFFFFF, s19;
	v0 =	vshra.s32 v0, $0xE;
	[tilespmem:$0x4470] =	vst v1  }
.LBB2_2:
0x42: {  	p1 =	sne.s32 s19, $0x1;
	s19 =	sadd.s32 $0xFFFFFFFF, s19;
	[tilespmem:$0x44F0] =	vst v0;
	s18 =	sadd.s32 $0x80, s18  }
0x43: {  	[tilespmem:s15], [sflag:$0x1] =	stream.indirect.gather [hbm4b:s4+s13], $0x80, s14, s13, $0xb8;
	[tilespmem:$0x1C100] =	vst v63  }
0x44: {  	_ =	swait.ge [sflag:s16], $0x4000  }
0x45: {  	[sflag:s16] =	ssyncset.done $0x0  }
0x46: {  	[sflag:s16] =	ssyncadd.s32 $0xFFFFC000  }
0x47: {  	[spmem:s2] =	stream.indirect.scatter.add.f32 [tilespmem:s15], [sflag:$0x2], $0x80, s17, s13, $0xb8;
	[tilespmem:$0x1C100] =	vst v63  }
0x48: {  	_ =	swait.ge [sflag:s12], $0x4000  }
0x49: {  	[sflag:s12] =	ssyncset.done $0x0  }
0x4a: {  	[sflag:s12] =	ssyncadd.s32 $0xFFFFC000  }
0x4b: {  	v0 =	vld [tilespmem:s18+$0xFFFFFFC0];
	_ =	sdelay $0x4  }
0x4c: {  	v1 =	vand.u32 $0x3FFF, v0;
	v0 =	vshra.s32 v0, $0xE  }
0x4d: {  	[tilespmem:$0x4400] =	vst v1  }
0x4e: {  	[tilespmem:$0x4480] =	vst v0  }
0x4f: {  	v0 =	vld [tilespmem:s18+$0xFFFFFFD0];
	_ =	sdelay $0x4  }
0x50: {  	v1 =	vand.u32 $0x3FFF, v0;
	v0 =	vshra.s32 v0, $0xE  }
0x51: {  	[tilespmem:$0x4410] =	vst v1  }
0x52: {  	[tilespmem:$0x4490] =	vst v0  }
0x53: {  	v0 =	vld [tilespmem:s18+$0xFFFFFFE0];
	_ =	sdelay $0x4  }
0x54: {  	v1 =	vand.u32 $0x3FFF, v0;
	v0 =	vshra.s32 v0, $0xE  }
0x55: {  	[tilespmem:$0x4420] =	vst v1  }
0x56: {  	[tilespmem:$0x44A0] =	vst v0  }
0x57: {  	v0 =	vld [tilespmem:s18+$0xFFFFFFF0];
	_ =	sdelay $0x4  }
0x58: {  	v1 =	vand.u32 $0x3FFF, v0;
	v0 =	vshra.s32 v0, $0xE  }
0x59: {  	[tilespmem:$0x4430] =	vst v1  }
0x5a: {  	[tilespmem:$0x44B0] =	vst v0  }
0x5b: {  	v0 =	vld [tilespmem:s18+$0x0];
	_ =	sdelay $0x4  }
0x5c: {  	v1 =	vand.u32 $0x3FFF, v0;
	v0 =	vshra.s32 v0, $0xE  }
0x5d: {  	[tilespmem:$0x4440] =	vst v1  }
0x5e: {  	[tilespmem:$0x44C0] =	vst v0  }
0x5f: {  	v0 =	vld [tilespmem:s18+$0x10];
	_ =	sdelay $0x4  }
0x60: {  	v1 =	vand.u32 $0x3FFF, v0;
	v0 =	vshra.s32 v0, $0xE  }
0x61: {  	[tilespmem:$0x4450] =	vst v1  }
0x62: {  	[tilespmem:$0x44D0] =	vst v0  }
0x63: {  	v0 =	vld [tilespmem:s18+$0x20];
	_ =	sdelay $0x4  }
0x64: {  	v1 =	vand.u32 $0x3FFF, v0;
	v0 =	vshra.s32 v0, $0xE  }
0x65: {  	[tilespmem:$0x4460] =	vst v1  }
0x66: {  	[tilespmem:$0x44E0] =	vst v0  }
0x67: {  	v0 =	vld [tilespmem:s18+$0x30];
	_ =	sdelay $0x1  }
.Ltmp1:
0x68: {  	(pc) =	sbr.rel @p1 .LBB2_2-.Ltmp1, $3  }
0x69: {  	_ =	sdelay $0x1  }
0x6a: {  	v1 =	vand.u32 $0x3FFF, v0;
	v0 =	vshra.s32 v0, $0xE  }
0x6b: {  	[tilespmem:$0x4470] =	vst v1  }
.LBB2_3:
0x6c: {  	[tilespmem:$0x44F0] =	vst v0  }
0x6d: {  	[tilespmem:s15], [sflag:$0x1] =	stream.indirect.gather [hbm4b:s4+s13], $0x80, s14, s13, $0xb8;
	[tilespmem:$0x1C100] =	vst v63  }
0x6e: {  	_ =	swait.ge [sflag:s16], $0x4000  }
0x6f: {  	[sflag:s16] =	ssyncset.done $0x0  }
0x70: {  	[sflag:s16] =	ssyncadd.s32 $0xFFFFC000  }
0x71: {  	[spmem:s2] =	stream.indirect.scatter.add.f32 [tilespmem:s15], [sflag:$0x2], $0x80, s17, s13, $0xb8;
	[tilespmem:$0x1C100] =	vst v63  }
0x72: {  	_ =	swait.ge [sflag:s12], $0x4000  }
0x73: {  	s3 =	sadd.s32 $0x1, s3;
	[sflag:s12] =	ssyncset.done $0x0  }
0x74: {  	p1 =	sne.s32 s3, s10;
	[sflag:s12] =	ssyncadd.s32 $0xFFFFC000  }
.Ltmp2:
0x75: {  	[bflag:$0x0] =	sbarrier.arrive $0xFFFF;
	(pc) =	sbr.rel @p1 .LBB2_1-.Ltmp2, $4  }
0x76: {  	[hbm:s9], [sflag:s6] =	dma.local [spmem:s11], $0x2780  }
0x77: {  	_ =	swait.ge [sflag:s12], $0x2780  }
0x78: {  	[sflag:s12] =	ssyncset.done $0x0  }
0x79: {  	[sflag:s12] =	ssyncadd.s32 $0xFFFFD880  }
0x7a: {  	_ =	sfence.sel $0x180000  }
0x7b: {  	[bflag:$0x0] =	sbarrier.arrive $0xFFFF  }
0x7c: {  	p0 =	sne.s32 s1, $0x0;
	_ =	strace $0x90000047  }
0x7d: {  	s0 =	sadd.s32 @!p0 $0x100000, s0;
	[bflag:$0x2] =	sbarrier.arrive $0xFFFF  }
0x7e: {  	[sflag:s0] =	ssyncadd.tile.s32 @!p0 $0x1;
	_ =	shalt  }
.Lfunc_end2:
_tile_overlayer_lowered:
.L_overlay_start_2:
0x7f: {  	(tag) =	ssettag $0x2  }
0x80: {  	s0 =	rddreg [dreg:$0x0];
	s2 =	stileid.u32  }
0x81: {  	s1 =	rddreg [dreg:$0x1];
	p0 =	sne.s32 s2, $0x0  }
0x82: {  	s3 =	rddreg [dreg:$0x2];
	[bflag:$0x3] =	sbarrier.arrive $0xFFFF;
	s2 =	simm.s32 @!p0 $0x1C02  }
0x83: {  	[timem:s3], [sflag:s2] =	dma.local @!p0 [hbm:s0], s1  }
0x84: {  	s0 =	simm.s32 @!p0 $0x2  }
0x85: {  	_ =	swait.ge @!p0 [sflag:s0], s1  }
0x86: {  	s1 =	ssub.s32 @!p0 $0x0, s1;
	[sflag:s0] =	ssyncset.done @!p0 $0x0  }
0x87: {  	[sflag:s0] =	ssyncadd.s32 @!p0 s1  }
0x88: {  	[bflag:$0x3] =	sbarrier.arrive $0xFFFF  }
0x89: {  	_ =	shalt  }

// kernel: kernel.13.cloned.1.call-start
scs
__scs_entry_jumppad:
0x0: {  	(pc) =	sbr.rel $0x88, $3  }
0x1: {  	(tag) =	ssettag $0x0;
	lr =	simm.s32 $0x1  }
0x2: {  	[smem:$0x3F94] =	sst lr;
	_ =	strace $0xD0000000  }
0x3: {  	_ = 	snop  }
0x4: {  	_ = 	snop  }
0x5: {  	_ = 	snop  }
0x6: {  	_ = 	snop  }
0x7: {  	_ = 	snop  }
__scs_overlays_trampoline_lowered:
0x8: {  	[smem:$0x3FA3] =	sst s0  }
0x9: {  	[smem:$0x3FA4] =	sst s1  }
0xa: {  	[smem:$0x3FA5] =	sst s2  }
0xb: {  	[smem:$0x3FA6] =	sst s3  }
0xc: {  	[smem:$0x3FA7] =	sst s4  }
0xd: {  	[smem:$0x3FA8] =	sst s5  }
0xe: {  	[smem:$0x3FA9] =	sst s6  }
0xf: {  	[smem:$0x3FAA] =	sst s7  }
0x10: {  	[smem:$0x3FAB] =	sst s8  }
0x11: {  	[smem:$0x3FAC] =	sst s9;
	s0 =	simm.s32 @!p0 $0x0  }
0x12: {  	s1 =	sld [smem:$0x3F92];
	s0 =	simm.s32 @p0 $0x1  }
0x13: {  	[smem:$0x3FAD] =	sst s0;
	s0 =	simm.s32 @!p1 $0x0  }
0x14: {  	s2 =	sld [smem:$0x3F91];
	s0 =	simm.s32 @p1 $0x1  }
0x15: {  	[smem:$0x3FAE] =	sst s0;
	s0 =	simm.s32 @!p2 $0x0  }
0x16: {  	s3 =	sld [smem:$0x3FDB];
	s0 =	simm.s32 @p2 $0x1  }
0x17: {  	s4 =	simm.s32 $0x1BF5;
	[smem:$0x3FB0] =	sst s0  }
0x18: {  	s0 =	sld [smem:$0x3F93];
	_ =	swait.ge [sflag:s4], $0x0  }
0x19: {  	s7 =	sld [smem:$0x3F94]  }
0x1a: {  	s8 =	sadd.s32 $0xFFFFE003, lr  }
0x1b: {  	s9 =	sadd.s32 $0xFFFFFEF7, lr;
	s5 =	simm.s32 $0xFFFFFFFF;
	p2 =	slt.u32 s8, $0xFFFFF086  }
0x1c: {  	p1 =	slt.u32 s9, $0xF7A;
	s5 =	simm.s32 @!p2 $0x0  }
0x1d: {  	s5 =	simm.s32 @p1 $0x1;
	p0 =	seq.s32 s7, s2  }
0x1e: {  	s7 =	smul.u32 @!p0 $0xF7A, s2;
	p2 =	seq.s32 @!p0 s5, $0x0  }
0x1f: {  	s9 =	smul.u32 $0xF7A, s1;
	s8 =	simm.s32 @!p0 $0x1BF5;
	p2 =	por !p2, p0  }
0x20: {  	[sflag:s8] =	ssyncset.s32 @!p0 $0xFFFFF086;
	s6 =	sadd.s32 @!p0 s3, s7;
	s7 =	simm.s32 @!p0 $0x108  }
0x21: {  	s3 =	sadd.s32 s3, s9;
	s6 =	sadd.s32 @!p0 $0x88, s6;
	s7 =	simm.s32 @p2 $0x1082  }
0x22: {  	[simem:s7], [sflag:s8] =	dma.local @!p0 [hbm:s6], $0xF7A  }
0x23: {  	s9 =	sor.u32 $0xD0000000, s2;
	s6 =	simm.s32 $0x108;
	_ =	swait.ge @!p0 [sflag:s8], $0x0  }
0x24: {  	s3 =	sadd.s32 $0x88, s3;
	s6 =	simm.s32 @!p1 $0x1082;
	[sflag:s4] =	ssyncset.s32 $0xFFFFF086  }
0x25: {  	[simem:s6], [sflag:s4] =	dma.local [hbm:s3], $0xF7A  }
0x26: {  	[smem:$0x3F94] =	sst s1;
	(tag) =	ssettag s2;
	_ =	strace s9  }
0x27: {  	s1 =	sld [smem:$0x3FA4]  }
0x28: {  	s2 =	sld [smem:$0x3FA5]  }
0x29: {  	s4 =	sld [smem:$0x3FA7]  }
0x2a: {  	p0 =	seq.s32 s5, $0x0;
	s5 =	sld [smem:$0x3FA8]  }
0x2b: {  	s6 =	sld [smem:$0x3FA9]  }
0x2c: {  	s7 =	sld [smem:$0x3FAA]  }
0x2d: {  	s3 =	simm.s32 $0x108;
	s8 =	sld [smem:$0x3FAB]  }
0x2e: {  	s3 =	simm.s32 @!p0 $0x1082;
	s9 =	sld [smem:$0x3FAC]  }
0x2f: {  	lr =	sadd.s32 s0, s3;
	s0 =	sld [smem:$0x3FA3]  }
0x30: {  	s3 =	sld [smem:$0x3FA6]  }
0x31: {  	[smem:$0x3FAF] =	sst s10  }
0x32: {  	s10 =	sld [smem:$0x3FAD];
	_ =	sdelay $0x3  }
0x33: {  	p0 =	seq.s32 s10, $0x1;
	s10 =	sld [smem:$0x3FAF];
	_ =	sdelay $0x3  }
0x34: {  	[smem:$0x3FAF] =	sst s10  }
0x35: {  	s10 =	sld [smem:$0x3FAE];
	_ =	sdelay $0x3  }
0x36: {  	p1 =	seq.s32 s10, $0x1;
	s10 =	sld [smem:$0x3FAF];
	_ =	sdelay $0x3  }
0x37: {  	[smem:$0x3FAF] =	sst s10  }
0x38: {  	s10 =	sld [smem:$0x3FB0]  }
0x39: {  	_ = 	snop;
	(pc) =	sbr.ind lr, $3  }
0x3a: {  	_ = 	snop  }
0x3b: {  	_ = 	snop  }
0x3c: {  	p2 =	seq.s32 s10, $0x1;
	s10 =	sld [smem:$0x3FAF]  }
0x3d: {  	_ =	shalt  }
0x3e: {  	_ =	shalt  }
0x3f: {  	_ =	shalt  }
0x40: {  	_ =	shalt  }
0x41: {  	_ =	shalt  }
0x42: {  	_ =	shalt  }
0x43: {  	_ =	shalt  }
0x44: {  	_ =	shalt  }
0x45: {  	_ =	shalt  }
0x46: {  	_ =	shalt  }
0x47: {  	_ =	shalt  }
0x48: {  	_ =	shalt  }
0x49: {  	_ =	shalt  }
0x4a: {  	_ =	shalt  }
0x4b: {  	_ =	shalt  }
0x4c: {  	_ =	shalt  }
0x4d: {  	_ =	shalt  }
0x4e: {  	_ =	shalt  }
0x4f: {  	_ =	shalt  }
0x50: {  	_ =	shalt  }
0x51: {  	_ =	shalt  }
0x52: {  	_ =	shalt  }
0x53: {  	_ =	shalt  }
0x54: {  	_ =	shalt  }
0x55: {  	_ =	shalt  }
0x56: {  	_ =	shalt  }
0x57: {  	_ =	shalt  }
0x58: {  	_ =	shalt  }
0x59: {  	_ =	shalt  }
0x5a: {  	_ =	shalt  }
0x5b: {  	_ =	shalt  }
0x5c: {  	_ =	shalt  }
0x5d: {  	_ =	shalt  }
0x5e: {  	_ =	shalt  }
0x5f: {  	_ =	shalt  }
0x60: {  	_ =	shalt  }
0x61: {  	_ =	shalt  }
0x62: {  	_ =	shalt  }
0x63: {  	_ =	shalt  }
0x64: {  	_ =	shalt  }
0x65: {  	_ =	shalt  }
0x66: {  	_ =	shalt  }
0x67: {  	_ =	shalt  }
0x68: {  	_ =	shalt  }
0x69: {  	_ =	shalt  }
0x6a: {  	_ =	shalt  }
0x6b: {  	_ =	shalt  }
0x6c: {  	_ =	shalt  }
0x6d: {  	_ =	shalt  }
0x6e: {  	_ =	shalt  }
0x6f: {  	_ =	shalt  }
0x70: {  	_ =	shalt  }
0x71: {  	_ =	shalt  }
0x72: {  	_ =	shalt  }
0x73: {  	_ =	shalt  }
0x74: {  	_ =	shalt  }
0x75: {  	_ =	shalt  }
0x76: {  	_ =	shalt  }
0x77: {  	_ =	shalt  }
0x78: {  	_ =	shalt  }
0x79: {  	_ =	shalt  }
0x7a: {  	_ =	shalt  }
0x7b: {  	_ =	shalt  }
0x7c: {  	_ =	shalt  }
0x7d: {  	_ =	shalt  }
0x7e: {  	_ =	shalt  }
0x7f: {  	_ =	shalt  }
0x80: {  	_ =	shalt  }
0x81: {  	_ =	shalt  }
0x82: {  	_ =	shalt  }
0x83: {  	_ =	shalt  }
0x84: {  	_ =	shalt  }
0x85: {  	_ =	shalt  }
0x86: {  	_ =	shalt  }
0x87: {  	_ =	shalt  }
.Lfunc_end0:
.L_simem_size_0:
called_computation.1_lowered:
.L_overlay_start_0:
0x88: {  	s2 =	sld [smem:$0x3FD9]  }
0x89: {  	s3 =	sld [smem:$0x3FFE];
	_ =	sdelay $0x1  }
0x8a: {  	s1 =	srdreg.scid  }
0x8b: {  	s0 =	sand.u32 $0x1, s1  }
0x8c: {  	s16 =	sshll.u32 s0, $0xA;
	s2 =	sadd.s32 s3, s2  }
0x8d: {  	s2 =	sadd.s32 s2, s16  }
0x8e: {  	[smem:$0x3FBB] =	sst s2  }
0x8f: {  	_ = 	snop  }
0x90: {  	(tm) =	ssettm $0x1  }
0x91: {  	s17 =	sld [smem:$0x3FFB];
	_ =	sdelay $0x3  }
0x92: {  	_ =	strace s17  }
0x93: {  	s2 =	sld [smem:$0x3FFC];
	_ =	sdelay $0x3  }
0x94: {  	_ =	strace s2  }
0x95: {  	s2 =	sld [smem:$0x3FFD];
	_ =	sdelay $0x3  }
0x96: {  	_ =	strace s2  }
0x97: {  	_ =	strace $0x8FFFFFFF  }
0x98: {  	s18 =	sld [smem:$0x3FDB];
	_ =	sdelay $0x1  }
0x99: {  	s19 =	simm.s32 $_scs_section_size  }
0x9a: {  	s4 =	simm.s32 $_size__tile_overlayer_lowered;
	s5 =	simm.s32 $_tile_overlayer_lowered  }
0x9b: {  	s22 =	simm.s32 $0x1BFF;
	s21 =	sshll.u32 s5, $0x1;
	s2 =	sadd.s32 s19, s18  }
0x9c: {  	s6 =	simm.s32 $0x0;
	s20 =	sshll.u32 s4, $0x1;
	s4 =	sadd.s32 s21, s2  }
0x9d: {  	[timem:s6], [sflag:s22] =	dma.local [hbm:s4], s20  }
0x9e: {  	_ =	swait.ge [sflag:s22], s20  }
0x9f: {  	s3 =	ssub.s32 $0x0, s20;
	[sflag:s22] =	ssyncset.done $0x0  }
0xa0: {  	[sflag:s22] =	ssyncadd.s32 s3;
	_ =	sdelay $0x1  }
0xa1: {  	s23 =	simm.s32 $0x1B8B  }
0xa2: {  	_ =	swait.ge [sflag:s23], $0x1  }
0xa3: {  	[sflag:s23] =	ssyncset.done $0x0  }
0xa4: {  	s25 =	simm.s32 $0x1B8E;
	s24 =	sld [smem:$0x3FFE];
	[sflag:s23] =	ssyncadd.s32 $0xFFFFFFFF  }
0xa5: {  	s26 =	simm.s32 $execute0_lowered;
	[smem:$0x3FD2] =	sst s25  }
0xa6: {  	s4 =	sshll.u32 s26, $0x1;
	_ =	strace $0x80000049;
	[dreg:$0x1] =	wrdreg $0xFFFFFFFF  }
0xa7: {  	s28 =	simm.s32 $_size_execute0_lowered;
	s2 =	sadd.s32 s2, s4;
	[dreg:$0x0] =	wrdreg $0x0  }
0xa8: {  	s4 =	sshll.u32 s28, $0x1;
	[dreg:$0x2] =	wrdreg s2  }
0xa9: {  	[dreg:$0x3] =	wrdreg s4  }
0xaa: {  	[dreg:$0x4] =	wrdreg $0xC0  }
0xab: {  	_ =	task [dreg:s6], $0x5FFFF  }
0xac: {  	[dreg:$0x1] =	wrdreg $0xFFFFFFFF  }
0xad: {  	[dreg:$0x0] =	wrdreg $0x60  }
0xae: {  	[dreg:$0x2] =	wrdreg s24  }
0xaf: {  	[dreg:$0x3] =	wrdreg $0x85000  }
0xb0: {  	[dreg:$0x4] =	wrdreg $0x9  }
0xb1: {  	_ =	task.clear_ibuf [dreg:s6], $0x5FFFF;
	_ =	strace $0x90000049  }
0xb2: {  	s29 =	simm.s32 $0x9;
	_ =	strace $0x8000004B  }
0xb3: {  	_ =	swait.ge [sflag:s29], $0x1  }
0xb4: {  	[sflag:s29] =	ssyncadd.s32 $0xFFFFFFFF  }
0xb5: {  	_ =	strace $0x9000004B  }
0xb6: {  	_ =	sfence  }
0xb7: {  	s30 =	sld [smem:$0x0];
	_ =	sdelay $0x2  }
0xb8: {  	s31 =	sshll.u32 s1, $0xD;
	s1 =	sshrl.u32 s1, $0x2  }
0xb9: {  	s3 =	sand.u32 $0x4000, s31;
	s1 =	sadd.s32 s1, s30  }
0xba: {  	s0 =	sor.u32 s3, s0;
	s1 =	sshll.u32 s1, $0x11  }
0xbb: {  	s0 =	sor.u32 s1, s0  }
0xbc: {  	s0 =	sadd.s32 $0x8F2B, s0  }
0xbd: {  	[sflag:s0] =	ssyncadd.remote.s32 $0x1  }
0xbe: {  	_ =	sfence.sel $0xFFFF  }
0xbf: {  	[dreg:$0x0] =	wrdreg $0xFFFFFFFF;
	(pc) =	sbr.abs _section_cstart, $3  }
0xc0: {  	[dreg:$0x1] =	wrdreg $0xFFFFFFFF  }
0xc1: {  	_ =	task.clear_ibuf [dreg:s6], $0x2FFFF;
	_ =	strace $0x9FFFFFFF  }
0xc2: {  	(tm) =	ssettm $0x7FFFFFFF  }
0xc3: {  	_ =	shalt  }
tec
execute0_lowered:
.L_overlay_start_1:
0x0: {  	(tag) =	ssettag $0x1  }
0x1: {  	s5 =	rddreg [dreg:$0x0]  }
0x2: {  	s2 =	rddreg [dreg:$0x1]  }
0x3: {  	s0 =	rddreg [dreg:$0x2];
	s1 =	stileid.u32  }
0x4: {  	s4 =	srdreg.scid;
	s3 =	simm.s32 $0x0;
	s6 =	smul.u32 $0x13C00, s1  }
0x5: {  	s15 =	simm.s32 $0x4500;
	s16 =	simm.s32 $0x1;
	s26 =	smul.u32 $0x4F000, s1  }
0x6: {  	s17 =	simm.s32 $0x4480;
	s11 =	sand.u32 $0x1, s4;
	s13 =	smul.u32 $0xC00, s1  }
0x7: {  	[smem:$0x7FF] =	sst s3;
	s4 =	sadd.s32 $0xCA00, s5;
	s31 =	smul.u32 $0x880, s1  }
0x8: {  	s8 =	sadd.s32 $0x2A00, s5;
	s29 =	sshll.u32 s1, $0x6;
	s7 =	smul.u32 $0x13C000, s11  }
0x9: {  	_ =	strace $0x8000004A;
	s10 =	ssub.s32 $0x2, s11;
	p0 =	sne.s32 s11, $0x0  }
0xa: {  	s9 =	sshrl.u32 s6, $0x3;
	s12 =	sshrl.u32 s10, $0x1;
	s30 =	sshrl.u32 s13, $0x3  }
0xb: {  	s13 =	simm.s32 $0x80;
	s6 =	sadd.s32 s6, s7;
	s9 =	sadd.s32 s9, s5  }
0xc: {  	s7 =	sshrl.u32 s26, $0x2;
	s10 =	ssub.s32 s10, s12;
	s12 =	simm.s32 $0x2  }
0xd: {  	s6 =	sshrl.u32 s6, $0x3;
	s28 =	sadd.s32 s7, s2;
	s7 =	sadd.s32 s8, s30  }
0xe: {  	s8 =	sadd.s32 s8, s31;
	s10 =	smax.u32 s10, $0x1;
	s14 =	sadd.s32 s6, s5  }
0xf: {  	s5 =	sadd.s32 $0x34200, s9;
	s6 =	sor.u32 $0x1C02, s29;
	s7 =	sadd.s32 $0x8800, s7  }
0x10: {  	s11 =	sshrl.u32 s28, $0x3;
	s9 =	sadd.s32 $0x5BA00, s14;
	s14 =	simm.s32 $0x4400  }
.LBB2_1:
0x11: {  	[spmem:s11], [sflag:s6] =	dma.local [hbm:s5], $0x2780  }
0x12: {  	_ =	swait.ge [sflag:s12], $0x2780  }
0x13: {  	[sflag:s12] =	ssyncset.done $0x0  }
0x14: {  	s18 =	simm.s32 @p0 $0x0;
	[sflag:s12] =	ssyncadd.s32 $0xFFFFD880  }
0x15: {  	[tilespmem:s18], [sflag:$0x2] =	stream.linear.gather @p0 [hbm4b:s7+s18], $0xC00, $0x38;
	[tilespmem:$0x1C100] =	vst v63  }
0x16: {  	s18 =	simm.s32 @p0 $0x2  }
0x17: {  	_ =	swait.ge @p0 [sflag:s18], $0xC00  }
0x18: {  	[sflag:s18] =	ssyncset.done @p0 $0x0  }
0x19: {  	[sflag:s18] =	ssyncadd.s32 @p0 $0xFFFFF400;
	s18 =	simm.s32 @!p0 $0x0  }
0x1a: {  	[tilespmem:s18], [sflag:$0x2] =	stream.linear.gather @!p0 [hbm4b:s8+s18], $0x4400, $0x38;
	[tilespmem:$0x1C100] =	vst v63  }
0x1b: {  	s18 =	simm.s32 @!p0 $0x2  }
0x1c: {  	_ =	swait.ge @!p0 [sflag:s18], $0x4400  }
0x1d: {  	[sflag:s18] =	ssyncset.done @!p0 $0x0  }
0x1e: {  	[sflag:s18] =	ssyncadd.s32 @!p0 $0xFFFFBC00  }
0x1f: {  	s18 =	simm.s32 $0x40;
	[bflag:$0x0] =	sbarrier.arrive $0xFFFF  }
0x20: {  	v0 =	vld [tilespmem:s18+$0xFFFFFFC0];
	_ =	sdelay $0x4  }
0x21: {  	v1 =	vand.u32 $0x3FFF, v0  }
0x22: {  	v0 =	vshra.s32 v0, $0xE;
	[tilespmem:$0x4400] =	vst v1  }
0x23: {  	[tilespmem:$0x4480] =	vst v0  }
0x24: {  	v0 =	vld [tilespmem:s18+$0xFFFFFFD0];
	_ =	sdelay $0x4  }
0x25: {  	v1 =	vand.u32 $0x3FFF, v0  }
0x26: {  	v0 =	vshra.s32 v0, $0xE;
	[tilespmem:$0x4410] =	vst v1  }
0x27: {  	[tilespmem:$0x4490] =	vst v0  }
0x28: {  	v0 =	vld [tilespmem:s18+$0xFFFFFFE0];
	_ =	sdelay $0x4  }
0x29: {  	v1 =	vand.u32 $0x3FFF, v0  }
0x2a: {  	v0 =	vshra.s32 v0, $0xE;
	[tilespmem:$0x4420] =	vst v1  }
0x2b: {  	[tilespmem:$0x44A0] =	vst v0  }
0x2c: {  	v0 =	vld [tilespmem:s18+$0xFFFFFFF0];
	_ =	sdelay $0x4  }
0x2d: {  	v1 =	vand.u32 $0x3FFF, v0  }
0x2e: {  	v0 =	vshra.s32 v0, $0xE;
	[tilespmem:$0x4430] =	vst v1  }
0x2f: {  	[tilespmem:$0x44B0] =	vst v0  }
0x30: {  	v0 =	vld [tilespmem:s18+$0x0];
	_ =	sdelay $0x4  }
0x31: {  	v1 =	vand.u32 $0x3FFF, v0  }
0x32: {  	v0 =	vshra.s32 v0, $0xE;
	[tilespmem:$0x4440] =	vst v1  }
0x33: {  	[tilespmem:$0x44C0] =	vst v0  }
0x34: {  	v0 =	vld [tilespmem:s18+$0x10];
	_ =	sdelay $0x4  }
0x35: {  	v1 =	vand.u32 $0x3FFF, v0  }
0x36: {  	v0 =	vshra.s32 v0, $0xE;
	[tilespmem:$0x4450] =	vst v1  }
0x37: {  	[tilespmem:$0x44D0] =	vst v0  }
0x38: {  	v0 =	vld [tilespmem:s18+$0x20];
	_ =	sdelay $0x4  }
0x39: {  	v1 =	vand.u32 $0x3FFF, v0  }
0x3a: {  	v0 =	vshra.s32 v0, $0xE;
	[tilespmem:$0x4460] =	vst v1  }
0x3b: {  	s19 =	simm.s32 @!p0 $0x88;
	[tilespmem:$0x44E0] =	vst v0  }
0x3c: {  	s19 =	simm.s32 @p0 $0x18;
	v0 =	vld [tilespmem:s18+$0x30]  }
0x3d: {  	p1 =	sne.s32 s19, $0x1  }
.Ltmp0:
0x3e: {  	_ = 	snop;
	(pc) =	sbr.rel @!p1 .LBB2_3-.Ltmp0, $3  }
0x3f: {  	_ =	sdelay $0x1  }
0x40: {  	v1 =	vand.u32 $0x3FFF, v0  }
0x41: {  	s19 =	sadd.s32 $0xFFFFFFFF, s19;
	v0 =	vshra.s32 v0, $0xE;
	[tilespmem:$0x4470] =	vst v1  }
.LBB2_2:
0x42: {  	p1 =	sne.s32 s19, $0x1;
	s19 =	sadd.s32 $0xFFFFFFFF, s19;
	[tilespmem:$0x44F0] =	vst v0;
	s18 =	sadd.s32 $0x80, s18  }
0x43: {  	[tilespmem:s15], [sflag:$0x1] =	stream.indirect.gather [hbm4b:s4+s13], $0x80, s14, s13, $0xb8;
	[tilespmem:$0x1C100] =	vst v63  }
0x44: {  	_ =	swait.ge [sflag:s16], $0x4000  }
0x45: {  	[sflag:s16] =	ssyncset.done $0x0  }
0x46: {  	[sflag:s16] =	ssyncadd.s32 $0xFFFFC000  }
0x47: {  	[spmem:s2] =	stream.indirect.scatter.add.f32 [tilespmem:s15], [sflag:$0x2], $0x80, s17, s13, $0xb8;
	[tilespmem:$0x1C100] =	vst v63  }
0x48: {  	_ =	swait.ge [sflag:s12], $0x4000  }
0x49: {  	[sflag:s12] =	ssyncset.done $0x0  }
0x4a: {  	[sflag:s12] =	ssyncadd.s32 $0xFFFFC000  }
0x4b: {  	v0 =	vld [tilespmem:s18+$0xFFFFFFC0];
	_ =	sdelay $0x4  }
0x4c: {  	v1 =	vand.u32 $0x3FFF, v0;
	v0 =	vshra.s32 v0, $0xE  }
0x4d: {  	[tilespmem:$0x4400] =	vst v1  }
0x4e: {  	[tilespmem:$0x4480] =	vst v0  }
0x4f: {  	v0 =	vld [tilespmem:s18+$0xFFFFFFD0];
	_ =	sdelay $0x4  }
0x50: {  	v1 =	vand.u32 $0x3FFF, v0;
	v0 =	vshra.s32 v0, $0xE  }
0x51: {  	[tilespmem:$0x4410] =	vst v1  }
0x52: {  	[tilespmem:$0x4490] =	vst v0  }
0x53: {  	v0 =	vld [tilespmem:s18+$0xFFFFFFE0];
	_ =	sdelay $0x4  }
0x54: {  	v1 =	vand.u32 $0x3FFF, v0;
	v0 =	vshra.s32 v0, $0xE  }
0x55: {  	[tilespmem:$0x4420] =	vst v1  }
0x56: {  	[tilespmem:$0x44A0] =	vst v0  }
0x57: {  	v0 =	vld [tilespmem:s18+$0xFFFFFFF0];
	_ =	sdelay $0x4  }
0x58: {  	v1 =	vand.u32 $0x3FFF, v0;
	v0 =	vshra.s32 v0, $0xE  }
0x59: {  	[tilespmem:$0x4430] =	vst v1  }
0x5a: {  	[tilespmem:$0x44B0] =	vst v0  }
0x5b: {  	v0 =	vld [tilespmem:s18+$0x0];
	_ =	sdelay $0x4  }
0x5c: {  	v1 =	vand.u32 $0x3FFF, v0;
	v0 =	vshra.s32 v0, $0xE  }
0x5d: {  	[tilespmem:$0x4440] =	vst v1  }
0x5e: {  	[tilespmem:$0x44C0] =	vst v0  }
0x5f: {  	v0 =	vld [tilespmem:s18+$0x10];
	_ =	sdelay $0x4  }
0x60: {  	v1 =	vand.u32 $0x3FFF, v0;
	v0 =	vshra.s32 v0, $0xE  }
0x61: {  	[tilespmem:$0x4450] =	vst v1  }
0x62: {  	[tilespmem:$0x44D0] =	vst v0  }
0x63: {  	v0 =	vld [tilespmem:s18+$0x20];
	_ =	sdelay $0x4  }
0x64: {  	v1 =	vand.u32 $0x3FFF, v0;
	v0 =	vshra.s32 v0, $0xE  }
0x65: {  	[tilespmem:$0x4460] =	vst v1  }
0x66: {  	[tilespmem:$0x44E0] =	vst v0  }
0x67: {  	v0 =	vld [tilespmem:s18+$0x30];
	_ =	sdelay $0x1  }
.Ltmp1:
0x68: {  	(pc) =	sbr.rel @p1 .LBB2_2-.Ltmp1, $3  }
0x69: {  	_ =	sdelay $0x1  }
0x6a: {  	v1 =	vand.u32 $0x3FFF, v0;
	v0 =	vshra.s32 v0, $0xE  }
0x6b: {  	[tilespmem:$0x4470] =	vst v1  }
.LBB2_3:
0x6c: {  	[tilespmem:$0x44F0] =	vst v0  }
0x6d: {  	[tilespmem:s15], [sflag:$0x1] =	stream.indirect.gather [hbm4b:s4+s13], $0x80, s14, s13, $0xb8;
	[tilespmem:$0x1C100] =	vst v63  }
0x6e: {  	_ =	swait.ge [sflag:s16], $0x4000  }
0x6f: {  	[sflag:s16] =	ssyncset.done $0x0  }
0x70: {  	[sflag:s16] =	ssyncadd.s32 $0xFFFFC000  }
0x71: {  	[spmem:s2] =	stream.indirect.scatter.add.f32 [tilespmem:s15], [sflag:$0x2], $0x80, s17, s13, $0xb8;
	[tilespmem:$0x1C100] =	vst v63  }
0x72: {  	_ =	swait.ge [sflag:s12], $0x4000  }
0x73: {  	s3 =	sadd.s32 $0x1, s3;
	[sflag:s12] =	ssyncset.done $0x0  }
0x74: {  	p1 =	sne.s32 s3, s10;
	[sflag:s12] =	ssyncadd.s32 $0xFFFFC000  }
.Ltmp2:
0x75: {  	[bflag:$0x0] =	sbarrier.arrive $0xFFFF;
	(pc) =	sbr.rel @p1 .LBB2_1-.Ltmp2, $4  }
0x76: {  	[hbm:s9], [sflag:s6] =	dma.local [spmem:s11], $0x2780  }
0x77: {  	_ =	swait.ge [sflag:s12], $0x2780  }
0x78: {  	[sflag:s12] =	ssyncset.done $0x0  }
0x79: {  	[sflag:s12] =	ssyncadd.s32 $0xFFFFD880  }
0x7a: {  	_ =	sfence.sel $0x180000  }
0x7b: {  	[bflag:$0x0] =	sbarrier.arrive $0xFFFF  }
0x7c: {  	p0 =	sne.s32 s1, $0x0;
	_ =	strace $0x9000004A  }
0x7d: {  	s0 =	sadd.s32 @!p0 $0x100000, s0;
	[bflag:$0x2] =	sbarrier.arrive $0xFFFF  }
0x7e: {  	[sflag:s0] =	ssyncadd.tile.s32 @!p0 $0x1;
	_ =	shalt  }
.Lfunc_end2:
_tile_overlayer_lowered:
.L_overlay_start_2:
0x7f: {  	(tag) =	ssettag $0x2  }
0x80: {  	s0 =	rddreg [dreg:$0x0];
	s2 =	stileid.u32  }
0x81: {  	s1 =	rddreg [dreg:$0x1];
	p0 =	sne.s32 s2, $0x0  }
0x82: {  	s3 =	rddreg [dreg:$0x2];
	[bflag:$0x3] =	sbarrier.arrive $0xFFFF;
	s2 =	simm.s32 @!p0 $0x1C02  }
0x83: {  	[timem:s3], [sflag:s2] =	dma.local @!p0 [hbm:s0], s1  }
0x84: {  	s0 =	simm.s32 @!p0 $0x2  }
0x85: {  	_ =	swait.ge @!p0 [sflag:s0], s1  }
0x86: {  	s1 =	ssub.s32 @!p0 $0x0, s1;
	[sflag:s0] =	ssyncset.done @!p0 $0x0  }
0x87: {  	[sflag:s0] =	ssyncadd.s32 @!p0 s1  }
0x88: {  	[bflag:$0x3] =	sbarrier.arrive $0xFFFF  }
0x89: {  	_ =	shalt  }

// kernel: kernel.16.cloned.1.call-start
scs
__scs_entry_jumppad:
0x0: {  	(pc) =	sbr.rel $0x88, $3  }
0x1: {  	(tag) =	ssettag $0x0;
	lr =	simm.s32 $0x1  }
0x2: {  	[smem:$0x3F94] =	sst lr;
	_ =	strace $0xD0000000  }
0x3: {  	_ = 	snop  }
0x4: {  	_ = 	snop  }
0x5: {  	_ = 	snop  }
0x6: {  	_ = 	snop  }
0x7: {  	_ = 	snop  }
__scs_overlays_trampoline_lowered:
0x8: {  	[smem:$0x3FA3] =	sst s0  }
0x9: {  	[smem:$0x3FA4] =	sst s1  }
0xa: {  	[smem:$0x3FA5] =	sst s2  }
0xb: {  	[smem:$0x3FA6] =	sst s3  }
0xc: {  	[smem:$0x3FA7] =	sst s4  }
0xd: {  	[smem:$0x3FA8] =	sst s5  }
0xe: {  	[smem:$0x3FA9] =	sst s6  }
0xf: {  	[smem:$0x3FAA] =	sst s7  }
0x10: {  	[smem:$0x3FAB] =	sst s8  }
0x11: {  	[smem:$0x3FAC] =	sst s9;
	s0 =	simm.s32 @!p0 $0x0  }
0x12: {  	s1 =	sld [smem:$0x3F92];
	s0 =	simm.s32 @p0 $0x1  }
0x13: {  	[smem:$0x3FAD] =	sst s0;
	s0 =	simm.s32 @!p1 $0x0  }
0x14: {  	s2 =	sld [smem:$0x3F91];
	s0 =	simm.s32 @p1 $0x1  }
0x15: {  	[smem:$0x3FAE] =	sst s0;
	s0 =	simm.s32 @!p2 $0x0  }
0x16: {  	s3 =	sld [smem:$0x3FDB];
	s0 =	simm.s32 @p2 $0x1  }
0x17: {  	s4 =	simm.s32 $0x1BF5;
	[smem:$0x3FB0] =	sst s0  }
0x18: {  	s0 =	sld [smem:$0x3F93];
	_ =	swait.ge [sflag:s4], $0x0  }
0x19: {  	s7 =	sld [smem:$0x3F94]  }
0x1a: {  	s8 =	sadd.s32 $0xFFFFE003, lr  }
0x1b: {  	s9 =	sadd.s32 $0xFFFFFEF7, lr;
	s5 =	simm.s32 $0xFFFFFFFF;
	p2 =	slt.u32 s8, $0xFFFFF086  }
0x1c: {  	p1 =	slt.u32 s9, $0xF7A;
	s5 =	simm.s32 @!p2 $0x0  }
0x1d: {  	s5 =	simm.s32 @p1 $0x1;
	p0 =	seq.s32 s7, s2  }
0x1e: {  	s7 =	smul.u32 @!p0 $0xF7A, s2;
	p2 =	seq.s32 @!p0 s5, $0x0  }
0x1f: {  	s9 =	smul.u32 $0xF7A, s1;
	s8 =	simm.s32 @!p0 $0x1BF5;
	p2 =	por !p2, p0  }
0x20: {  	[sflag:s8] =	ssyncset.s32 @!p0 $0xFFFFF086;
	s6 =	sadd.s32 @!p0 s3, s7;
	s7 =	simm.s32 @!p0 $0x108  }
0x21: {  	s3 =	sadd.s32 s3, s9;
	s6 =	sadd.s32 @!p0 $0x88, s6;
	s7 =	simm.s32 @p2 $0x1082  }
0x22: {  	[simem:s7], [sflag:s8] =	dma.local @!p0 [hbm:s6], $0xF7A  }
0x23: {  	s9 =	sor.u32 $0xD0000000, s2;
	s6 =	simm.s32 $0x108;
	_ =	swait.ge @!p0 [sflag:s8], $0x0  }
0x24: {  	s3 =	sadd.s32 $0x88, s3;
	s6 =	simm.s32 @!p1 $0x1082;
	[sflag:s4] =	ssyncset.s32 $0xFFFFF086  }
0x25: {  	[simem:s6], [sflag:s4] =	dma.local [hbm:s3], $0xF7A  }
0x26: {  	[smem:$0x3F94] =	sst s1;
	(tag) =	ssettag s2;
	_ =	strace s9  }
0x27: {  	s1 =	sld [smem:$0x3FA4]  }
0x28: {  	s2 =	sld [smem:$0x3FA5]  }
0x29: {  	s4 =	sld [smem:$0x3FA7]  }
0x2a: {  	p0 =	seq.s32 s5, $0x0;
	s5 =	sld [smem:$0x3FA8]  }
0x2b: {  	s6 =	sld [smem:$0x3FA9]  }
0x2c: {  	s7 =	sld [smem:$0x3FAA]  }
0x2d: {  	s3 =	simm.s32 $0x108;
	s8 =	sld [smem:$0x3FAB]  }
0x2e: {  	s3 =	simm.s32 @!p0 $0x1082;
	s9 =	sld [smem:$0x3FAC]  }
0x2f: {  	lr =	sadd.s32 s0, s3;
	s0 =	sld [smem:$0x3FA3]  }
0x30: {  	s3 =	sld [smem:$0x3FA6]  }
0x31: {  	[smem:$0x3FAF] =	sst s10  }
0x32: {  	s10 =	sld [smem:$0x3FAD];
	_ =	sdelay $0x3  }
0x33: {  	p0 =	seq.s32 s10, $0x1;
	s10 =	sld [smem:$0x3FAF];
	_ =	sdelay $0x3  }
0x34: {  	[smem:$0x3FAF] =	sst s10  }
0x35: {  	s10 =	sld [smem:$0x3FAE];
	_ =	sdelay $0x3  }
0x36: {  	p1 =	seq.s32 s10, $0x1;
	s10 =	sld [smem:$0x3FAF];
	_ =	sdelay $0x3  }
0x37: {  	[smem:$0x3FAF] =	sst s10  }
0x38: {  	s10 =	sld [smem:$0x3FB0]  }
0x39: {  	_ = 	snop;
	(pc) =	sbr.ind lr, $3  }
0x3a: {  	_ = 	snop  }
0x3b: {  	_ = 	snop  }
0x3c: {  	p2 =	seq.s32 s10, $0x1;
	s10 =	sld [smem:$0x3FAF]  }
0x3d: {  	_ =	shalt  }
0x3e: {  	_ =	shalt  }
0x3f: {  	_ =	shalt  }
0x40: {  	_ =	shalt  }
0x41: {  	_ =	shalt  }
0x42: {  	_ =	shalt  }
0x43: {  	_ =	shalt  }
0x44: {  	_ =	shalt  }
0x45: {  	_ =	shalt  }
0x46: {  	_ =	shalt  }
0x47: {  	_ =	shalt  }
0x48: {  	_ =	shalt  }
0x49: {  	_ =	shalt  }
0x4a: {  	_ =	shalt  }
0x4b: {  	_ =	shalt  }
0x4c: {  	_ =	shalt  }
0x4d: {  	_ =	shalt  }
0x4e: {  	_ =	shalt  }
0x4f: {  	_ =	shalt  }
0x50: {  	_ =	shalt  }
0x51: {  	_ =	shalt  }
0x52: {  	_ =	shalt  }
0x53: {  	_ =	shalt  }
0x54: {  	_ =	shalt  }
0x55: {  	_ =	shalt  }
0x56: {  	_ =	shalt  }
0x57: {  	_ =	shalt  }
0x58: {  	_ =	shalt  }
0x59: {  	_ =	shalt  }
0x5a: {  	_ =	shalt  }
0x5b: {  	_ =	shalt  }
0x5c: {  	_ =	shalt  }
0x5d: {  	_ =	shalt  }
0x5e: {  	_ =	shalt  }
0x5f: {  	_ =	shalt  }
0x60: {  	_ =	shalt  }
0x61: {  	_ =	shalt  }
0x62: {  	_ =	shalt  }
0x63: {  	_ =	shalt  }
0x64: {  	_ =	shalt  }
0x65: {  	_ =	shalt  }
0x66: {  	_ =	shalt  }
0x67: {  	_ =	shalt  }
0x68: {  	_ =	shalt  }
0x69: {  	_ =	shalt  }
0x6a: {  	_ =	shalt  }
0x6b: {  	_ =	shalt  }
0x6c: {  	_ =	shalt  }
0x6d: {  	_ =	shalt  }
0x6e: {  	_ =	shalt  }
0x6f: {  	_ =	shalt  }
0x70: {  	_ =	shalt  }
0x71: {  	_ =	shalt  }
0x72: {  	_ =	shalt  }
0x73: {  	_ =	shalt  }
0x74: {  	_ =	shalt  }
0x75: {  	_ =	shalt  }
0x76: {  	_ =	shalt  }
0x77: {  	_ =	shalt  }
0x78: {  	_ =	shalt  }
0x79: {  	_ =	shalt  }
0x7a: {  	_ =	shalt  }
0x7b: {  	_ =	shalt  }
0x7c: {  	_ =	shalt  }
0x7d: {  	_ =	shalt  }
0x7e: {  	_ =	shalt  }
0x7f: {  	_ =	shalt  }
0x80: {  	_ =	shalt  }
0x81: {  	_ =	shalt  }
0x82: {  	_ =	shalt  }
0x83: {  	_ =	shalt  }
0x84: {  	_ =	shalt  }
0x85: {  	_ =	shalt  }
0x86: {  	_ =	shalt  }
0x87: {  	_ =	shalt  }
.Lfunc_end0:
.L_simem_size_0:
called_computation.2_lowered:
.L_overlay_start_0:
0x88: {  	s2 =	sld [smem:$0x3FD9]  }
0x89: {  	s3 =	sld [smem:$0x3FFE];
	_ =	sdelay $0x1  }
0x8a: {  	s1 =	srdreg.scid  }
0x8b: {  	s0 =	sand.u32 $0x1, s1  }
0x8c: {  	s16 =	sshll.u32 s0, $0xA;
	s2 =	sadd.s32 s3, s2  }
0x8d: {  	s2 =	sadd.s32 s2, s16  }
0x8e: {  	[smem:$0x3FBB] =	sst s2  }
0x8f: {  	_ = 	snop  }
0x90: {  	(tm) =	ssettm $0x1  }
0x91: {  	s17 =	sld [smem:$0x3FFB];
	_ =	sdelay $0x3  }
0x92: {  	_ =	strace s17  }
0x93: {  	s2 =	sld [smem:$0x3FFC];
	_ =	sdelay $0x3  }
0x94: {  	_ =	strace s2  }
0x95: {  	s2 =	sld [smem:$0x3FFD];
	_ =	sdelay $0x3  }
0x96: {  	_ =	strace s2  }
0x97: {  	_ =	strace $0x8FFFFFFF  }
0x98: {  	s18 =	sld [smem:$0x3FDB];
	_ =	sdelay $0x1  }
0x99: {  	s19 =	simm.s32 $_scs_section_size  }
0x9a: {  	s4 =	simm.s32 $_size__tile_overlayer_lowered;
	s5 =	simm.s32 $_tile_overlayer_lowered  }
0x9b: {  	s22 =	simm.s32 $0x1BFF;
	s21 =	sshll.u32 s5, $0x1;
	s2 =	sadd.s32 s19, s18  }
0x9c: {  	s6 =	simm.s32 $0x0;
	s20 =	sshll.u32 s4, $0x1;
	s4 =	sadd.s32 s21, s2  }
0x9d: {  	[timem:s6], [sflag:s22] =	dma.local [hbm:s4], s20  }
0x9e: {  	_ =	swait.ge [sflag:s22], s20  }
0x9f: {  	s3 =	ssub.s32 $0x0, s20;
	[sflag:s22] =	ssyncset.done $0x0  }
0xa0: {  	[sflag:s22] =	ssyncadd.s32 s3;
	_ =	sdelay $0x1  }
0xa1: {  	s23 =	simm.s32 $0x1B8B  }
0xa2: {  	_ =	swait.ge [sflag:s23], $0x1  }
0xa3: {  	[sflag:s23] =	ssyncset.done $0x0  }
0xa4: {  	s25 =	simm.s32 $0x1B8E;
	s24 =	sld [smem:$0x3FFE];
	[sflag:s23] =	ssyncadd.s32 $0xFFFFFFFF  }
0xa5: {  	s26 =	simm.s32 $execute0_lowered;
	[smem:$0x3FD2] =	sst s25  }
0xa6: {  	s4 =	sshll.u32 s26, $0x1;
	_ =	strace $0x8000004C;
	[dreg:$0x1] =	wrdreg $0xFFFFFFFF  }
0xa7: {  	s28 =	simm.s32 $_size_execute0_lowered;
	s2 =	sadd.s32 s2, s4;
	[dreg:$0x0] =	wrdreg $0x0  }
0xa8: {  	s4 =	sshll.u32 s28, $0x1;
	[dreg:$0x2] =	wrdreg s2  }
0xa9: {  	[dreg:$0x3] =	wrdreg s4  }
0xaa: {  	[dreg:$0x4] =	wrdreg $0xC0  }
0xab: {  	_ =	task [dreg:s6], $0x5FFFF  }
0xac: {  	[dreg:$0x1] =	wrdreg $0xFFFFFFFF  }
0xad: {  	[dreg:$0x0] =	wrdreg $0x60  }
0xae: {  	[dreg:$0x2] =	wrdreg s24  }
0xaf: {  	[dreg:$0x3] =	wrdreg $0x85000  }
0xb0: {  	[dreg:$0x4] =	wrdreg $0x9  }
0xb1: {  	_ =	task.clear_ibuf [dreg:s6], $0x5FFFF;
	_ =	strace $0x9000004C  }
0xb2: {  	s29 =	simm.s32 $0x9;
	_ =	strace $0x8000004E  }
0xb3: {  	_ =	swait.ge [sflag:s29], $0x1  }
0xb4: {  	[sflag:s29] =	ssyncadd.s32 $0xFFFFFFFF  }
0xb5: {  	_ =	strace $0x9000004E  }
0xb6: {  	_ =	sfence  }
0xb7: {  	s30 =	sld [smem:$0x0];
	_ =	sdelay $0x2  }
0xb8: {  	s31 =	sshll.u32 s1, $0xD;
	s1 =	sshrl.u32 s1, $0x2  }
0xb9: {  	s3 =	sand.u32 $0x4000, s31;
	s1 =	sadd.s32 s1, s30  }
0xba: {  	s0 =	sor.u32 s3, s0;
	s1 =	sshll.u32 s1, $0x11  }
0xbb: {  	s0 =	sor.u32 s1, s0  }
0xbc: {  	s0 =	sadd.s32 $0x8F2B, s0  }
0xbd: {  	[sflag:s0] =	ssyncadd.remote.s32 $0x1  }
0xbe: {  	_ =	sfence.sel $0xFFFF  }
0xbf: {  	[dreg:$0x0] =	wrdreg $0xFFFFFFFF;
	(pc) =	sbr.abs _section_cstart, $3  }
0xc0: {  	[dreg:$0x1] =	wrdreg $0xFFFFFFFF  }
0xc1: {  	_ =	task.clear_ibuf [dreg:s6], $0x2FFFF;
	_ =	strace $0x9FFFFFFF  }
0xc2: {  	(tm) =	ssettm $0x7FFFFFFF  }
0xc3: {  	_ =	shalt  }
tec
execute0_lowered:
.L_overlay_start_1:
0x0: {  	(tag) =	ssettag $0x1  }
0x1: {  	s5 =	rddreg [dreg:$0x0]  }
0x2: {  	s2 =	rddreg [dreg:$0x1]  }
0x3: {  	s0 =	rddreg [dreg:$0x2];
	s1 =	stileid.u32  }
0x4: {  	s4 =	srdreg.scid;
	s3 =	simm.s32 $0x0;
	s6 =	smul.u32 $0x13C00, s1  }
0x5: {  	s15 =	simm.s32 $0x4500;
	s16 =	simm.s32 $0x1;
	s26 =	smul.u32 $0x4F000, s1  }
0x6: {  	s17 =	simm.s32 $0x4480;
	s11 =	sand.u32 $0x1, s4;
	s13 =	smul.u32 $0xC00, s1  }
0x7: {  	[smem:$0x7FF] =	sst s3;
	s4 =	sadd.s32 $0xCA00, s5;
	s31 =	smul.u32 $0x880, s1  }
0x8: {  	s8 =	sadd.s32 $0x2A00, s5;
	s29 =	sshll.u32 s1, $0x6;
	s7 =	smul.u32 $0x13C000, s11  }
0x9: {  	_ =	strace $0x8000004D;
	s10 =	ssub.s32 $0x2, s11;
	p0 =	sne.s32 s11, $0x0  }
0xa: {  	s9 =	sshrl.u32 s6, $0x3;
	s12 =	sshrl.u32 s10, $0x1;
	s30 =	sshrl.u32 s13, $0x3  }
0xb: {  	s13 =	simm.s32 $0x80;
	s6 =	sadd.s32 s6, s7;
	s9 =	sadd.s32 s9, s5  }
0xc: {  	s7 =	sshrl.u32 s26, $0x2;
	s10 =	ssub.s32 s10, s12;
	s12 =	simm.s32 $0x2  }
0xd: {  	s6 =	sshrl.u32 s6, $0x3;
	s28 =	sadd.s32 s7, s2;
	s7 =	sadd.s32 s8, s30  }
0xe: {  	s8 =	sadd.s32 s8, s31;
	s10 =	smax.u32 s10, $0x1;
	s14 =	sadd.s32 s6, s5  }
0xf: {  	s5 =	sadd.s32 $0x34200, s9;
	s6 =	sor.u32 $0x1C02, s29;
	s7 =	sadd.s32 $0x8800, s7  }
0x10: {  	s11 =	sshrl.u32 s28, $0x3;
	s9 =	sadd.s32 $0x5BA00, s14;
	s14 =	simm.s32 $0x4400  }
.LBB2_1:
0x11: {  	[spmem:s11], [sflag:s6] =	dma.local [hbm:s5], $0x2780  }
0x12: {  	_ =	swait.ge [sflag:s12], $0x2780  }
0x13: {  	[sflag:s12] =	ssyncset.done $0x0  }
0x14: {  	s18 =	simm.s32 @p0 $0x0;
	[sflag:s12] =	ssyncadd.s32 $0xFFFFD880  }
0x15: {  	[tilespmem:s18], [sflag:$0x2] =	stream.linear.gather @p0 [hbm4b:s7+s18], $0xC00, $0x38;
	[tilespmem:$0x1C100] =	vst v63  }
0x16: {  	s18 =	simm.s32 @p0 $0x2  }
0x17: {  	_ =	swait.ge @p0 [sflag:s18], $0xC00  }
0x18: {  	[sflag:s18] =	ssyncset.done @p0 $0x0  }
0x19: {  	[sflag:s18] =	ssyncadd.s32 @p0 $0xFFFFF400;
	s18 =	simm.s32 @!p0 $0x0  }
0x1a: {  	[tilespmem:s18], [sflag:$0x2] =	stream.linear.gather @!p0 [hbm4b:s8+s18], $0x4400, $0x38;
	[tilespmem:$0x1C100] =	vst v63  }
0x1b: {  	s18 =	simm.s32 @!p0 $0x2  }
0x1c: {  	_ =	swait.ge @!p0 [sflag:s18], $0x4400  }
0x1d: {  	[sflag:s18] =	ssyncset.done @!p0 $0x0  }
0x1e: {  	[sflag:s18] =	ssyncadd.s32 @!p0 $0xFFFFBC00  }
0x1f: {  	s18 =	simm.s32 $0x40;
	[bflag:$0x0] =	sbarrier.arrive $0xFFFF  }
0x20: {  	v0 =	vld [tilespmem:s18+$0xFFFFFFC0];
	_ =	sdelay $0x4  }
0x21: {  	v1 =	vand.u32 $0x3FFF, v0  }
0x22: {  	v0 =	vshra.s32 v0, $0xE;
	[tilespmem:$0x4400] =	vst v1  }
0x23: {  	[tilespmem:$0x4480] =	vst v0  }
0x24: {  	v0 =	vld [tilespmem:s18+$0xFFFFFFD0];
	_ =	sdelay $0x4  }
0x25: {  	v1 =	vand.u32 $0x3FFF, v0  }
0x26: {  	v0 =	vshra.s32 v0, $0xE;
	[tilespmem:$0x4410] =	vst v1  }
0x27: {  	[tilespmem:$0x4490] =	vst v0  }
0x28: {  	v0 =	vld [tilespmem:s18+$0xFFFFFFE0];
	_ =	sdelay $0x4  }
0x29: {  	v1 =	vand.u32 $0x3FFF, v0  }
0x2a: {  	v0 =	vshra.s32 v0, $0xE;
	[tilespmem:$0x4420] =	vst v1  }
0x2b: {  	[tilespmem:$0x44A0] =	vst v0  }
0x2c: {  	v0 =	vld [tilespmem:s18+$0xFFFFFFF0];
	_ =	sdelay $0x4  }
0x2d: {  	v1 =	vand.u32 $0x3FFF, v0  }
0x2e: {  	v0 =	vshra.s32 v0, $0xE;
	[tilespmem:$0x4430] =	vst v1  }
0x2f: {  	[tilespmem:$0x44B0] =	vst v0  }
0x30: {  	v0 =	vld [tilespmem:s18+$0x0];
	_ =	sdelay $0x4  }
0x31: {  	v1 =	vand.u32 $0x3FFF, v0  }
0x32: {  	v0 =	vshra.s32 v0, $0xE;
	[tilespmem:$0x4440] =	vst v1  }
0x33: {  	[tilespmem:$0x44C0] =	vst v0  }
0x34: {  	v0 =	vld [tilespmem:s18+$0x10];
	_ =	sdelay $0x4  }
0x35: {  	v1 =	vand.u32 $0x3FFF, v0  }
0x36: {  	v0 =	vshra.s32 v0, $0xE;
	[tilespmem:$0x4450] =	vst v1  }
0x37: {  	[tilespmem:$0x44D0] =	vst v0  }
0x38: {  	v0 =	vld [tilespmem:s18+$0x20];
	_ =	sdelay $0x4  }
0x39: {  	v1 =	vand.u32 $0x3FFF, v0  }
0x3a: {  	v0 =	vshra.s32 v0, $0xE;
	[tilespmem:$0x4460] =	vst v1  }
0x3b: {  	s19 =	simm.s32 @!p0 $0x88;
	[tilespmem:$0x44E0] =	vst v0  }
0x3c: {  	s19 =	simm.s32 @p0 $0x18;
	v0 =	vld [tilespmem:s18+$0x30]  }
0x3d: {  	p1 =	sne.s32 s19, $0x1  }
.Ltmp0:
0x3e: {  	_ = 	snop;
	(pc) =	sbr.rel @!p1 .LBB2_3-.Ltmp0, $3  }
0x3f: {  	_ =	sdelay $0x1  }
0x40: {  	v1 =	vand.u32 $0x3FFF, v0  }
0x41: {  	s19 =	sadd.s32 $0xFFFFFFFF, s19;
	v0 =	vshra.s32 v0, $0xE;
	[tilespmem:$0x4470] =	vst v1  }
.LBB2_2:
0x42: {  	p1 =	sne.s32 s19, $0x1;
	s19 =	sadd.s32 $0xFFFFFFFF, s19;
	[tilespmem:$0x44F0] =	vst v0;
	s18 =	sadd.s32 $0x80, s18  }
0x43: {  	[tilespmem:s15], [sflag:$0x1] =	stream.indirect.gather [hbm4b:s4+s13], $0x80, s14, s13, $0xb8;
	[tilespmem:$0x1C100] =	vst v63  }
0x44: {  	_ =	swait.ge [sflag:s16], $0x4000  }
0x45: {  	[sflag:s16] =	ssyncset.done $0x0  }
0x46: {  	[sflag:s16] =	ssyncadd.s32 $0xFFFFC000  }
0x47: {  	[spmem:s2] =	stream.indirect.scatter.add.f32 [tilespmem:s15], [sflag:$0x2], $0x80, s17, s13, $0xb8;
	[tilespmem:$0x1C100] =	vst v63  }
0x48: {  	_ =	swait.ge [sflag:s12], $0x4000  }
0x49: {  	[sflag:s12] =	ssyncset.done $0x0  }
0x4a: {  	[sflag:s12] =	ssyncadd.s32 $0xFFFFC000  }
0x4b: {  	v0 =	vld [tilespmem:s18+$0xFFFFFFC0];
	_ =	sdelay $0x4  }
0x4c: {  	v1 =	vand.u32 $0x3FFF, v0;
	v0 =	vshra.s32 v0, $0xE  }
0x4d: {  	[tilespmem:$0x4400] =	vst v1  }
0x4e: {  	[tilespmem:$0x4480] =	vst v0  }
0x4f: {  	v0 =	vld [tilespmem:s18+$0xFFFFFFD0];
	_ =	sdelay $0x4  }
0x50: {  	v1 =	vand.u32 $0x3FFF, v0;
	v0 =	vshra.s32 v0, $0xE  }
0x51: {  	[tilespmem:$0x4410] =	vst v1  }
0x52: {  	[tilespmem:$0x4490] =	vst v0  }
0x53: {  	v0 =	vld [tilespmem:s18+$0xFFFFFFE0];
	_ =	sdelay $0x4  }
0x54: {  	v1 =	vand.u32 $0x3FFF, v0;
	v0 =	vshra.s32 v0, $0xE  }
0x55: {  	[tilespmem:$0x4420] =	vst v1  }
0x56: {  	[tilespmem:$0x44A0] =	vst v0  }
0x57: {  	v0 =	vld [tilespmem:s18+$0xFFFFFFF0];
	_ =	sdelay $0x4  }
0x58: {  	v1 =	vand.u32 $0x3FFF, v0;
	v0 =	vshra.s32 v0, $0xE  }
0x59: {  	[tilespmem:$0x4430] =	vst v1  }
0x5a: {  	[tilespmem:$0x44B0] =	vst v0  }
0x5b: {  	v0 =	vld [tilespmem:s18+$0x0];
	_ =	sdelay $0x4  }
0x5c: {  	v1 =	vand.u32 $0x3FFF, v0;
	v0 =	vshra.s32 v0, $0xE  }
0x5d: {  	[tilespmem:$0x4440] =	vst v1  }
0x5e: {  	[tilespmem:$0x44C0] =	vst v0  }
0x5f: {  	v0 =	vld [tilespmem:s18+$0x10];
	_ =	sdelay $0x4  }
0x60: {  	v1 =	vand.u32 $0x3FFF, v0;
	v0 =	vshra.s32 v0, $0xE  }
0x61: {  	[tilespmem:$0x4450] =	vst v1  }
0x62: {  	[tilespmem:$0x44D0] =	vst v0  }
0x63: {  	v0 =	vld [tilespmem:s18+$0x20];
	_ =	sdelay $0x4  }
0x64: {  	v1 =	vand.u32 $0x3FFF, v0;
	v0 =	vshra.s32 v0, $0xE  }
0x65: {  	[tilespmem:$0x4460] =	vst v1  }
0x66: {  	[tilespmem:$0x44E0] =	vst v0  }
0x67: {  	v0 =	vld [tilespmem:s18+$0x30];
	_ =	sdelay $0x1  }
.Ltmp1:
0x68: {  	(pc) =	sbr.rel @p1 .LBB2_2-.Ltmp1, $3  }
0x69: {  	_ =	sdelay $0x1  }
0x6a: {  	v1 =	vand.u32 $0x3FFF, v0;
	v0 =	vshra.s32 v0, $0xE  }
0x6b: {  	[tilespmem:$0x4470] =	vst v1  }
.LBB2_3:
0x6c: {  	[tilespmem:$0x44F0] =	vst v0  }
0x6d: {  	[tilespmem:s15], [sflag:$0x1] =	stream.indirect.gather [hbm4b:s4+s13], $0x80, s14, s13, $0xb8;
	[tilespmem:$0x1C100] =	vst v63  }
0x6e: {  	_ =	swait.ge [sflag:s16], $0x4000  }
0x6f: {  	[sflag:s16] =	ssyncset.done $0x0  }
0x70: {  	[sflag:s16] =	ssyncadd.s32 $0xFFFFC000  }
0x71: {  	[spmem:s2] =	stream.indirect.scatter.add.f32 [tilespmem:s15], [sflag:$0x2], $0x80, s17, s13, $0xb8;
	[tilespmem:$0x1C100] =	vst v63  }
0x72: {  	_ =	swait.ge [sflag:s12], $0x4000  }
0x73: {  	s3 =	sadd.s32 $0x1, s3;
	[sflag:s12] =	ssyncset.done $0x0  }
0x74: {  	p1 =	sne.s32 s3, s10;
	[sflag:s12] =	ssyncadd.s32 $0xFFFFC000  }
.Ltmp2:
0x75: {  	[bflag:$0x0] =	sbarrier.arrive $0xFFFF;
	(pc) =	sbr.rel @p1 .LBB2_1-.Ltmp2, $4  }
0x76: {  	[hbm:s9], [sflag:s6] =	dma.local [spmem:s11], $0x2780  }
0x77: {  	_ =	swait.ge [sflag:s12], $0x2780  }
0x78: {  	[sflag:s12] =	ssyncset.done $0x0  }
0x79: {  	[sflag:s12] =	ssyncadd.s32 $0xFFFFD880  }
0x7a: {  	_ =	sfence.sel $0x180000  }
0x7b: {  	[bflag:$0x0] =	sbarrier.arrive $0xFFFF  }
0x7c: {  	p0 =	sne.s32 s1, $0x0;
	_ =	strace $0x9000004D  }
0x7d: {  	s0 =	sadd.s32 @!p0 $0x100000, s0;
	[bflag:$0x2] =	sbarrier.arrive $0xFFFF  }
0x7e: {  	[sflag:s0] =	ssyncadd.tile.s32 @!p0 $0x1;
	_ =	shalt  }
.Lfunc_end2:
_tile_overlayer_lowered:
.L_overlay_start_2:
0x7f: {  	(tag) =	ssettag $0x2  }
0x80: {  	s0 =	rddreg [dreg:$0x0];
	s2 =	stileid.u32  }
0x81: {  	s1 =	rddreg [dreg:$0x1];
	p0 =	sne.s32 s2, $0x0  }
0x82: {  	s3 =	rddreg [dreg:$0x2];
	[bflag:$0x3] =	sbarrier.arrive $0xFFFF;
	s2 =	simm.s32 @!p0 $0x1C02  }
0x83: {  	[timem:s3], [sflag:s2] =	dma.local @!p0 [hbm:s0], s1  }
0x84: {  	s0 =	simm.s32 @!p0 $0x2  }
0x85: {  	_ =	swait.ge @!p0 [sflag:s0], s1  }
0x86: {  	s1 =	ssub.s32 @!p0 $0x0, s1;
	[sflag:s0] =	ssyncset.done @!p0 $0x0  }
0x87: {  	[sflag:s0] =	ssyncadd.s32 @!p0 s1  }
0x88: {  	[bflag:$0x3] =	sbarrier.arrive $0xFFFF  }
0x89: {  	_ =	shalt  }

</sc_bundles>
